<compile_context>
chip_gen: v7x
topology: tpu7x:2x2x1
jax: 0.10.2.dev20260603
libtpu: 0.0.44.dev20260713+nightly
codegen_flags: <defaults>
</compile_context>

<pallas_src>
import jax
import jax.numpy as jnp
from jax import lax
from jax.experimental import pallas as pl
from jax.experimental.pallas import tpu as pltpu
from jax.experimental.pallas import tpu_sc as plsc

N = 10000
D = 128
E = 320000
E_SELF = E + N
NC, NS, L = 2, 16, 16
NW = NC * NS
C = 64
CH = 162
EPW = C * CH
E_PAD = EPW * NW
E_ARR = E_PAD + C
N_ACC = 10112
RPT = N_ACC // NS
_ROW_SPLITS = (64, 64, 64, 64, 64, 64, 64, 64, 64, 56)


def _edge_body(xl_hbm, xr_hbm, att_hbm, src_hbm, dst_hbm, out_hbm, den_hbm,
               src0, src1, dst0, dst1, xl0, xl1, xr0, xr1, attbuf, denom_v,
               wbuf, acc, sl0, sl1, sr0, sr1):
    cid = lax.axis_index("c")
    sid = lax.axis_index("s")
    wid = sid * NC + cid
    srcs, dsts = (src0, src1), (dst0, dst1)
    xls, xrs = (xl0, xl1), (xr0, xr1)
    sls, srs = (sl0, sl1), (sr0, sr1)

    zeros16 = jnp.zeros((L,), jnp.float32)

    def zbody(i, _):
        for j in range(D // L):
            xl0[i, pl.ds(j * L, L)] = zeros16
        return 0

    lax.fori_loop(0, C, zbody, 0)

    def zdbody(i, _):
        denom_v[pl.ds(i * L, L)] = zeros16
        return 0

    lax.fori_loop(0, N_ACC // L, zdbody, 0)

    r0 = sid * RPT
    off = 0
    for nrow in _ROW_SPLITS:
        pltpu.sync_copy(xl0.at[pl.ds(0, nrow), :],
                        acc.at[pl.ds(r0 + off, nrow), :])
        off += nrow

    pltpu.sync_copy(att_hbm, attbuf)
    plsc.subcore_barrier()

    att_js = [attbuf[pl.ds(j * L, L)] for j in range(D // L)]
    lane0 = lax.iota(jnp.int32, L) == 0
    ebase = wid * EPW

    def issue(g, b):
        base = ebase + g * C
        pltpu.sync_copy(src_hbm.at[pl.ds(base, C)], srcs[b])
        pltpu.sync_copy(dst_hbm.at[pl.ds(base, C)], dsts[b])
        pltpu.async_copy(xl_hbm.at[srcs[b]], xls[b], sls[b])
        pltpu.async_copy(xr_hbm.at[dsts[b]], xrs[b], srs[b])

    def compute(g, b):
        pltpu.make_async_copy(xl_hbm.at[srcs[b]], xls[b], sls[b]).wait()
        pltpu.make_async_copy(xr_hbm.at[dsts[b]], xrs[b], srs[b]).wait()
        xlbuf, xrbuf, dst_v = xls[b], xrs[b], dsts[b]
        base = ebase + g * C

        @plsc.parallel_loop(0, C, step=1, unroll=4)
        def edge_body(e):
            avs = []
            s = jnp.zeros((L,), jnp.float32)
            for j in range(D // L):
                a = xlbuf[e, pl.ds(j * L, L)]
                b_ = xrbuf[e, pl.ds(j * L, L)]
                avs.append(a)
                t = a + b_
                t = jnp.maximum(t, 0.2 * t)
                s = s + t * att_js[j]
            alpha = jnp.sum(s)
            gate = jnp.where(base + e < E_SELF, 1.0, 0.0)
            wv = jnp.exp(jnp.broadcast_to(alpha, (L,)))
            wv = wv * jnp.broadcast_to(gate, (L,))
            for j in range(D // L):
                xlbuf[e, pl.ds(j * L, L)] = avs[j] * wv
            plsc.store_scatter(wbuf, [jnp.broadcast_to(e, (L,))], wv,
                               mask=lane0)

        def den_body(k, _):
            w16 = wbuf[pl.ds(k * L, L)]
            d16 = dst_v[pl.ds(k * L, L)]
            plsc.addupdate_scatter(denom_v, [d16], w16)
            return 0

        lax.fori_loop(0, C // L, den_body, 0, unroll=3)

        pltpu.sync_copy(xlbuf, acc.at[dst_v], add=True)

    issue(0, 0)

    def pair_body(g2, _):
        g = 2 * g2
        issue(g + 1, 1)
        compute(g, 0)
        issue(g + 2, 0)
        compute(g + 1, 1)
        return 0

    lax.fori_loop(0, CH // 2, pair_body, 0)

    pltpu.make_async_copy(xl_hbm.at[src0], xl0, sl0).wait()
    pltpu.make_async_copy(xr_hbm.at[dst0], xr0, sr0).wait()

    pltpu.sync_copy(denom_v, den_hbm.at[cid, sid, :])
    plsc.subcore_barrier()
    off = 0
    for nrow in _ROW_SPLITS:
        pltpu.sync_copy(acc.at[pl.ds(r0 + off, nrow), :],
                        out_hbm.at[cid, pl.ds(r0 + off, nrow), :])
        off += nrow


_edge_call = pl.kernel(
    _edge_body,
    out_type=(jax.ShapeDtypeStruct((NC, N_ACC, D), jnp.float32),
              jax.ShapeDtypeStruct((NC, NS, N_ACC), jnp.float32)),
    mesh=plsc.VectorSubcoreMesh(core_axis_name="c", subcore_axis_name="s",
                                num_cores=NC, num_subcores=NS),
    compiler_params=pltpu.CompilerParams(needs_layout_passes=False),
    scratch_types=[
        pltpu.VMEM((C,), jnp.int32),
        pltpu.VMEM((C,), jnp.int32),
        pltpu.VMEM((C,), jnp.int32),
        pltpu.VMEM((C,), jnp.int32),
        pltpu.VMEM((C, D), jnp.float32),
        pltpu.VMEM((C, D), jnp.float32),
        pltpu.VMEM((C, D), jnp.float32),
        pltpu.VMEM((C, D), jnp.float32),
        pltpu.VMEM((D,), jnp.float32),
        pltpu.VMEM((N_ACC,), jnp.float32),
        pltpu.VMEM((C,), jnp.float32),
        pltpu.VMEM_SHARED((N_ACC, D), jnp.float32),
        pltpu.SemaphoreType.DMA,
        pltpu.SemaphoreType.DMA,
        pltpu.SemaphoreType.DMA,
        pltpu.SemaphoreType.DMA,
    ],
)


BM = 1000


def _mm_body(x_ref, wl_ref, wr_ref, wres_ref, b_ref, xl_ref, xr_ref, res_ref):
    xb = x_ref[...]
    xl_ref[...] = jnp.dot(xb, wl_ref[...], preferred_element_type=jnp.float32)
    xr_ref[...] = jnp.dot(xb, wr_ref[...], preferred_element_type=jnp.float32)
    res_ref[...] = (jnp.dot(xb, wres_ref[...], preferred_element_type=jnp.float32)
                    + b_ref[...])


_mm_call = pl.pallas_call(
    _mm_body,
    grid=(N // BM,),
    in_specs=[
        pl.BlockSpec((BM, D), lambda i: (i, 0)),
        pl.BlockSpec((D, D), lambda i: (0, 0)),
        pl.BlockSpec((D, D), lambda i: (0, 0)),
        pl.BlockSpec((D, D), lambda i: (0, 0)),
        pl.BlockSpec((1, D), lambda i: (0, 0)),
    ],
    out_specs=[
        pl.BlockSpec((BM, D), lambda i: (i, 0)),
        pl.BlockSpec((BM, D), lambda i: (i, 0)),
        pl.BlockSpec((BM, D), lambda i: (i, 0)),
    ],
    out_shape=[jax.ShapeDtypeStruct((N, D), jnp.float32)] * 3,
)


def _fin_body(acc_ref, den_ref, res_ref, o_ref):
    num = acc_ref[0] + acc_ref[1]
    den = jnp.sum(den_ref[...], axis=(0, 1))[:, None] + 1e-16
    o_ref[...] = jnp.maximum(num / den + res_ref[...], 0.0)


BF = 128

_fin_call = pl.pallas_call(
    _fin_body,
    grid=(N_ACC // BF,),
    in_specs=[
        pl.BlockSpec((NC, BF, D), lambda i: (0, i, 0)),
        pl.BlockSpec((NC, NS, BF), lambda i: (0, 0, i)),
        pl.BlockSpec((BF, D), lambda i: (i, 0)),
    ],
    out_specs=pl.BlockSpec((BF, D), lambda i: (i, 0)),
    out_shape=jax.ShapeDtypeStruct((N, D), jnp.float32),
)


def kernel(x, edge_index, W_l, W_r, att, W_res, bias):
    x = x.astype(jnp.float32)
    src = edge_index[0].astype(jnp.int32)
    dst = edge_index[1].astype(jnp.int32)
    loop = jnp.arange(N, dtype=jnp.int32)
    pad = jnp.zeros((E_ARR - E_SELF,), jnp.int32)
    srcp = jnp.concatenate([src, loop, pad])
    dstp = jnp.concatenate([dst, loop, pad])
    xl, xr, res = _mm_call(x, W_l.T, W_r.T, W_res.T, bias.reshape(1, D))
    accs, dens = _edge_call(xl, xr, att.astype(jnp.float32), srcp, dstp)
    return _fin_call(accs, dens, res)

# --- scband reference (transcript-rebuilt; emitter-appended) ---
"""Pipeline reference for scband-gatnet-38079180046797 (READ-ONLY COPY).

The authoritative reference and input builder live on the scoring server;
editing this copy changes nothing except your own understanding.
"""

import jax, jax.numpy as jnp
import numpy as np

N_NODES = 10000
D = 128
N_EDGES = 320000

def setup_inputs(seed: int = 0) -> dict:
    key = jax.random.key(seed)
    ks = jax.random.split(key, 8)
    x = jax.random.normal(ks[0], (N_NODES, D), dtype=jnp.float32)
    edge_index = jax.random.randint(ks[1], (2, N_EDGES), 0, N_NODES, dtype=jnp.int64 if jax.config.jax_enable_x64 else jnp.int32)
    s = 1.0 / np.sqrt(D)
    W_l = jax.random.uniform(ks[2], (D, D), dtype=jnp.float32, minval=-s, maxval=s)
    W_r = jax.random.uniform(ks[3], (D, D), dtype=jnp.float32, minval=-s, maxval=s)
    att = jax.random.uniform(ks[4], (D,), dtype=jnp.float32, minval=-s, maxval=s)
    W_res = jax.random.uniform(ks[5], (D, D), dtype=jnp.float32, minval=-s, maxval=s)
    bias = jnp.zeros((D,), dtype=jnp.float32)
    return {"x": x, "edge_index": edge_index, "W_l": W_l, "W_r": W_r, "att": att, "W_res": W_res, "bias": bias}

def _gatv2_layer(x, src, dst, W_l, W_r, att, W_res, bias, n_nodes):
    # GATv2Conv (heads=1, concat=True, residual=True, eval mode so dropout is identity)
    # add self loops (PyG default add_self_loops=True)
    loop = jnp.arange(n_nodes, dtype=src.dtype)
    src = jnp.concatenate([src, loop])
    dst = jnp.concatenate([dst, loop])
    x_l = x @ W_l.T  # [N, D]
    x_r = x @ W_r.T  # [N, D]
    e = x_l[src] + x_r[dst]                      # gather per edge
    e = jax.nn.leaky_relu(e, negative_slope=0.2)
    alpha = e @ att                               # [E]
    a_max = jax.ops.segment_max(alpha, dst, num_segments=n_nodes)
    alpha = jnp.exp(alpha - a_max[dst])
    denom = jax.ops.segment_sum(alpha, dst, num_segments=n_nodes)
    alpha = alpha / (denom[dst] + 1e-16)
    msg = x_l[src] * alpha[:, None]
    out = jax.ops.segment_sum(msg, dst, num_segments=n_nodes)  # scatter-add
    out = out + x @ W_res.T + bias                # residual + bias
    return out

def reference(x, edge_index, W_l, W_r, att, W_res, bias):
    src = edge_index[0]
    dst = edge_index[1]
    h = _gatv2_layer(x, src, dst, W_l, W_r, att, W_res, bias, x.shape[0])
    h = jax.nn.relu(h)  # GraphNetwork applies F.relu after each GAT layer
    return h

if __name__ == "__main__":
    import jax
    _d = setup_inputs()
    print(jax.jit(kernel)(*tuple(_d.values())))

</pallas_src>

<mosaic_0001>
#map = affine_map<(d0, d1) -> (0, 0)>
#map1 = affine_map<(d0, d1) -> (0)>
#map2 = affine_map<(d0, d1) -> (0, 0, 0)>
module attributes {stable_mosaic.version = 14 : i64} {
  func.func @_edge_body(%arg0: i32, %arg1: i32, %arg2: memref<10000x128xf32, #tpu.memory_space<hbm>>, %arg3: memref<10000x128xf32, #tpu.memory_space<hbm>>, %arg4: memref<128xf32, #tpu.memory_space<hbm>>, %arg5: memref<331840xi32, #tpu.memory_space<hbm>>, %arg6: memref<331840xi32, #tpu.memory_space<hbm>>, %arg7: memref<2x10112x128xf32, #tpu.memory_space<hbm>>, %arg8: memref<2x16x10112xf32, #tpu.memory_space<hbm>>, %arg9: memref<64xi32, #tpu.memory_space<vmem>>, %arg10: memref<64xi32, #tpu.memory_space<vmem>>, %arg11: memref<64xi32, #tpu.memory_space<vmem>>, %arg12: memref<64xi32, #tpu.memory_space<vmem>>, %arg13: memref<64x128xf32, #tpu.memory_space<vmem>>, %arg14: memref<64x128xf32, #tpu.memory_space<vmem>>, %arg15: memref<64x128xf32, #tpu.memory_space<vmem>>, %arg16: memref<64x128xf32, #tpu.memory_space<vmem>>, %arg17: memref<128xf32, #tpu.memory_space<vmem>>, %arg18: memref<10112xf32, #tpu.memory_space<vmem>>, %arg19: memref<64xf32, #tpu.memory_space<vmem>>, %arg20: memref<10112x128xf32, #tpu.memory_space<vmem_shared>>, %arg21: memref<!tpu.dma_semaphore, #tpu.memory_space<semaphore_mem>>, %arg22: memref<!tpu.dma_semaphore, #tpu.memory_space<semaphore_mem>>, %arg23: memref<!tpu.dma_semaphore, #tpu.memory_space<semaphore_mem>>, %arg24: memref<!tpu.dma_semaphore, #tpu.memory_space<semaphore_mem>>) attributes {dimension_semantics = [#tpu.dimension_semantics<core_parallel>, #tpu.dimension_semantics<subcore_parallel>], iteration_bounds = array<i64: 2, 16>, scalar_prefetch = 0 : i64, scratch_operands = 16 : i64, tpu.core_type = #tpu.core_type<sc_vector_subcore>, window_params = [{transform_indices = #map}, {transform_indices = #map}, {transform_indices = #map1}, {transform_indices = #map1}, {transform_indices = #map1}, {transform_indices = #map2}, {transform_indices = #map2}]} {
    %mul3A = arith.constant 2 : i32
    %mul3A_0 = arith.muli %arg1, %mul3A : i32
    %add3A = arith.addi %mul3A_0, %arg0 : i32
    %broadcast_in_dim3A = arith.constant 0.000000e+00 : f32
    %broadcast_in_dim3A_1 = vector.broadcast %broadcast_in_dim3A : f32 to vector<16xf32>
    %scan3A = arith.constant 0 : i32
    %scan3A_2 = arith.constant 0 : i32
    %scan3A_3 = arith.constant 64 : i32
    %scan3A_4 = arith.addi %scan3A_2, %scan3A_3 : i32
    %scan3A_5 = arith.constant 1 : i32
    %scan3A_6 = scf.for %scan3A_116 = %scan3A_2 to %scan3A_4 step %scan3A_5 iter_args(%scan3A_117 = %scan3A) -> (i32)  : i32 {
      %swap3A = arith.index_cast %scan3A_116 : i32 to index
      %swap3A_118 = arith.constant 0 : index
      %swap3A_119 = tpu.vector_load %arg13[%swap3A, %swap3A_118] {strides = array<i32>} : memref<64x128xf32, #tpu.memory_space<vmem>>, vector<16xf32>,
      tpu.vector_store %arg13[%swap3A, %swap3A_118], %broadcast_in_dim3A_1 {strides = array<i32>} : memref<64x128xf32, #tpu.memory_space<vmem>>, vector<16xf32>,
      %swap3A_120 = arith.index_cast %scan3A_116 : i32 to index
      %swap3A_121 = arith.constant 16 : index
      %swap3A_122 = tpu.vector_load %arg13[%swap3A_120, %swap3A_121] {strides = array<i32>} : memref<64x128xf32, #tpu.memory_space<vmem>>, vector<16xf32>,
      tpu.vector_store %arg13[%swap3A_120, %swap3A_121], %broadcast_in_dim3A_1 {strides = array<i32>} : memref<64x128xf32, #tpu.memory_space<vmem>>, vector<16xf32>,
      %swap3A_123 = arith.index_cast %scan3A_116 : i32 to index
      %swap3A_124 = arith.constant 32 : index
      %swap3A_125 = tpu.vector_load %arg13[%swap3A_123, %swap3A_124] {strides = array<i32>} : memref<64x128xf32, #tpu.memory_space<vmem>>, vector<16xf32>,
      tpu.vector_store %arg13[%swap3A_123, %swap3A_124], %broadcast_in_dim3A_1 {strides = array<i32>} : memref<64x128xf32, #tpu.memory_space<vmem>>, vector<16xf32>,
      %swap3A_126 = arith.index_cast %scan3A_116 : i32 to index
      %swap3A_127 = arith.constant 48 : index
      %swap3A_128 = tpu.vector_load %arg13[%swap3A_126, %swap3A_127] {strides = array<i32>} : memref<64x128xf32, #tpu.memory_space<vmem>>, vector<16xf32>,
      tpu.vector_store %arg13[%swap3A_126, %swap3A_127], %broadcast_in_dim3A_1 {strides = array<i32>} : memref<64x128xf32, #tpu.memory_space<vmem>>, vector<16xf32>,
      %swap3A_129 = arith.index_cast %scan3A_116 : i32 to index
      %swap3A_130 = arith.constant 64 : index
      %swap3A_131 = tpu.vector_load %arg13[%swap3A_129, %swap3A_130] {strides = array<i32>} : memref<64x128xf32, #tpu.memory_space<vmem>>, vector<16xf32>,
      tpu.vector_store %arg13[%swap3A_129, %swap3A_130], %broadcast_in_dim3A_1 {strides = array<i32>} : memref<64x128xf32, #tpu.memory_space<vmem>>, vector<16xf32>,
      %swap3A_132 = arith.index_cast %scan3A_116 : i32 to index
      %swap3A_133 = arith.constant 80 : index
      %swap3A_134 = tpu.vector_load %arg13[%swap3A_132, %swap3A_133] {strides = array<i32>} : memref<64x128xf32, #tpu.memory_space<vmem>>, vector<16xf32>,
      tpu.vector_store %arg13[%swap3A_132, %swap3A_133], %broadcast_in_dim3A_1 {strides = array<i32>} : memref<64x128xf32, #tpu.memory_space<vmem>>, vector<16xf32>,
      %swap3A_135 = arith.index_cast %scan3A_116 : i32 to index
      %swap3A_136 = arith.constant 96 : index
      %swap3A_137 = tpu.vector_load %arg13[%swap3A_135, %swap3A_136] {strides = array<i32>} : memref<64x128xf32, #tpu.memory_space<vmem>>, vector<16xf32>,
      tpu.vector_store %arg13[%swap3A_135, %swap3A_136], %broadcast_in_dim3A_1 {strides = array<i32>} : memref<64x128xf32, #tpu.memory_space<vmem>>, vector<16xf32>,
      %swap3A_138 = arith.index_cast %scan3A_116 : i32 to index
      %swap3A_139 = arith.constant 112 : index
      %swap3A_140 = tpu.vector_load %arg13[%swap3A_138, %swap3A_139] {strides = array<i32>} : memref<64x128xf32, #tpu.memory_space<vmem>>, vector<16xf32>,
      tpu.vector_store %arg13[%swap3A_138, %swap3A_139], %broadcast_in_dim3A_1 {strides = array<i32>} : memref<64x128xf32, #tpu.memory_space<vmem>>, vector<16xf32>,
      %scan3A_141 = arith.constant 0 : i32
      scf.yield %scan3A_141 : i32
    }
    %scan3A_7 = arith.constant 64 : i32
    %scan3A_8 = arith.constant 0 : i32
    %scan3A_9 = arith.constant 0 : i32
    %scan3A_10 = arith.constant 632 : i32
    %scan3A_11 = arith.addi %scan3A_9, %scan3A_10 : i32
    %scan3A_12 = arith.constant 1 : i32
    %scan3A_13 = scf.for %scan3A_116 = %scan3A_9 to %scan3A_11 step %scan3A_12 iter_args(%scan3A_117 = %scan3A_8) -> (i32)  : i32 {
      %mul3A_118 = arith.constant 16 : i32
      %mul3A_119 = arith.muli %scan3A_116, %mul3A_118 : i32
      %swap3A = arith.index_cast %mul3A_119 : i32 to index
      %swap3A_120 = tpu.vector_load %arg18[%swap3A] {strides = array<i32>} : memref<10112xf32, #tpu.memory_space<vmem>>, vector<16xf32>,
      tpu.vector_store %arg18[%swap3A], %broadcast_in_dim3A_1 {strides = array<i32>} : memref<10112xf32, #tpu.memory_space<vmem>>, vector<16xf32>,
      %scan3A_121 = arith.constant 0 : i32
      scf.yield %scan3A_121 : i32
    }
    %scan3A_14 = arith.constant 632 : i32
    %mul3A_15 = arith.constant 632 : i32
    %mul3A_16 = arith.muli %arg1, %mul3A_15 : i32
    %add3A_17 = arith.constant 0 : i32
    %add3A_18 = arith.addi %mul3A_16, %add3A_17 : i32
    "tpu.region"() ({
      %run_scoped3A = tpu.sem_alloc : memref<!tpu.dma_semaphore, #tpu.memory_space<semaphore_mem>>
      %dma_start3A_116 = arith.constant 0 : i32
      %dma_start3A_117 = arith.constant 0 : i32
      %dma_start3A_118 = tpu.memref_slice %arg13[%dma_start3A_116, %dma_start3A_117] : memref<64x128xf32, #tpu.memory_space<vmem>> -> memref<64x128xf32, #tpu.memory_space<vmem>>
      %dma_start3A_119 = arith.constant 0 : i32
      %dma_start3A_120 = tpu.memref_slice %arg20[%add3A_18, %dma_start3A_119] : memref<10112x128xf32, #tpu.memory_space<vmem_shared>> -> memref<64x128xf32, #tpu.memory_space<vmem_shared>>
      %dma_start3A_121 = arith.constant 0 : i32
      %dma_start3A_122 = tpu.memref_slice %arg20[%add3A_18, %dma_start3A_121] : memref<10112x128xf32, #tpu.memory_space<vmem_shared>> -> memref<64x128xf32, #tpu.memory_space<vmem_shared>>
      %dma_start3A_123 = arith.constant 0 : i32
      %dma_start3A_124 = arith.constant 0 : i32
      %dma_start3A_125 = tpu.memref_slice %arg13[%dma_start3A_123, %dma_start3A_124] : memref<64x128xf32, #tpu.memory_space<vmem>> -> memref<64x128xf32, #tpu.memory_space<vmem>>
      tpu.enqueue_dma source(%dma_start3A_125 : memref<64x128xf32, #tpu.memory_space<vmem>>) target(%dma_start3A_122 : memref<64x128xf32, #tpu.memory_space<vmem_shared>>) target_semaphore(%run_scoped3A : memref<!tpu.dma_semaphore, #tpu.memory_space<semaphore_mem>>)
      %dma_wait3A_126 = arith.constant 0 : i32
      %dma_wait3A_127 = arith.constant 0 : i32
      %dma_wait3A_128 = tpu.memref_slice %arg13[%dma_wait3A_126, %dma_wait3A_127] : memref<64x128xf32, #tpu.memory_space<vmem>> -> memref<64x128xf32, #tpu.memory_space<vmem>>
      %dma_wait3A_129 = arith.constant 0 : i32
      %dma_wait3A_130 = tpu.memref_slice %arg20[%add3A_18, %dma_wait3A_129] : memref<10112x128xf32, #tpu.memory_space<vmem_shared>> -> memref<64x128xf32, #tpu.memory_space<vmem_shared>>
      %dma_wait3A_131 = arith.constant 0 : i32
      %dma_wait3A_132 = tpu.memref_slice %arg20[%add3A_18, %dma_wait3A_131] : memref<10112x128xf32, #tpu.memory_space<vmem_shared>> -> memref<64x128xf32, #tpu.memory_space<vmem_shared>>
      %dma_wait3A_133 = arith.constant 0 : i32
      %dma_wait3A_134 = arith.constant 0 : i32
      %dma_wait3A_135 = tpu.memref_slice %arg13[%dma_wait3A_133, %dma_wait3A_134] : memref<64x128xf32, #tpu.memory_space<vmem>> -> memref<64x128xf32, #tpu.memory_space<vmem>>
      tpu.wait_dma2 semaphore(%run_scoped3A : memref<!tpu.dma_semaphore, #tpu.memory_space<semaphore_mem>>) src(%dma_wait3A_135 : memref<64x128xf32, #tpu.memory_space<vmem>>) dst(%dma_wait3A_132 : memref<64x128xf32, #tpu.memory_space<vmem_shared>>)
      tpu.yield
    }) : () -> ()
    %add3A_19 = arith.constant 64 : i32
    %add3A_20 = arith.addi %mul3A_16, %add3A_19 : i32
    "tpu.region"() ({
      %run_scoped3A = tpu.sem_alloc : memref<!tpu.dma_semaphore, #tpu.memory_space<semaphore_mem>>
      %dma_start3A_116 = arith.constant 0 : i32
      %dma_start3A_117 = arith.constant 0 : i32
      %dma_start3A_118 = tpu.memref_slice %arg13[%dma_start3A_116, %dma_start3A_117] : memref<64x128xf32, #tpu.memory_space<vmem>> -> memref<64x128xf32, #tpu.memory_space<vmem>>
      %dma_start3A_119 = arith.constant 0 : i32
      %dma_start3A_120 = tpu.memref_slice %arg20[%add3A_20, %dma_start3A_119] : memref<10112x128xf32, #tpu.memory_space<vmem_shared>> -> memref<64x128xf32, #tpu.memory_space<vmem_shared>>
      %dma_start3A_121 = arith.constant 0 : i32
      %dma_start3A_122 = tpu.memref_slice %arg20[%add3A_20, %dma_start3A_121] : memref<10112x128xf32, #tpu.memory_space<vmem_shared>> -> memref<64x128xf32, #tpu.memory_space<vmem_shared>>
      %dma_start3A_123 = arith.constant 0 : i32
      %dma_start3A_124 = arith.constant 0 : i32
      %dma_start3A_125 = tpu.memref_slice %arg13[%dma_start3A_123, %dma_start3A_124] : memref<64x128xf32, #tpu.memory_space<vmem>> -> memref<64x128xf32, #tpu.memory_space<vmem>>
      tpu.enqueue_dma source(%dma_start3A_125 : memref<64x128xf32, #tpu.memory_space<vmem>>) target(%dma_start3A_122 : memref<64x128xf32, #tpu.memory_space<vmem_shared>>) target_semaphore(%run_scoped3A : memref<!tpu.dma_semaphore, #tpu.memory_space<semaphore_mem>>)
      %dma_wait3A_126 = arith.constant 0 : i32
      %dma_wait3A_127 = arith.constant 0 : i32
      %dma_wait3A_128 = tpu.memref_slice %arg13[%dma_wait3A_126, %dma_wait3A_127] : memref<64x128xf32, #tpu.memory_space<vmem>> -> memref<64x128xf32, #tpu.memory_space<vmem>>
      %dma_wait3A_129 = arith.constant 0 : i32
      %dma_wait3A_130 = tpu.memref_slice %arg20[%add3A_20, %dma_wait3A_129] : memref<10112x128xf32, #tpu.memory_space<vmem_shared>> -> memref<64x128xf32, #tpu.memory_space<vmem_shared>>
      %dma_wait3A_131 = arith.constant 0 : i32
      %dma_wait3A_132 = tpu.memref_slice %arg20[%add3A_20, %dma_wait3A_131] : memref<10112x128xf32, #tpu.memory_space<vmem_shared>> -> memref<64x128xf32, #tpu.memory_space<vmem_shared>>
      %dma_wait3A_133 = arith.constant 0 : i32
      %dma_wait3A_134 = arith.constant 0 : i32
      %dma_wait3A_135 = tpu.memref_slice %arg13[%dma_wait3A_133, %dma_wait3A_134] : memref<64x128xf32, #tpu.memory_space<vmem>> -> memref<64x128xf32, #tpu.memory_space<vmem>>
      tpu.wait_dma2 semaphore(%run_scoped3A : memref<!tpu.dma_semaphore, #tpu.memory_space<semaphore_mem>>) src(%dma_wait3A_135 : memref<64x128xf32, #tpu.memory_space<vmem>>) dst(%dma_wait3A_132 : memref<64x128xf32, #tpu.memory_space<vmem_shared>>)
      tpu.yield
    }) : () -> ()
    %add3A_21 = arith.constant 128 : i32
    %add3A_22 = arith.addi %mul3A_16, %add3A_21 : i32
    "tpu.region"() ({
      %run_scoped3A = tpu.sem_alloc : memref<!tpu.dma_semaphore, #tpu.memory_space<semaphore_mem>>
      %dma_start3A_116 = arith.constant 0 : i32
      %dma_start3A_117 = arith.constant 0 : i32
      %dma_start3A_118 = tpu.memref_slice %arg13[%dma_start3A_116, %dma_start3A_117] : memref<64x128xf32, #tpu.memory_space<vmem>> -> memref<64x128xf32, #tpu.memory_space<vmem>>
      %dma_start3A_119 = arith.constant 0 : i32
      %dma_start3A_120 = tpu.memref_slice %arg20[%add3A_22, %dma_start3A_119] : memref<10112x128xf32, #tpu.memory_space<vmem_shared>> -> memref<64x128xf32, #tpu.memory_space<vmem_shared>>
      %dma_start3A_121 = arith.constant 0 : i32
      %dma_start3A_122 = tpu.memref_slice %arg20[%add3A_22, %dma_start3A_121] : memref<10112x128xf32, #tpu.memory_space<vmem_shared>> -> memref<64x128xf32, #tpu.memory_space<vmem_shared>>
      %dma_start3A_123 = arith.constant 0 : i32
      %dma_start3A_124 = arith.constant 0 : i32
      %dma_start3A_125 = tpu.memref_slice %arg13[%dma_start3A_123, %dma_start3A_124] : memref<64x128xf32, #tpu.memory_space<vmem>> -> memref<64x128xf32, #tpu.memory_space<vmem>>
      tpu.enqueue_dma source(%dma_start3A_125 : memref<64x128xf32, #tpu.memory_space<vmem>>) target(%dma_start3A_122 : memref<64x128xf32, #tpu.memory_space<vmem_shared>>) target_semaphore(%run_scoped3A : memref<!tpu.dma_semaphore, #tpu.memory_space<semaphore_mem>>)
      %dma_wait3A_126 = arith.constant 0 : i32
      %dma_wait3A_127 = arith.constant 0 : i32
      %dma_wait3A_128 = tpu.memref_slice %arg13[%dma_wait3A_126, %dma_wait3A_127] : memref<64x128xf32, #tpu.memory_space<vmem>> -> memref<64x128xf32, #tpu.memory_space<vmem>>
      %dma_wait3A_129 = arith.constant 0 : i32
      %dma_wait3A_130 = tpu.memref_slice %arg20[%add3A_22, %dma_wait3A_129] : memref<10112x128xf32, #tpu.memory_space<vmem_shared>> -> memref<64x128xf32, #tpu.memory_space<vmem_shared>>
      %dma_wait3A_131 = arith.constant 0 : i32
      %dma_wait3A_132 = tpu.memref_slice %arg20[%add3A_22, %dma_wait3A_131] : memref<10112x128xf32, #tpu.memory_space<vmem_shared>> -> memref<64x128xf32, #tpu.memory_space<vmem_shared>>
      %dma_wait3A_133 = arith.constant 0 : i32
      %dma_wait3A_134 = arith.constant 0 : i32
      %dma_wait3A_135 = tpu.memref_slice %arg13[%dma_wait3A_133, %dma_wait3A_134] : memref<64x128xf32, #tpu.memory_space<vmem>> -> memref<64x128xf32, #tpu.memory_space<vmem>>
      tpu.wait_dma2 semaphore(%run_scoped3A : memref<!tpu.dma_semaphore, #tpu.memory_space<semaphore_mem>>) src(%dma_wait3A_135 : memref<64x128xf32, #tpu.memory_space<vmem>>) dst(%dma_wait3A_132 : memref<64x128xf32, #tpu.memory_space<vmem_shared>>)
      tpu.yield
    }) : () -> ()
    %add3A_23 = arith.constant 192 : i32
    %add3A_24 = arith.addi %mul3A_16, %add3A_23 : i32
    "tpu.region"() ({
      %run_scoped3A = tpu.sem_alloc : memref<!tpu.dma_semaphore, #tpu.memory_space<semaphore_mem>>
      %dma_start3A_116 = arith.constant 0 : i32
      %dma_start3A_117 = arith.constant 0 : i32
      %dma_start3A_118 = tpu.memref_slice %arg13[%dma_start3A_116, %dma_start3A_117] : memref<64x128xf32, #tpu.memory_space<vmem>> -> memref<64x128xf32, #tpu.memory_space<vmem>>
      %dma_start3A_119 = arith.constant 0 : i32
      %dma_start3A_120 = tpu.memref_slice %arg20[%add3A_24, %dma_start3A_119] : memref<10112x128xf32, #tpu.memory_space<vmem_shared>> -> memref<64x128xf32, #tpu.memory_space<vmem_shared>>
      %dma_start3A_121 = arith.constant 0 : i32
      %dma_start3A_122 = tpu.memref_slice %arg20[%add3A_24, %dma_start3A_121] : memref<10112x128xf32, #tpu.memory_space<vmem_shared>> -> memref<64x128xf32, #tpu.memory_space<vmem_shared>>
      %dma_start3A_123 = arith.constant 0 : i32
      %dma_start3A_124 = arith.constant 0 : i32
      %dma_start3A_125 = tpu.memref_slice %arg13[%dma_start3A_123, %dma_start3A_124] : memref<64x128xf32, #tpu.memory_space<vmem>> -> memref<64x128xf32, #tpu.memory_space<vmem>>
      tpu.enqueue_dma source(%dma_start3A_125 : memref<64x128xf32, #tpu.memory_space<vmem>>) target(%dma_start3A_122 : memref<64x128xf32, #tpu.memory_space<vmem_shared>>) target_semaphore(%run_scoped3A : memref<!tpu.dma_semaphore, #tpu.memory_space<semaphore_mem>>)
      %dma_wait3A_126 = arith.constant 0 : i32
      %dma_wait3A_127 = arith.constant 0 : i32
      %dma_wait3A_128 = tpu.memref_slice %arg13[%dma_wait3A_126, %dma_wait3A_127] : memref<64x128xf32, #tpu.memory_space<vmem>> -> memref<64x128xf32, #tpu.memory_space<vmem>>
      %dma_wait3A_129 = arith.constant 0 : i32
      %dma_wait3A_130 = tpu.memref_slice %arg20[%add3A_24, %dma_wait3A_129] : memref<10112x128xf32, #tpu.memory_space<vmem_shared>> -> memref<64x128xf32, #tpu.memory_space<vmem_shared>>
      %dma_wait3A_131 = arith.constant 0 : i32
      %dma_wait3A_132 = tpu.memref_slice %arg20[%add3A_24, %dma_wait3A_131] : memref<10112x128xf32, #tpu.memory_space<vmem_shared>> -> memref<64x128xf32, #tpu.memory_space<vmem_shared>>
      %dma_wait3A_133 = arith.constant 0 : i32
      %dma_wait3A_134 = arith.constant 0 : i32
      %dma_wait3A_135 = tpu.memref_slice %arg13[%dma_wait3A_133, %dma_wait3A_134] : memref<64x128xf32, #tpu.memory_space<vmem>> -> memref<64x128xf32, #tpu.memory_space<vmem>>
      tpu.wait_dma2 semaphore(%run_scoped3A : memref<!tpu.dma_semaphore, #tpu.memory_space<semaphore_mem>>) src(%dma_wait3A_135 : memref<64x128xf32, #tpu.memory_space<vmem>>) dst(%dma_wait3A_132 : memref<64x128xf32, #tpu.memory_space<vmem_shared>>)
      tpu.yield
    }) : () -> ()
    %add3A_25 = arith.constant 256 : i32
    %add3A_26 = arith.addi %mul3A_16, %add3A_25 : i32
    "tpu.region"() ({
      %run_scoped3A = tpu.sem_alloc : memref<!tpu.dma_semaphore, #tpu.memory_space<semaphore_mem>>
      %dma_start3A_116 = arith.constant 0 : i32
      %dma_start3A_117 = arith.constant 0 : i32
      %dma_start3A_118 = tpu.memref_slice %arg13[%dma_start3A_116, %dma_start3A_117] : memref<64x128xf32, #tpu.memory_space<vmem>> -> memref<64x128xf32, #tpu.memory_space<vmem>>
      %dma_start3A_119 = arith.constant 0 : i32
      %dma_start3A_120 = tpu.memref_slice %arg20[%add3A_26, %dma_start3A_119] : memref<10112x128xf32, #tpu.memory_space<vmem_shared>> -> memref<64x128xf32, #tpu.memory_space<vmem_shared>>
      %dma_start3A_121 = arith.constant 0 : i32
      %dma_start3A_122 = tpu.memref_slice %arg20[%add3A_26, %dma_start3A_121] : memref<10112x128xf32, #tpu.memory_space<vmem_shared>> -> memref<64x128xf32, #tpu.memory_space<vmem_shared>>
      %dma_start3A_123 = arith.constant 0 : i32
      %dma_start3A_124 = arith.constant 0 : i32
      %dma_start3A_125 = tpu.memref_slice %arg13[%dma_start3A_123, %dma_start3A_124] : memref<64x128xf32, #tpu.memory_space<vmem>> -> memref<64x128xf32, #tpu.memory_space<vmem>>
      tpu.enqueue_dma source(%dma_start3A_125 : memref<64x128xf32, #tpu.memory_space<vmem>>) target(%dma_start3A_122 : memref<64x128xf32, #tpu.memory_space<vmem_shared>>) target_semaphore(%run_scoped3A : memref<!tpu.dma_semaphore, #tpu.memory_space<semaphore_mem>>)
      %dma_wait3A_126 = arith.constant 0 : i32
      %dma_wait3A_127 = arith.constant 0 : i32
      %dma_wait3A_128 = tpu.memref_slice %arg13[%dma_wait3A_126, %dma_wait3A_127] : memref<64x128xf32, #tpu.memory_space<vmem>> -> memref<64x128xf32, #tpu.memory_space<vmem>>
      %dma_wait3A_129 = arith.constant 0 : i32
      %dma_wait3A_130 = tpu.memref_slice %arg20[%add3A_26, %dma_wait3A_129] : memref<10112x128xf32, #tpu.memory_space<vmem_shared>> -> memref<64x128xf32, #tpu.memory_space<vmem_shared>>
      %dma_wait3A_131 = arith.constant 0 : i32
      %dma_wait3A_132 = tpu.memref_slice %arg20[%add3A_26, %dma_wait3A_131] : memref<10112x128xf32, #tpu.memory_space<vmem_shared>> -> memref<64x128xf32, #tpu.memory_space<vmem_shared>>
      %dma_wait3A_133 = arith.constant 0 : i32
      %dma_wait3A_134 = arith.constant 0 : i32
      %dma_wait3A_135 = tpu.memref_slice %arg13[%dma_wait3A_133, %dma_wait3A_134] : memref<64x128xf32, #tpu.memory_space<vmem>> -> memref<64x128xf32, #tpu.memory_space<vmem>>
      tpu.wait_dma2 semaphore(%run_scoped3A : memref<!tpu.dma_semaphore, #tpu.memory_space<semaphore_mem>>) src(%dma_wait3A_135 : memref<64x128xf32, #tpu.memory_space<vmem>>) dst(%dma_wait3A_132 : memref<64x128xf32, #tpu.memory_space<vmem_shared>>)
      tpu.yield
    }) : () -> ()
    %add3A_27 = arith.constant 320 : i32
    %add3A_28 = arith.addi %mul3A_16, %add3A_27 : i32
    "tpu.region"() ({
      %run_scoped3A = tpu.sem_alloc : memref<!tpu.dma_semaphore, #tpu.memory_space<semaphore_mem>>
      %dma_start3A_116 = arith.constant 0 : i32
      %dma_start3A_117 = arith.constant 0 : i32
      %dma_start3A_118 = tpu.memref_slice %arg13[%dma_start3A_116, %dma_start3A_117] : memref<64x128xf32, #tpu.memory_space<vmem>> -> memref<64x128xf32, #tpu.memory_space<vmem>>
      %dma_start3A_119 = arith.constant 0 : i32
      %dma_start3A_120 = tpu.memref_slice %arg20[%add3A_28, %dma_start3A_119] : memref<10112x128xf32, #tpu.memory_space<vmem_shared>> -> memref<64x128xf32, #tpu.memory_space<vmem_shared>>
      %dma_start3A_121 = arith.constant 0 : i32
      %dma_start3A_122 = tpu.memref_slice %arg20[%add3A_28, %dma_start3A_121] : memref<10112x128xf32, #tpu.memory_space<vmem_shared>> -> memref<64x128xf32, #tpu.memory_space<vmem_shared>>
      %dma_start3A_123 = arith.constant 0 : i32
      %dma_start3A_124 = arith.constant 0 : i32
      %dma_start3A_125 = tpu.memref_slice %arg13[%dma_start3A_123, %dma_start3A_124] : memref<64x128xf32, #tpu.memory_space<vmem>> -> memref<64x128xf32, #tpu.memory_space<vmem>>
      tpu.enqueue_dma source(%dma_start3A_125 : memref<64x128xf32, #tpu.memory_space<vmem>>) target(%dma_start3A_122 : memref<64x128xf32, #tpu.memory_space<vmem_shared>>) target_semaphore(%run_scoped3A : memref<!tpu.dma_semaphore, #tpu.memory_space<semaphore_mem>>)
      %dma_wait3A_126 = arith.constant 0 : i32
      %dma_wait3A_127 = arith.constant 0 : i32
      %dma_wait3A_128 = tpu.memref_slice %arg13[%dma_wait3A_126, %dma_wait3A_127] : memref<64x128xf32, #tpu.memory_space<vmem>> -> memref<64x128xf32, #tpu.memory_space<vmem>>
      %dma_wait3A_129 = arith.constant 0 : i32
      %dma_wait3A_130 = tpu.memref_slice %arg20[%add3A_28, %dma_wait3A_129] : memref<10112x128xf32, #tpu.memory_space<vmem_shared>> -> memref<64x128xf32, #tpu.memory_space<vmem_shared>>
      %dma_wait3A_131 = arith.constant 0 : i32
      %dma_wait3A_132 = tpu.memref_slice %arg20[%add3A_28, %dma_wait3A_131] : memref<10112x128xf32, #tpu.memory_space<vmem_shared>> -> memref<64x128xf32, #tpu.memory_space<vmem_shared>>
      %dma_wait3A_133 = arith.constant 0 : i32
      %dma_wait3A_134 = arith.constant 0 : i32
      %dma_wait3A_135 = tpu.memref_slice %arg13[%dma_wait3A_133, %dma_wait3A_134] : memref<64x128xf32, #tpu.memory_space<vmem>> -> memref<64x128xf32, #tpu.memory_space<vmem>>
      tpu.wait_dma2 semaphore(%run_scoped3A : memref<!tpu.dma_semaphore, #tpu.memory_space<semaphore_mem>>) src(%dma_wait3A_135 : memref<64x128xf32, #tpu.memory_space<vmem>>) dst(%dma_wait3A_132 : memref<64x128xf32, #tpu.memory_space<vmem_shared>>)
      tpu.yield
    }) : () -> ()
    %add3A_29 = arith.constant 384 : i32
    %add3A_30 = arith.addi %mul3A_16, %add3A_29 : i32
    "tpu.region"() ({
      %run_scoped3A = tpu.sem_alloc : memref<!tpu.dma_semaphore, #tpu.memory_space<semaphore_mem>>
      %dma_start3A_116 = arith.constant 0 : i32
      %dma_start3A_117 = arith.constant 0 : i32
      %dma_start3A_118 = tpu.memref_slice %arg13[%dma_start3A_116, %dma_start3A_117] : memref<64x128xf32, #tpu.memory_space<vmem>> -> memref<64x128xf32, #tpu.memory_space<vmem>>
      %dma_start3A_119 = arith.constant 0 : i32
      %dma_start3A_120 = tpu.memref_slice %arg20[%add3A_30, %dma_start3A_119] : memref<10112x128xf32, #tpu.memory_space<vmem_shared>> -> memref<64x128xf32, #tpu.memory_space<vmem_shared>>
      %dma_start3A_121 = arith.constant 0 : i32
      %dma_start3A_122 = tpu.memref_slice %arg20[%add3A_30, %dma_start3A_121] : memref<10112x128xf32, #tpu.memory_space<vmem_shared>> -> memref<64x128xf32, #tpu.memory_space<vmem_shared>>
      %dma_start3A_123 = arith.constant 0 : i32
      %dma_start3A_124 = arith.constant 0 : i32
      %dma_start3A_125 = tpu.memref_slice %arg13[%dma_start3A_123, %dma_start3A_124] : memref<64x128xf32, #tpu.memory_space<vmem>> -> memref<64x128xf32, #tpu.memory_space<vmem>>
      tpu.enqueue_dma source(%dma_start3A_125 : memref<64x128xf32, #tpu.memory_space<vmem>>) target(%dma_start3A_122 : memref<64x128xf32, #tpu.memory_space<vmem_shared>>) target_semaphore(%run_scoped3A : memref<!tpu.dma_semaphore, #tpu.memory_space<semaphore_mem>>)
      %dma_wait3A_126 = arith.constant 0 : i32
      %dma_wait3A_127 = arith.constant 0 : i32
      %dma_wait3A_128 = tpu.memref_slice %arg13[%dma_wait3A_126, %dma_wait3A_127] : memref<64x128xf32, #tpu.memory_space<vmem>> -> memref<64x128xf32, #tpu.memory_space<vmem>>
      %dma_wait3A_129 = arith.constant 0 : i32
      %dma_wait3A_130 = tpu.memref_slice %arg20[%add3A_30, %dma_wait3A_129] : memref<10112x128xf32, #tpu.memory_space<vmem_shared>> -> memref<64x128xf32, #tpu.memory_space<vmem_shared>>
      %dma_wait3A_131 = arith.constant 0 : i32
      %dma_wait3A_132 = tpu.memref_slice %arg20[%add3A_30, %dma_wait3A_131] : memref<10112x128xf32, #tpu.memory_space<vmem_shared>> -> memref<64x128xf32, #tpu.memory_space<vmem_shared>>
      %dma_wait3A_133 = arith.constant 0 : i32
      %dma_wait3A_134 = arith.constant 0 : i32
      %dma_wait3A_135 = tpu.memref_slice %arg13[%dma_wait3A_133, %dma_wait3A_134] : memref<64x128xf32, #tpu.memory_space<vmem>> -> memref<64x128xf32, #tpu.memory_space<vmem>>
      tpu.wait_dma2 semaphore(%run_scoped3A : memref<!tpu.dma_semaphore, #tpu.memory_space<semaphore_mem>>) src(%dma_wait3A_135 : memref<64x128xf32, #tpu.memory_space<vmem>>) dst(%dma_wait3A_132 : memref<64x128xf32, #tpu.memory_space<vmem_shared>>)
      tpu.yield
    }) : () -> ()
    %add3A_31 = arith.constant 448 : i32
    %add3A_32 = arith.addi %mul3A_16, %add3A_31 : i32
    "tpu.region"() ({
      %run_scoped3A = tpu.sem_alloc : memref<!tpu.dma_semaphore, #tpu.memory_space<semaphore_mem>>
      %dma_start3A_116 = arith.constant 0 : i32
      %dma_start3A_117 = arith.constant 0 : i32
      %dma_start3A_118 = tpu.memref_slice %arg13[%dma_start3A_116, %dma_start3A_117] : memref<64x128xf32, #tpu.memory_space<vmem>> -> memref<64x128xf32, #tpu.memory_space<vmem>>
      %dma_start3A_119 = arith.constant 0 : i32
      %dma_start3A_120 = tpu.memref_slice %arg20[%add3A_32, %dma_start3A_119] : memref<10112x128xf32, #tpu.memory_space<vmem_shared>> -> memref<64x128xf32, #tpu.memory_space<vmem_shared>>
      %dma_start3A_121 = arith.constant 0 : i32
      %dma_start3A_122 = tpu.memref_slice %arg20[%add3A_32, %dma_start3A_121] : memref<10112x128xf32, #tpu.memory_space<vmem_shared>> -> memref<64x128xf32, #tpu.memory_space<vmem_shared>>
      %dma_start3A_123 = arith.constant 0 : i32
      %dma_start3A_124 = arith.constant 0 : i32
      %dma_start3A_125 = tpu.memref_slice %arg13[%dma_start3A_123, %dma_start3A_124] : memref<64x128xf32, #tpu.memory_space<vmem>> -> memref<64x128xf32, #tpu.memory_space<vmem>>
      tpu.enqueue_dma source(%dma_start3A_125 : memref<64x128xf32, #tpu.memory_space<vmem>>) target(%dma_start3A_122 : memref<64x128xf32, #tpu.memory_space<vmem_shared>>) target_semaphore(%run_scoped3A : memref<!tpu.dma_semaphore, #tpu.memory_space<semaphore_mem>>)
      %dma_wait3A_126 = arith.constant 0 : i32
      %dma_wait3A_127 = arith.constant 0 : i32
      %dma_wait3A_128 = tpu.memref_slice %arg13[%dma_wait3A_126, %dma_wait3A_127] : memref<64x128xf32, #tpu.memory_space<vmem>> -> memref<64x128xf32, #tpu.memory_space<vmem>>
      %dma_wait3A_129 = arith.constant 0 : i32
      %dma_wait3A_130 = tpu.memref_slice %arg20[%add3A_32, %dma_wait3A_129] : memref<10112x128xf32, #tpu.memory_space<vmem_shared>> -> memref<64x128xf32, #tpu.memory_space<vmem_shared>>
      %dma_wait3A_131 = arith.constant 0 : i32
      %dma_wait3A_132 = tpu.memref_slice %arg20[%add3A_32, %dma_wait3A_131] : memref<10112x128xf32, #tpu.memory_space<vmem_shared>> -> memref<64x128xf32, #tpu.memory_space<vmem_shared>>
      %dma_wait3A_133 = arith.constant 0 : i32
      %dma_wait3A_134 = arith.constant 0 : i32
      %dma_wait3A_135 = tpu.memref_slice %arg13[%dma_wait3A_133, %dma_wait3A_134] : memref<64x128xf32, #tpu.memory_space<vmem>> -> memref<64x128xf32, #tpu.memory_space<vmem>>
      tpu.wait_dma2 semaphore(%run_scoped3A : memref<!tpu.dma_semaphore, #tpu.memory_space<semaphore_mem>>) src(%dma_wait3A_135 : memref<64x128xf32, #tpu.memory_space<vmem>>) dst(%dma_wait3A_132 : memref<64x128xf32, #tpu.memory_space<vmem_shared>>)
      tpu.yield
    }) : () -> ()
    %add3A_33 = arith.constant 512 : i32
    %add3A_34 = arith.addi %mul3A_16, %add3A_33 : i32
    "tpu.region"() ({
      %run_scoped3A = tpu.sem_alloc : memref<!tpu.dma_semaphore, #tpu.memory_space<semaphore_mem>>
      %dma_start3A_116 = arith.constant 0 : i32
      %dma_start3A_117 = arith.constant 0 : i32
      %dma_start3A_118 = tpu.memref_slice %arg13[%dma_start3A_116, %dma_start3A_117] : memref<64x128xf32, #tpu.memory_space<vmem>> -> memref<64x128xf32, #tpu.memory_space<vmem>>
      %dma_start3A_119 = arith.constant 0 : i32
      %dma_start3A_120 = tpu.memref_slice %arg20[%add3A_34, %dma_start3A_119] : memref<10112x128xf32, #tpu.memory_space<vmem_shared>> -> memref<64x128xf32, #tpu.memory_space<vmem_shared>>
      %dma_start3A_121 = arith.constant 0 : i32
      %dma_start3A_122 = tpu.memref_slice %arg20[%add3A_34, %dma_start3A_121] : memref<10112x128xf32, #tpu.memory_space<vmem_shared>> -> memref<64x128xf32, #tpu.memory_space<vmem_shared>>
      %dma_start3A_123 = arith.constant 0 : i32
      %dma_start3A_124 = arith.constant 0 : i32
      %dma_start3A_125 = tpu.memref_slice %arg13[%dma_start3A_123, %dma_start3A_124] : memref<64x128xf32, #tpu.memory_space<vmem>> -> memref<64x128xf32, #tpu.memory_space<vmem>>
      tpu.enqueue_dma source(%dma_start3A_125 : memref<64x128xf32, #tpu.memory_space<vmem>>) target(%dma_start3A_122 : memref<64x128xf32, #tpu.memory_space<vmem_shared>>) target_semaphore(%run_scoped3A : memref<!tpu.dma_semaphore, #tpu.memory_space<semaphore_mem>>)
      %dma_wait3A_126 = arith.constant 0 : i32
      %dma_wait3A_127 = arith.constant 0 : i32
      %dma_wait3A_128 = tpu.memref_slice %arg13[%dma_wait3A_126, %dma_wait3A_127] : memref<64x128xf32, #tpu.memory_space<vmem>> -> memref<64x128xf32, #tpu.memory_space<vmem>>
      %dma_wait3A_129 = arith.constant 0 : i32
      %dma_wait3A_130 = tpu.memref_slice %arg20[%add3A_34, %dma_wait3A_129] : memref<10112x128xf32, #tpu.memory_space<vmem_shared>> -> memref<64x128xf32, #tpu.memory_space<vmem_shared>>
      %dma_wait3A_131 = arith.constant 0 : i32
      %dma_wait3A_132 = tpu.memref_slice %arg20[%add3A_34, %dma_wait3A_131] : memref<10112x128xf32, #tpu.memory_space<vmem_shared>> -> memref<64x128xf32, #tpu.memory_space<vmem_shared>>
      %dma_wait3A_133 = arith.constant 0 : i32
      %dma_wait3A_134 = arith.constant 0 : i32
      %dma_wait3A_135 = tpu.memref_slice %arg13[%dma_wait3A_133, %dma_wait3A_134] : memref<64x128xf32, #tpu.memory_space<vmem>> -> memref<64x128xf32, #tpu.memory_space<vmem>>
      tpu.wait_dma2 semaphore(%run_scoped3A : memref<!tpu.dma_semaphore, #tpu.memory_space<semaphore_mem>>) src(%dma_wait3A_135 : memref<64x128xf32, #tpu.memory_space<vmem>>) dst(%dma_wait3A_132 : memref<64x128xf32, #tpu.memory_space<vmem_shared>>)
      tpu.yield
    }) : () -> ()
    %add3A_35 = arith.constant 576 : i32
    %add3A_36 = arith.addi %mul3A_16, %add3A_35 : i32
    "tpu.region"() ({
      %run_scoped3A = tpu.sem_alloc : memref<!tpu.dma_semaphore, #tpu.memory_space<semaphore_mem>>
      %dma_start3A_116 = arith.constant 0 : i32
      %dma_start3A_117 = arith.constant 0 : i32
      %dma_start3A_118 = tpu.memref_slice %arg13[%dma_start3A_116, %dma_start3A_117] : memref<64x128xf32, #tpu.memory_space<vmem>> -> memref<56x128xf32, #tpu.memory_space<vmem>>
      %dma_start3A_119 = arith.constant 0 : i32
      %dma_start3A_120 = tpu.memref_slice %arg20[%add3A_36, %dma_start3A_119] : memref<10112x128xf32, #tpu.memory_space<vmem_shared>> -> memref<56x128xf32, #tpu.memory_space<vmem_shared>>
      %dma_start3A_121 = arith.constant 0 : i32
      %dma_start3A_122 = tpu.memref_slice %arg20[%add3A_36, %dma_start3A_121] : memref<10112x128xf32, #tpu.memory_space<vmem_shared>> -> memref<56x128xf32, #tpu.memory_space<vmem_shared>>
      %dma_start3A_123 = arith.constant 0 : i32
      %dma_start3A_124 = arith.constant 0 : i32
      %dma_start3A_125 = tpu.memref_slice %arg13[%dma_start3A_123, %dma_start3A_124] : memref<64x128xf32, #tpu.memory_space<vmem>> -> memref<56x128xf32, #tpu.memory_space<vmem>>
      tpu.enqueue_dma source(%dma_start3A_125 : memref<56x128xf32, #tpu.memory_space<vmem>>) target(%dma_start3A_122 : memref<56x128xf32, #tpu.memory_space<vmem_shared>>) target_semaphore(%run_scoped3A : memref<!tpu.dma_semaphore, #tpu.memory_space<semaphore_mem>>)
      %dma_wait3A_126 = arith.constant 0 : i32
      %dma_wait3A_127 = arith.constant 0 : i32
      %dma_wait3A_128 = tpu.memref_slice %arg13[%dma_wait3A_126, %dma_wait3A_127] : memref<64x128xf32, #tpu.memory_space<vmem>> -> memref<56x128xf32, #tpu.memory_space<vmem>>
      %dma_wait3A_129 = arith.constant 0 : i32
      %dma_wait3A_130 = tpu.memref_slice %arg20[%add3A_36, %dma_wait3A_129] : memref<10112x128xf32, #tpu.memory_space<vmem_shared>> -> memref<56x128xf32, #tpu.memory_space<vmem_shared>>
      %dma_wait3A_131 = arith.constant 0 : i32
      %dma_wait3A_132 = tpu.memref_slice %arg20[%add3A_36, %dma_wait3A_131] : memref<10112x128xf32, #tpu.memory_space<vmem_shared>> -> memref<56x128xf32, #tpu.memory_space<vmem_shared>>
      %dma_wait3A_133 = arith.constant 0 : i32
      %dma_wait3A_134 = arith.constant 0 : i32
      %dma_wait3A_135 = tpu.memref_slice %arg13[%dma_wait3A_133, %dma_wait3A_134] : memref<64x128xf32, #tpu.memory_space<vmem>> -> memref<56x128xf32, #tpu.memory_space<vmem>>
      tpu.wait_dma2 semaphore(%run_scoped3A : memref<!tpu.dma_semaphore, #tpu.memory_space<semaphore_mem>>) src(%dma_wait3A_135 : memref<56x128xf32, #tpu.memory_space<vmem>>) dst(%dma_wait3A_132 : memref<56x128xf32, #tpu.memory_space<vmem_shared>>)
      tpu.yield
    }) : () -> ()
    "tpu.region"() ({
      %run_scoped3A = tpu.sem_alloc : memref<!tpu.dma_semaphore, #tpu.memory_space<semaphore_mem>>
      tpu.enqueue_dma source(%arg4 : memref<128xf32, #tpu.memory_space<hbm>>) target(%arg17 : memref<128xf32, #tpu.memory_space<vmem>>) target_semaphore(%run_scoped3A : memref<!tpu.dma_semaphore, #tpu.memory_space<semaphore_mem>>)
      tpu.wait_dma2 semaphore(%run_scoped3A : memref<!tpu.dma_semaphore, #tpu.memory_space<semaphore_mem>>) src(%arg4 : memref<128xf32, #tpu.memory_space<hbm>>) dst(%arg17 : memref<128xf32, #tpu.memory_space<vmem>>)
      tpu.yield
    }) : () -> ()
    %barrier3A = arith.constant 0 : index
    tpu.barrier barrier_id(%barrier3A)
    %get3A = arith.constant 0 : index
    %get3A_37 = tpu.vector_load %arg17[%get3A] {strides = array<i32>} : memref<128xf32, #tpu.memory_space<vmem>>, vector<16xf32>,
    %get3A_38 = arith.constant 16 : index
    %get3A_39 = tpu.vector_load %arg17[%get3A_38] {strides = array<i32>} : memref<128xf32, #tpu.memory_space<vmem>>, vector<16xf32>,
    %get3A_40 = arith.constant 32 : index
    %get3A_41 = tpu.vector_load %arg17[%get3A_40] {strides = array<i32>} : memref<128xf32, #tpu.memory_space<vmem>>, vector<16xf32>,
    %get3A_42 = arith.constant 48 : index
    %get3A_43 = tpu.vector_load %arg17[%get3A_42] {strides = array<i32>} : memref<128xf32, #tpu.memory_space<vmem>>, vector<16xf32>,
    %get3A_44 = arith.constant 64 : index
    %get3A_45 = tpu.vector_load %arg17[%get3A_44] {strides = array<i32>} : memref<128xf32, #tpu.memory_space<vmem>>, vector<16xf32>,
    %get3A_46 = arith.constant 80 : index
    %get3A_47 = tpu.vector_load %arg17[%get3A_46] {strides = array<i32>} : memref<128xf32, #tpu.memory_space<vmem>>, vector<16xf32>,
    %get3A_48 = arith.constant 96 : index
    %get3A_49 = tpu.vector_load %arg17[%get3A_48] {strides = array<i32>} : memref<128xf32, #tpu.memory_space<vmem>>, vector<16xf32>,
    %get3A_50 = arith.constant 112 : index
    %get3A_51 = tpu.vector_load %arg17[%get3A_50] {strides = array<i32>} : memref<128xf32, #tpu.memory_space<vmem>>, vector<16xf32>,
    %iota3A = tpu.iota {dimensions = array<i32: 0>} : vector<16xi32>
    %eq3A = arith.constant 0 : i32
    %eq3A_52 = vector.broadcast %eq3A : i32 to vector<16xi32>
    %eq3A_53 = arith.cmpi eq, %iota3A, %eq3A_52 : vector<16xi32>
    %mul3A_54 = arith.constant 10368 : i32
    %mul3A_55 = arith.muli %add3A, %mul3A_54 : i32
    %add3A_56 = arith.constant 0 : i32
    %add3A_57 = arith.addi %mul3A_55, %add3A_56 : i32
    "tpu.region"() ({
      %run_scoped3A = tpu.sem_alloc : memref<!tpu.dma_semaphore, #tpu.memory_space<semaphore_mem>>
      %dma_start3A_116 = tpu.memref_slice %arg5[%add3A_57] : memref<331840xi32, #tpu.memory_space<hbm>> -> memref<64xi32, #tpu.memory_space<hbm>>
      %dma_start3A_117 = tpu.memref_slice %arg5[%add3A_57] : memref<331840xi32, #tpu.memory_space<hbm>> -> memref<64xi32, #tpu.memory_space<hbm>>
      tpu.enqueue_dma source(%dma_start3A_117 : memref<64xi32, #tpu.memory_space<hbm>>) target(%arg9 : memref<64xi32, #tpu.memory_space<vmem>>) target_semaphore(%run_scoped3A : memref<!tpu.dma_semaphore, #tpu.memory_space<semaphore_mem>>)
      %dma_wait3A_118 = tpu.memref_slice %arg5[%add3A_57] : memref<331840xi32, #tpu.memory_space<hbm>> -> memref<64xi32, #tpu.memory_space<hbm>>
      %dma_wait3A_119 = tpu.memref_slice %arg5[%add3A_57] : memref<331840xi32, #tpu.memory_space<hbm>> -> memref<64xi32, #tpu.memory_space<hbm>>
      tpu.wait_dma2 semaphore(%run_scoped3A : memref<!tpu.dma_semaphore, #tpu.memory_space<semaphore_mem>>) src(%dma_wait3A_119 : memref<64xi32, #tpu.memory_space<hbm>>) dst(%arg9 : memref<64xi32, #tpu.memory_space<vmem>>)
      tpu.yield
    }) : () -> ()
    "tpu.region"() ({
      %run_scoped3A = tpu.sem_alloc : memref<!tpu.dma_semaphore, #tpu.memory_space<semaphore_mem>>
      %dma_start3A_116 = tpu.memref_slice %arg6[%add3A_57] : memref<331840xi32, #tpu.memory_space<hbm>> -> memref<64xi32, #tpu.memory_space<hbm>>
      %dma_start3A_117 = tpu.memref_slice %arg6[%add3A_57] : memref<331840xi32, #tpu.memory_space<hbm>> -> memref<64xi32, #tpu.memory_space<hbm>>
      tpu.enqueue_dma source(%dma_start3A_117 : memref<64xi32, #tpu.memory_space<hbm>>) target(%arg11 : memref<64xi32, #tpu.memory_space<vmem>>) target_semaphore(%run_scoped3A : memref<!tpu.dma_semaphore, #tpu.memory_space<semaphore_mem>>)
      %dma_wait3A_118 = tpu.memref_slice %arg6[%add3A_57] : memref<331840xi32, #tpu.memory_space<hbm>> -> memref<64xi32, #tpu.memory_space<hbm>>
      %dma_wait3A_119 = tpu.memref_slice %arg6[%add3A_57] : memref<331840xi32, #tpu.memory_space<hbm>> -> memref<64xi32, #tpu.memory_space<hbm>>
      tpu.wait_dma2 semaphore(%run_scoped3A : memref<!tpu.dma_semaphore, #tpu.memory_space<semaphore_mem>>) src(%dma_wait3A_119 : memref<64xi32, #tpu.memory_space<hbm>>) dst(%arg11 : memref<64xi32, #tpu.memory_space<vmem>>)
      tpu.yield
    }) : () -> ()
    %dma_start3A = arith.constant 0 : i32
    %dma_start3A_58 = arith.constant 0 : i32
    %dma_start3A_59 = tpu.memref_slice %arg2[%dma_start3A, %dma_start3A_58] : memref<10000x128xf32, #tpu.memory_space<hbm>> -> memref<10000x128xf32, #tpu.memory_space<hbm>>
    tpu.enqueue_indirect_dma source(%dma_start3A_59 : memref<10000x128xf32, #tpu.memory_space<hbm>>) target(%arg13 : memref<64x128xf32, #tpu.memory_space<vmem>>) offsets(%arg9 : memref<64xi32, #tpu.memory_space<vmem>>) semaphore(%arg21 : memref<!tpu.dma_semaphore, #tpu.memory_space<semaphore_mem>>)
    %dma_start3A_60 = arith.constant 0 : i32
    %dma_start3A_61 = arith.constant 0 : i32
    %dma_start3A_62 = tpu.memref_slice %arg3[%dma_start3A_60, %dma_start3A_61] : memref<10000x128xf32, #tpu.memory_space<hbm>> -> memref<10000x128xf32, #tpu.memory_space<hbm>>
    tpu.enqueue_indirect_dma source(%dma_start3A_62 : memref<10000x128xf32, #tpu.memory_space<hbm>>) target(%arg15 : memref<64x128xf32, #tpu.memory_space<vmem>>) offsets(%arg11 : memref<64xi32, #tpu.memory_space<vmem>>) semaphore(%arg23 : memref<!tpu.dma_semaphore, #tpu.memory_space<semaphore_mem>>)
    %scan3A_63 = arith.constant 0 : i32
    %scan3A_64 = arith.constant 0 : i32
    %scan3A_65 = arith.constant 81 : i32
    %scan3A_66 = arith.addi %scan3A_64, %scan3A_65 : i32
    %scan3A_67 = arith.constant 1 : i32
    %scan3A_68 = scf.for %scan3A_116 = %scan3A_64 to %scan3A_66 step %scan3A_67 iter_args(%scan3A_117 = %scan3A_63) -> (i32)  : i32 {
      %mul3A_118 = arith.constant 2 : i32
      %mul3A_119 = arith.muli %mul3A_118, %scan3A_116 : i32
      %add3A_120 = arith.constant 1 : i32
      %add3A_121 = arith.addi %mul3A_119, %add3A_120 : i32
      %mul3A_122 = arith.constant 64 : i32
      %mul3A_123 = arith.muli %add3A_121, %mul3A_122 : i32
      %add3A_124 = arith.addi %mul3A_55, %mul3A_123 : i32
      "tpu.region"() ({
        %run_scoped3A = tpu.sem_alloc : memref<!tpu.dma_semaphore, #tpu.memory_space<semaphore_mem>>
        %dma_start3A_204 = tpu.memref_slice %arg5[%add3A_124] : memref<331840xi32, #tpu.memory_space<hbm>> -> memref<64xi32, #tpu.memory_space<hbm>>
        %dma_start3A_205 = tpu.memref_slice %arg5[%add3A_124] : memref<331840xi32, #tpu.memory_space<hbm>> -> memref<64xi32, #tpu.memory_space<hbm>>
        tpu.enqueue_dma source(%dma_start3A_205 : memref<64xi32, #tpu.memory_space<hbm>>) target(%arg10 : memref<64xi32, #tpu.memory_space<vmem>>) target_semaphore(%run_scoped3A : memref<!tpu.dma_semaphore, #tpu.memory_space<semaphore_mem>>)
        %dma_wait3A_206 = tpu.memref_slice %arg5[%add3A_124] : memref<331840xi32, #tpu.memory_space<hbm>> -> memref<64xi32, #tpu.memory_space<hbm>>
        %dma_wait3A_207 = tpu.memref_slice %arg5[%add3A_124] : memref<331840xi32, #tpu.memory_space<hbm>> -> memref<64xi32, #tpu.memory_space<hbm>>
        tpu.wait_dma2 semaphore(%run_scoped3A : memref<!tpu.dma_semaphore, #tpu.memory_space<semaphore_mem>>) src(%dma_wait3A_207 : memref<64xi32, #tpu.memory_space<hbm>>) dst(%arg10 : memref<64xi32, #tpu.memory_space<vmem>>)
        tpu.yield
      }) : () -> ()
      "tpu.region"() ({
        %run_scoped3A = tpu.sem_alloc : memref<!tpu.dma_semaphore, #tpu.memory_space<semaphore_mem>>
        %dma_start3A_204 = tpu.memref_slice %arg6[%add3A_124] : memref<331840xi32, #tpu.memory_space<hbm>> -> memref<64xi32, #tpu.memory_space<hbm>>
        %dma_start3A_205 = tpu.memref_slice %arg6[%add3A_124] : memref<331840xi32, #tpu.memory_space<hbm>> -> memref<64xi32, #tpu.memory_space<hbm>>
        tpu.enqueue_dma source(%dma_start3A_205 : memref<64xi32, #tpu.memory_space<hbm>>) target(%arg12 : memref<64xi32, #tpu.memory_space<vmem>>) target_semaphore(%run_scoped3A : memref<!tpu.dma_semaphore, #tpu.memory_space<semaphore_mem>>)
        %dma_wait3A_206 = tpu.memref_slice %arg6[%add3A_124] : memref<331840xi32, #tpu.memory_space<hbm>> -> memref<64xi32, #tpu.memory_space<hbm>>
        %dma_wait3A_207 = tpu.memref_slice %arg6[%add3A_124] : memref<331840xi32, #tpu.memory_space<hbm>> -> memref<64xi32, #tpu.memory_space<hbm>>
        tpu.wait_dma2 semaphore(%run_scoped3A : memref<!tpu.dma_semaphore, #tpu.memory_space<semaphore_mem>>) src(%dma_wait3A_207 : memref<64xi32, #tpu.memory_space<hbm>>) dst(%arg12 : memref<64xi32, #tpu.memory_space<vmem>>)
        tpu.yield
      }) : () -> ()
      %dma_start3A_125 = arith.constant 0 : i32
      %dma_start3A_126 = arith.constant 0 : i32
      %dma_start3A_127 = tpu.memref_slice %arg2[%dma_start3A_125, %dma_start3A_126] : memref<10000x128xf32, #tpu.memory_space<hbm>> -> memref<10000x128xf32, #tpu.memory_space<hbm>>
      tpu.enqueue_indirect_dma source(%dma_start3A_127 : memref<10000x128xf32, #tpu.memory_space<hbm>>) target(%arg14 : memref<64x128xf32, #tpu.memory_space<vmem>>) offsets(%arg10 : memref<64xi32, #tpu.memory_space<vmem>>) semaphore(%arg22 : memref<!tpu.dma_semaphore, #tpu.memory_space<semaphore_mem>>)
      %dma_start3A_128 = arith.constant 0 : i32
      %dma_start3A_129 = arith.constant 0 : i32
      %dma_start3A_130 = tpu.memref_slice %arg3[%dma_start3A_128, %dma_start3A_129] : memref<10000x128xf32, #tpu.memory_space<hbm>> -> memref<10000x128xf32, #tpu.memory_space<hbm>>
      tpu.enqueue_indirect_dma source(%dma_start3A_130 : memref<10000x128xf32, #tpu.memory_space<hbm>>) target(%arg16 : memref<64x128xf32, #tpu.memory_space<vmem>>) offsets(%arg12 : memref<64xi32, #tpu.memory_space<vmem>>) semaphore(%arg24 : memref<!tpu.dma_semaphore, #tpu.memory_space<semaphore_mem>>)
      %dma_wait3A_131 = arith.constant 0 : i32
      %dma_wait3A_132 = arith.constant 0 : i32
      %dma_wait3A_133 = tpu.memref_slice %arg2[%dma_wait3A_131, %dma_wait3A_132] : memref<10000x128xf32, #tpu.memory_space<hbm>> -> memref<10000x128xf32, #tpu.memory_space<hbm>>
      tpu.wait_indirect_dma semaphore(%arg21 : memref<!tpu.dma_semaphore, #tpu.memory_space<semaphore_mem>>) src(%dma_wait3A_133 : memref<10000x128xf32, #tpu.memory_space<hbm>>) dst(%arg13 : memref<64x128xf32, #tpu.memory_space<vmem>>)
      %dma_wait3A_134 = arith.constant 0 : i32
      %dma_wait3A_135 = arith.constant 0 : i32
      %dma_wait3A_136 = tpu.memref_slice %arg3[%dma_wait3A_134, %dma_wait3A_135] : memref<10000x128xf32, #tpu.memory_space<hbm>> -> memref<10000x128xf32, #tpu.memory_space<hbm>>
      tpu.wait_indirect_dma semaphore(%arg23 : memref<!tpu.dma_semaphore, #tpu.memory_space<semaphore_mem>>) src(%dma_wait3A_136 : memref<10000x128xf32, #tpu.memory_space<hbm>>) dst(%arg15 : memref<64x128xf32, #tpu.memory_space<vmem>>)
      %mul3A_137 = arith.constant 64 : i32
      %mul3A_138 = arith.muli %mul3A_119, %mul3A_137 : i32
      %add3A_139 = arith.addi %mul3A_55, %mul3A_138 : i32
      %parallel_loop3A = arith.constant 0 : i32
      %parallel_loop3A_140 = arith.constant 64 : i32
      %parallel_loop3A_141 = arith.constant 1 : i32
      scf.for %parallel_loop3A_204 = %parallel_loop3A to %parallel_loop3A_140 step %parallel_loop3A_141  : i32 {
        %parallel_loop3A_205 = arith.constant 0.000000e+00 : f32
        %parallel_loop3A_206 = vector.broadcast %parallel_loop3A_205 : f32 to vector<16xf32>
        %parallel_loop3A_207 = arith.index_cast %parallel_loop3A_204 : i32 to index
        %parallel_loop3A_208 = arith.constant 0 : index
        %parallel_loop3A_209 = tpu.vector_load %arg13[%parallel_loop3A_207, %parallel_loop3A_208] {strides = array<i32>} : memref<64x128xf32, #tpu.memory_space<vmem>>, vector<16xf32>,
        %parallel_loop3A_210 = arith.index_cast %parallel_loop3A_204 : i32 to index
        %parallel_loop3A_211 = arith.constant 0 : index
        %parallel_loop3A_212 = tpu.vector_load %arg15[%parallel_loop3A_210, %parallel_loop3A_211] {strides = array<i32>} : memref<64x128xf32, #tpu.memory_space<vmem>>, vector<16xf32>,
        %parallel_loop3A_213 = arith.addf %parallel_loop3A_209, %parallel_loop3A_212 : vector<16xf32>
        %parallel_loop3A_214 = arith.constant 2.000000e-01 : f32
        %parallel_loop3A_215 = vector.broadcast %parallel_loop3A_214 : f32 to vector<16xf32>
        %parallel_loop3A_216 = arith.mulf %parallel_loop3A_215, %parallel_loop3A_213 : vector<16xf32>
        %parallel_loop3A_217 = arith.maximumf %parallel_loop3A_213, %parallel_loop3A_216 : vector<16xf32>
        %parallel_loop3A_218 = arith.mulf %parallel_loop3A_217, %get3A_37 : vector<16xf32>
        %parallel_loop3A_219 = arith.addf %parallel_loop3A_206, %parallel_loop3A_218 : vector<16xf32>
        %parallel_loop3A_220 = arith.index_cast %parallel_loop3A_204 : i32 to index
        %parallel_loop3A_221 = arith.constant 16 : index
        %parallel_loop3A_222 = tpu.vector_load %arg13[%parallel_loop3A_220, %parallel_loop3A_221] {strides = array<i32>} : memref<64x128xf32, #tpu.memory_space<vmem>>, vector<16xf32>,
        %parallel_loop3A_223 = arith.index_cast %parallel_loop3A_204 : i32 to index
        %parallel_loop3A_224 = arith.constant 16 : index
        %parallel_loop3A_225 = tpu.vector_load %arg15[%parallel_loop3A_223, %parallel_loop3A_224] {strides = array<i32>} : memref<64x128xf32, #tpu.memory_space<vmem>>, vector<16xf32>,
        %parallel_loop3A_226 = arith.addf %parallel_loop3A_222, %parallel_loop3A_225 : vector<16xf32>
        %parallel_loop3A_227 = arith.constant 2.000000e-01 : f32
        %parallel_loop3A_228 = vector.broadcast %parallel_loop3A_227 : f32 to vector<16xf32>
        %parallel_loop3A_229 = arith.mulf %parallel_loop3A_228, %parallel_loop3A_226 : vector<16xf32>
        %parallel_loop3A_230 = arith.maximumf %parallel_loop3A_226, %parallel_loop3A_229 : vector<16xf32>
        %parallel_loop3A_231 = arith.mulf %parallel_loop3A_230, %get3A_39 : vector<16xf32>
        %parallel_loop3A_232 = arith.addf %parallel_loop3A_219, %parallel_loop3A_231 : vector<16xf32>
        %parallel_loop3A_233 = arith.index_cast %parallel_loop3A_204 : i32 to index
        %parallel_loop3A_234 = arith.constant 32 : index
        %parallel_loop3A_235 = tpu.vector_load %arg13[%parallel_loop3A_233, %parallel_loop3A_234] {strides = array<i32>} : memref<64x128xf32, #tpu.memory_space<vmem>>, vector<16xf32>,
        %parallel_loop3A_236 = arith.index_cast %parallel_loop3A_204 : i32 to index
        %parallel_loop3A_237 = arith.constant 32 : index
        %parallel_loop3A_238 = tpu.vector_load %arg15[%parallel_loop3A_236, %parallel_loop3A_237] {strides = array<i32>} : memref<64x128xf32, #tpu.memory_space<vmem>>, vector<16xf32>,
        %parallel_loop3A_239 = arith.addf %parallel_loop3A_235, %parallel_loop3A_238 : vector<16xf32>
        %parallel_loop3A_240 = arith.constant 2.000000e-01 : f32
        %parallel_loop3A_241 = vector.broadcast %parallel_loop3A_240 : f32 to vector<16xf32>
        %parallel_loop3A_242 = arith.mulf %parallel_loop3A_241, %parallel_loop3A_239 : vector<16xf32>
        %parallel_loop3A_243 = arith.maximumf %parallel_loop3A_239, %parallel_loop3A_242 : vector<16xf32>
        %parallel_loop3A_244 = arith.mulf %parallel_loop3A_243, %get3A_41 : vector<16xf32>
        %parallel_loop3A_245 = arith.addf %parallel_loop3A_232, %parallel_loop3A_244 : vector<16xf32>
        %parallel_loop3A_246 = arith.index_cast %parallel_loop3A_204 : i32 to index
        %parallel_loop3A_247 = arith.constant 48 : index
        %parallel_loop3A_248 = tpu.vector_load %arg13[%parallel_loop3A_246, %parallel_loop3A_247] {strides = array<i32>} : memref<64x128xf32, #tpu.memory_space<vmem>>, vector<16xf32>,
        %parallel_loop3A_249 = arith.index_cast %parallel_loop3A_204 : i32 to index
        %parallel_loop3A_250 = arith.constant 48 : index
        %parallel_loop3A_251 = tpu.vector_load %arg15[%parallel_loop3A_249, %parallel_loop3A_250] {strides = array<i32>} : memref<64x128xf32, #tpu.memory_space<vmem>>, vector<16xf32>,
        %parallel_loop3A_252 = arith.addf %parallel_loop3A_248, %parallel_loop3A_251 : vector<16xf32>
        %parallel_loop3A_253 = arith.constant 2.000000e-01 : f32
        %parallel_loop3A_254 = vector.broadcast %parallel_loop3A_253 : f32 to vector<16xf32>
        %parallel_loop3A_255 = arith.mulf %parallel_loop3A_254, %parallel_loop3A_252 : vector<16xf32>
        %parallel_loop3A_256 = arith.maximumf %parallel_loop3A_252, %parallel_loop3A_255 : vector<16xf32>
        %parallel_loop3A_257 = arith.mulf %parallel_loop3A_256, %get3A_43 : vector<16xf32>
        %parallel_loop3A_258 = arith.addf %parallel_loop3A_245, %parallel_loop3A_257 : vector<16xf32>
        %parallel_loop3A_259 = arith.index_cast %parallel_loop3A_204 : i32 to index
        %parallel_loop3A_260 = arith.constant 64 : index
        %parallel_loop3A_261 = tpu.vector_load %arg13[%parallel_loop3A_259, %parallel_loop3A_260] {strides = array<i32>} : memref<64x128xf32, #tpu.memory_space<vmem>>, vector<16xf32>,
        %parallel_loop3A_262 = arith.index_cast %parallel_loop3A_204 : i32 to index
        %parallel_loop3A_263 = arith.constant 64 : index
        %parallel_loop3A_264 = tpu.vector_load %arg15[%parallel_loop3A_262, %parallel_loop3A_263] {strides = array<i32>} : memref<64x128xf32, #tpu.memory_space<vmem>>, vector<16xf32>,
        %parallel_loop3A_265 = arith.addf %parallel_loop3A_261, %parallel_loop3A_264 : vector<16xf32>
        %parallel_loop3A_266 = arith.constant 2.000000e-01 : f32
        %parallel_loop3A_267 = vector.broadcast %parallel_loop3A_266 : f32 to vector<16xf32>
        %parallel_loop3A_268 = arith.mulf %parallel_loop3A_267, %parallel_loop3A_265 : vector<16xf32>
        %parallel_loop3A_269 = arith.maximumf %parallel_loop3A_265, %parallel_loop3A_268 : vector<16xf32>
        %parallel_loop3A_270 = arith.mulf %parallel_loop3A_269, %get3A_45 : vector<16xf32>
        %parallel_loop3A_271 = arith.addf %parallel_loop3A_258, %parallel_loop3A_270 : vector<16xf32>
        %parallel_loop3A_272 = arith.index_cast %parallel_loop3A_204 : i32 to index
        %parallel_loop3A_273 = arith.constant 80 : index
        %parallel_loop3A_274 = tpu.vector_load %arg13[%parallel_loop3A_272, %parallel_loop3A_273] {strides = array<i32>} : memref<64x128xf32, #tpu.memory_space<vmem>>, vector<16xf32>,
        %parallel_loop3A_275 = arith.index_cast %parallel_loop3A_204 : i32 to index
        %parallel_loop3A_276 = arith.constant 80 : index
        %parallel_loop3A_277 = tpu.vector_load %arg15[%parallel_loop3A_275, %parallel_loop3A_276] {strides = array<i32>} : memref<64x128xf32, #tpu.memory_space<vmem>>, vector<16xf32>,
        %parallel_loop3A_278 = arith.addf %parallel_loop3A_274, %parallel_loop3A_277 : vector<16xf32>
        %parallel_loop3A_279 = arith.constant 2.000000e-01 : f32
        %parallel_loop3A_280 = vector.broadcast %parallel_loop3A_279 : f32 to vector<16xf32>
        %parallel_loop3A_281 = arith.mulf %parallel_loop3A_280, %parallel_loop3A_278 : vector<16xf32>
        %parallel_loop3A_282 = arith.maximumf %parallel_loop3A_278, %parallel_loop3A_281 : vector<16xf32>
        %parallel_loop3A_283 = arith.mulf %parallel_loop3A_282, %get3A_47 : vector<16xf32>
        %parallel_loop3A_284 = arith.addf %parallel_loop3A_271, %parallel_loop3A_283 : vector<16xf32>
        %parallel_loop3A_285 = arith.index_cast %parallel_loop3A_204 : i32 to index
        %parallel_loop3A_286 = arith.constant 96 : index
        %parallel_loop3A_287 = tpu.vector_load %arg13[%parallel_loop3A_285, %parallel_loop3A_286] {strides = array<i32>} : memref<64x128xf32, #tpu.memory_space<vmem>>, vector<16xf32>,
        %parallel_loop3A_288 = arith.index_cast %parallel_loop3A_204 : i32 to index
        %parallel_loop3A_289 = arith.constant 96 : index
        %parallel_loop3A_290 = tpu.vector_load %arg15[%parallel_loop3A_288, %parallel_loop3A_289] {strides = array<i32>} : memref<64x128xf32, #tpu.memory_space<vmem>>, vector<16xf32>,
        %parallel_loop3A_291 = arith.addf %parallel_loop3A_287, %parallel_loop3A_290 : vector<16xf32>
        %parallel_loop3A_292 = arith.constant 2.000000e-01 : f32
        %parallel_loop3A_293 = vector.broadcast %parallel_loop3A_292 : f32 to vector<16xf32>
        %parallel_loop3A_294 = arith.mulf %parallel_loop3A_293, %parallel_loop3A_291 : vector<16xf32>
        %parallel_loop3A_295 = arith.maximumf %parallel_loop3A_291, %parallel_loop3A_294 : vector<16xf32>
        %parallel_loop3A_296 = arith.mulf %parallel_loop3A_295, %get3A_49 : vector<16xf32>
        %parallel_loop3A_297 = arith.addf %parallel_loop3A_284, %parallel_loop3A_296 : vector<16xf32>
        %parallel_loop3A_298 = arith.index_cast %parallel_loop3A_204 : i32 to index
        %parallel_loop3A_299 = arith.constant 112 : index
        %parallel_loop3A_300 = tpu.vector_load %arg13[%parallel_loop3A_298, %parallel_loop3A_299] {strides = array<i32>} : memref<64x128xf32, #tpu.memory_space<vmem>>, vector<16xf32>,
        %parallel_loop3A_301 = arith.index_cast %parallel_loop3A_204 : i32 to index
        %parallel_loop3A_302 = arith.constant 112 : index
        %parallel_loop3A_303 = tpu.vector_load %arg15[%parallel_loop3A_301, %parallel_loop3A_302] {strides = array<i32>} : memref<64x128xf32, #tpu.memory_space<vmem>>, vector<16xf32>,
        %parallel_loop3A_304 = arith.addf %parallel_loop3A_300, %parallel_loop3A_303 : vector<16xf32>
        %parallel_loop3A_305 = arith.constant 2.000000e-01 : f32
        %parallel_loop3A_306 = vector.broadcast %parallel_loop3A_305 : f32 to vector<16xf32>
        %parallel_loop3A_307 = arith.mulf %parallel_loop3A_306, %parallel_loop3A_304 : vector<16xf32>
        %parallel_loop3A_308 = arith.maximumf %parallel_loop3A_304, %parallel_loop3A_307 : vector<16xf32>
        %parallel_loop3A_309 = arith.mulf %parallel_loop3A_308, %get3A_51 : vector<16xf32>
        %parallel_loop3A_310 = arith.addf %parallel_loop3A_297, %parallel_loop3A_309 : vector<16xf32>
        %parallel_loop3A_311 = arith.constant true
        %parallel_loop3A_312 = vector.broadcast %parallel_loop3A_311 : i1 to vector<16xi1>
        %parallel_loop3A_313 = tpu.scan <sum>, %parallel_loop3A_310 masked %parallel_loop3A_312 : vector<16xf32>, vector<16xi1> -> vector<16xf32>
        %parallel_loop3A_314 = vector.extract %parallel_loop3A_313[15] : f32 from vector<16xf32>
        %parallel_loop3A_315 = arith.addi %add3A_139, %parallel_loop3A_204 : i32
        %parallel_loop3A_316 = arith.constant 330000 : i32
        %parallel_loop3A_317 = arith.cmpi slt, %parallel_loop3A_315, %parallel_loop3A_316 : i32
        %parallel_loop3A_318 = arith.constant 1.000000e+00 : f32
        %parallel_loop3A_319 = arith.constant 0.000000e+00 : f32
        %parallel_loop3A_320 = arith.select %parallel_loop3A_317, %parallel_loop3A_318, %parallel_loop3A_319 : f32
        %parallel_loop3A_321 = vector.broadcast %parallel_loop3A_314 : f32 to vector<16xf32>
        %parallel_loop3A_322 = math.exp %parallel_loop3A_321 : vector<16xf32>
        %parallel_loop3A_323 = vector.broadcast %parallel_loop3A_320 : f32 to vector<16xf32>
        %parallel_loop3A_324 = arith.mulf %parallel_loop3A_322, %parallel_loop3A_323 : vector<16xf32>
        %parallel_loop3A_325 = arith.mulf %parallel_loop3A_209, %parallel_loop3A_324 : vector<16xf32>
        %parallel_loop3A_326 = arith.index_cast %parallel_loop3A_204 : i32 to index
        %parallel_loop3A_327 = arith.constant 0 : index
        %parallel_loop3A_328 = tpu.vector_load %arg13[%parallel_loop3A_326, %parallel_loop3A_327] {strides = array<i32>} : memref<64x128xf32, #tpu.memory_space<vmem>>, vector<16xf32>,
        tpu.vector_store %arg13[%parallel_loop3A_326, %parallel_loop3A_327], %parallel_loop3A_325 {strides = array<i32>} : memref<64x128xf32, #tpu.memory_space<vmem>>, vector<16xf32>,
        %parallel_loop3A_329 = arith.mulf %parallel_loop3A_222, %parallel_loop3A_324 : vector<16xf32>
        %parallel_loop3A_330 = arith.index_cast %parallel_loop3A_204 : i32 to index
        %parallel_loop3A_331 = arith.constant 16 : index
        %parallel_loop3A_332 = tpu.vector_load %arg13[%parallel_loop3A_330, %parallel_loop3A_331] {strides = array<i32>} : memref<64x128xf32, #tpu.memory_space<vmem>>, vector<16xf32>,
        tpu.vector_store %arg13[%parallel_loop3A_330, %parallel_loop3A_331], %parallel_loop3A_329 {strides = array<i32>} : memref<64x128xf32, #tpu.memory_space<vmem>>, vector<16xf32>,
        %parallel_loop3A_333 = arith.mulf %parallel_loop3A_235, %parallel_loop3A_324 : vector<16xf32>
        %parallel_loop3A_334 = arith.index_cast %parallel_loop3A_204 : i32 to index
        %parallel_loop3A_335 = arith.constant 32 : index
        %parallel_loop3A_336 = tpu.vector_load %arg13[%parallel_loop3A_334, %parallel_loop3A_335] {strides = array<i32>} : memref<64x128xf32, #tpu.memory_space<vmem>>, vector<16xf32>,
        tpu.vector_store %arg13[%parallel_loop3A_334, %parallel_loop3A_335], %parallel_loop3A_333 {strides = array<i32>} : memref<64x128xf32, #tpu.memory_space<vmem>>, vector<16xf32>,
        %parallel_loop3A_337 = arith.mulf %parallel_loop3A_248, %parallel_loop3A_324 : vector<16xf32>
        %parallel_loop3A_338 = arith.index_cast %parallel_loop3A_204 : i32 to index
        %parallel_loop3A_339 = arith.constant 48 : index
        %parallel_loop3A_340 = tpu.vector_load %arg13[%parallel_loop3A_338, %parallel_loop3A_339] {strides = array<i32>} : memref<64x128xf32, #tpu.memory_space<vmem>>, vector<16xf32>,
        tpu.vector_store %arg13[%parallel_loop3A_338, %parallel_loop3A_339], %parallel_loop3A_337 {strides = array<i32>} : memref<64x128xf32, #tpu.memory_space<vmem>>, vector<16xf32>,
        %parallel_loop3A_341 = arith.mulf %parallel_loop3A_261, %parallel_loop3A_324 : vector<16xf32>
        %parallel_loop3A_342 = arith.index_cast %parallel_loop3A_204 : i32 to index
        %parallel_loop3A_343 = arith.constant 64 : index
        %parallel_loop3A_344 = tpu.vector_load %arg13[%parallel_loop3A_342, %parallel_loop3A_343] {strides = array<i32>} : memref<64x128xf32, #tpu.memory_space<vmem>>, vector<16xf32>,
        tpu.vector_store %arg13[%parallel_loop3A_342, %parallel_loop3A_343], %parallel_loop3A_341 {strides = array<i32>} : memref<64x128xf32, #tpu.memory_space<vmem>>, vector<16xf32>,
        %parallel_loop3A_345 = arith.mulf %parallel_loop3A_274, %parallel_loop3A_324 : vector<16xf32>
        %parallel_loop3A_346 = arith.index_cast %parallel_loop3A_204 : i32 to index
        %parallel_loop3A_347 = arith.constant 80 : index
        %parallel_loop3A_348 = tpu.vector_load %arg13[%parallel_loop3A_346, %parallel_loop3A_347] {strides = array<i32>} : memref<64x128xf32, #tpu.memory_space<vmem>>, vector<16xf32>,
        tpu.vector_store %arg13[%parallel_loop3A_346, %parallel_loop3A_347], %parallel_loop3A_345 {strides = array<i32>} : memref<64x128xf32, #tpu.memory_space<vmem>>, vector<16xf32>,
        %parallel_loop3A_349 = arith.mulf %parallel_loop3A_287, %parallel_loop3A_324 : vector<16xf32>
        %parallel_loop3A_350 = arith.index_cast %parallel_loop3A_204 : i32 to index
        %parallel_loop3A_351 = arith.constant 96 : index
        %parallel_loop3A_352 = tpu.vector_load %arg13[%parallel_loop3A_350, %parallel_loop3A_351] {strides = array<i32>} : memref<64x128xf32, #tpu.memory_space<vmem>>, vector<16xf32>,
        tpu.vector_store %arg13[%parallel_loop3A_350, %parallel_loop3A_351], %parallel_loop3A_349 {strides = array<i32>} : memref<64x128xf32, #tpu.memory_space<vmem>>, vector<16xf32>,
        %parallel_loop3A_353 = arith.mulf %parallel_loop3A_300, %parallel_loop3A_324 : vector<16xf32>
        %parallel_loop3A_354 = arith.index_cast %parallel_loop3A_204 : i32 to index
        %parallel_loop3A_355 = arith.constant 112 : index
        %parallel_loop3A_356 = tpu.vector_load %arg13[%parallel_loop3A_354, %parallel_loop3A_355] {strides = array<i32>} : memref<64x128xf32, #tpu.memory_space<vmem>>, vector<16xf32>,
        tpu.vector_store %arg13[%parallel_loop3A_354, %parallel_loop3A_355], %parallel_loop3A_353 {strides = array<i32>} : memref<64x128xf32, #tpu.memory_space<vmem>>, vector<16xf32>,
        %parallel_loop3A_357 = vector.broadcast %parallel_loop3A_204 : i32 to vector<16xi32>
        tpu.vector_store_idx %arg19[%parallel_loop3A_357], %parallel_loop3A_324 masked %eq3A_53 : memref<64xf32, #tpu.memory_space<vmem>>[vector<16xi32>], vector<16xf32>, vector<16xi1>
      } {sc.loop_unroll_factor = 4 : i64, sc.parallel_access}
      %scan3A_142 = arith.constant 0 : i32
      %scan3A_143 = arith.constant 0 : i32
      %scan3A_144 = arith.constant 3 : i32
      %scan3A_145 = arith.addi %scan3A_143, %scan3A_144 : i32
      %scan3A_146 = arith.constant 3 : i32
      %scan3A_147 = scf.for %scan3A_204 = %scan3A_143 to %scan3A_145 step %scan3A_146 iter_args(%scan3A_205 = %scan3A_142) -> (i32)  : i32 {
        %mul3A_206 = arith.constant 16 : i32
        %mul3A_207 = arith.muli %scan3A_204, %mul3A_206 : i32
        %get3A_208 = arith.index_cast %mul3A_207 : i32 to index
        %get3A_209 = tpu.vector_load %arg19[%get3A_208] {strides = array<i32>} : memref<64xf32, #tpu.memory_space<vmem>>, vector<16xf32>,
        %mul3A_210 = arith.constant 16 : i32
        %mul3A_211 = arith.muli %scan3A_204, %mul3A_210 : i32
        %get3A_212 = arith.index_cast %mul3A_211 : i32 to index
        %get3A_213 = tpu.vector_load %arg11[%get3A_212] {strides = array<i32>} : memref<64xi32, #tpu.memory_space<vmem>>, vector<16xi32>,
        tpu.vector_store_idx %arg18[%get3A_213], %get3A_209 {add = true} : memref<10112xf32, #tpu.memory_space<vmem>>[vector<16xi32>], vector<16xf32>,
        %scan3A_214 = arith.constant 0 : i32
        %scan3A_215 = arith.constant 1 : i32
        %scan3A_216 = arith.addi %scan3A_204, %scan3A_215 : i32
        %mul3A_217 = arith.constant 16 : i32
        %mul3A_218 = arith.muli %scan3A_216, %mul3A_217 : i32
        %get3A_219 = arith.index_cast %mul3A_218 : i32 to index
        %get3A_220 = tpu.vector_load %arg19[%get3A_219] {strides = array<i32>} : memref<64xf32, #tpu.memory_space<vmem>>, vector<16xf32>,
        %mul3A_221 = arith.constant 16 : i32
        %mul3A_222 = arith.muli %scan3A_216, %mul3A_221 : i32
        %get3A_223 = arith.index_cast %mul3A_222 : i32 to index
        %get3A_224 = tpu.vector_load %arg11[%get3A_223] {strides = array<i32>} : memref<64xi32, #tpu.memory_space<vmem>>, vector<16xi32>,
        tpu.vector_store_idx %arg18[%get3A_224], %get3A_220 {add = true} : memref<10112xf32, #tpu.memory_space<vmem>>[vector<16xi32>], vector<16xf32>,
        %scan3A_225 = arith.constant 0 : i32
        %scan3A_226 = arith.constant 2 : i32
        %scan3A_227 = arith.addi %scan3A_204, %scan3A_226 : i32
        %mul3A_228 = arith.constant 16 : i32
        %mul3A_229 = arith.muli %scan3A_227, %mul3A_228 : i32
        %get3A_230 = arith.index_cast %mul3A_229 : i32 to index
        %get3A_231 = tpu.vector_load %arg19[%get3A_230] {strides = array<i32>} : memref<64xf32, #tpu.memory_space<vmem>>, vector<16xf32>,
        %mul3A_232 = arith.constant 16 : i32
        %mul3A_233 = arith.muli %scan3A_227, %mul3A_232 : i32
        %get3A_234 = arith.index_cast %mul3A_233 : i32 to index
        %get3A_235 = tpu.vector_load %arg11[%get3A_234] {strides = array<i32>} : memref<64xi32, #tpu.memory_space<vmem>>, vector<16xi32>,
        tpu.vector_store_idx %arg18[%get3A_235], %get3A_231 {add = true} : memref<10112xf32, #tpu.memory_space<vmem>>[vector<16xi32>], vector<16xf32>,
        %scan3A_236 = arith.constant 0 : i32
        scf.yield %scan3A_236 : i32
      }
      %scan3A_148 = arith.constant 3 : i32
      %scan3A_149 = arith.addi %scan3A_143, %scan3A_148 : i32
      %mul3A_150 = arith.constant 16 : i32
      %mul3A_151 = arith.muli %scan3A_149, %mul3A_150 : i32
      %get3A_152 = arith.index_cast %mul3A_151 : i32 to index
      %get3A_153 = tpu.vector_load %arg19[%get3A_152] {strides = array<i32>} : memref<64xf32, #tpu.memory_space<vmem>>, vector<16xf32>,
      %mul3A_154 = arith.constant 16 : i32
      %mul3A_155 = arith.muli %scan3A_149, %mul3A_154 : i32
      %get3A_156 = arith.index_cast %mul3A_155 : i32 to index
      %get3A_157 = tpu.vector_load %arg11[%get3A_156] {strides = array<i32>} : memref<64xi32, #tpu.memory_space<vmem>>, vector<16xi32>,
      tpu.vector_store_idx %arg18[%get3A_157], %get3A_153 {add = true} : memref<10112xf32, #tpu.memory_space<vmem>>[vector<16xi32>], vector<16xf32>,
      %scan3A_158 = arith.constant 0 : i32
      %scan3A_159 = arith.constant 4 : i32
      "tpu.region"() ({
        %run_scoped3A = tpu.sem_alloc : memref<!tpu.dma_semaphore, #tpu.memory_space<semaphore_mem>>
        %dma_start3A_204 = arith.constant 0 : i32
        %dma_start3A_205 = arith.constant 0 : i32
        %dma_start3A_206 = tpu.memref_slice %arg20[%dma_start3A_204, %dma_start3A_205] : memref<10112x128xf32, #tpu.memory_space<vmem_shared>> -> memref<10112x128xf32, #tpu.memory_space<vmem_shared>>
        tpu.enqueue_indirect_dma source(%arg13 : memref<64x128xf32, #tpu.memory_space<vmem>>) target(%dma_start3A_206 : memref<10112x128xf32, #tpu.memory_space<vmem_shared>>) offsets(%arg11 : memref<64xi32, #tpu.memory_space<vmem>>) semaphore(%run_scoped3A : memref<!tpu.dma_semaphore, #tpu.memory_space<semaphore_mem>>) {add = true}
        %dma_wait3A_207 = arith.constant 0 : i32
        %dma_wait3A_208 = arith.constant 0 : i32
        %dma_wait3A_209 = tpu.memref_slice %arg20[%dma_wait3A_207, %dma_wait3A_208] : memref<10112x128xf32, #tpu.memory_space<vmem_shared>> -> memref<10112x128xf32, #tpu.memory_space<vmem_shared>>
        tpu.wait_indirect_dma semaphore(%run_scoped3A : memref<!tpu.dma_semaphore, #tpu.memory_space<semaphore_mem>>) src(%arg13 : memref<64x128xf32, #tpu.memory_space<vmem>>) dst(%dma_wait3A_209 : memref<10112x128xf32, #tpu.memory_space<vmem_shared>>)
        tpu.yield
      }) : () -> ()
      %add3A_160 = arith.constant 2 : i32
      %add3A_161 = arith.addi %mul3A_119, %add3A_160 : i32
      %mul3A_162 = arith.constant 64 : i32
      %mul3A_163 = arith.muli %add3A_161, %mul3A_162 : i32
      %add3A_164 = arith.addi %mul3A_55, %mul3A_163 : i32
      "tpu.region"() ({
        %run_scoped3A = tpu.sem_alloc : memref<!tpu.dma_semaphore, #tpu.memory_space<semaphore_mem>>
        %dma_start3A_204 = tpu.memref_slice %arg5[%add3A_164] : memref<331840xi32, #tpu.memory_space<hbm>> -> memref<64xi32, #tpu.memory_space<hbm>>
        %dma_start3A_205 = tpu.memref_slice %arg5[%add3A_164] : memref<331840xi32, #tpu.memory_space<hbm>> -> memref<64xi32, #tpu.memory_space<hbm>>
        tpu.enqueue_dma source(%dma_start3A_205 : memref<64xi32, #tpu.memory_space<hbm>>) target(%arg9 : memref<64xi32, #tpu.memory_space<vmem>>) target_semaphore(%run_scoped3A : memref<!tpu.dma_semaphore, #tpu.memory_space<semaphore_mem>>)
        %dma_wait3A_206 = tpu.memref_slice %arg5[%add3A_164] : memref<331840xi32, #tpu.memory_space<hbm>> -> memref<64xi32, #tpu.memory_space<hbm>>
        %dma_wait3A_207 = tpu.memref_slice %arg5[%add3A_164] : memref<331840xi32, #tpu.memory_space<hbm>> -> memref<64xi32, #tpu.memory_space<hbm>>
        tpu.wait_dma2 semaphore(%run_scoped3A : memref<!tpu.dma_semaphore, #tpu.memory_space<semaphore_mem>>) src(%dma_wait3A_207 : memref<64xi32, #tpu.memory_space<hbm>>) dst(%arg9 : memref<64xi32, #tpu.memory_space<vmem>>)
        tpu.yield
      }) : () -> ()
      "tpu.region"() ({
        %run_scoped3A = tpu.sem_alloc : memref<!tpu.dma_semaphore, #tpu.memory_space<semaphore_mem>>
        %dma_start3A_204 = tpu.memref_slice %arg6[%add3A_164] : memref<331840xi32, #tpu.memory_space<hbm>> -> memref<64xi32, #tpu.memory_space<hbm>>
        %dma_start3A_205 = tpu.memref_slice %arg6[%add3A_164] : memref<331840xi32, #tpu.memory_space<hbm>> -> memref<64xi32, #tpu.memory_space<hbm>>
        tpu.enqueue_dma source(%dma_start3A_205 : memref<64xi32, #tpu.memory_space<hbm>>) target(%arg11 : memref<64xi32, #tpu.memory_space<vmem>>) target_semaphore(%run_scoped3A : memref<!tpu.dma_semaphore, #tpu.memory_space<semaphore_mem>>)
        %dma_wait3A_206 = tpu.memref_slice %arg6[%add3A_164] : memref<331840xi32, #tpu.memory_space<hbm>> -> memref<64xi32, #tpu.memory_space<hbm>>
        %dma_wait3A_207 = tpu.memref_slice %arg6[%add3A_164] : memref<331840xi32, #tpu.memory_space<hbm>> -> memref<64xi32, #tpu.memory_space<hbm>>
        tpu.wait_dma2 semaphore(%run_scoped3A : memref<!tpu.dma_semaphore, #tpu.memory_space<semaphore_mem>>) src(%dma_wait3A_207 : memref<64xi32, #tpu.memory_space<hbm>>) dst(%arg11 : memref<64xi32, #tpu.memory_space<vmem>>)
        tpu.yield
      }) : () -> ()
      %dma_start3A_165 = arith.constant 0 : i32
      %dma_start3A_166 = arith.constant 0 : i32
      %dma_start3A_167 = tpu.memref_slice %arg2[%dma_start3A_165, %dma_start3A_166] : memref<10000x128xf32, #tpu.memory_space<hbm>> -> memref<10000x128xf32, #tpu.memory_space<hbm>>
      tpu.enqueue_indirect_dma source(%dma_start3A_167 : memref<10000x128xf32, #tpu.memory_space<hbm>>) target(%arg13 : memref<64x128xf32, #tpu.memory_space<vmem>>) offsets(%arg9 : memref<64xi32, #tpu.memory_space<vmem>>) semaphore(%arg21 : memref<!tpu.dma_semaphore, #tpu.memory_space<semaphore_mem>>)
      %dma_start3A_168 = arith.constant 0 : i32
      %dma_start3A_169 = arith.constant 0 : i32
      %dma_start3A_170 = tpu.memref_slice %arg3[%dma_start3A_168, %dma_start3A_169] : memref<10000x128xf32, #tpu.memory_space<hbm>> -> memref<10000x128xf32, #tpu.memory_space<hbm>>
      tpu.enqueue_indirect_dma source(%dma_start3A_170 : memref<10000x128xf32, #tpu.memory_space<hbm>>) target(%arg15 : memref<64x128xf32, #tpu.memory_space<vmem>>) offsets(%arg11 : memref<64xi32, #tpu.memory_space<vmem>>) semaphore(%arg23 : memref<!tpu.dma_semaphore, #tpu.memory_space<semaphore_mem>>)
      %add3A_171 = arith.constant 1 : i32
      %add3A_172 = arith.addi %mul3A_119, %add3A_171 : i32
      %dma_wait3A_173 = arith.constant 0 : i32
      %dma_wait3A_174 = arith.constant 0 : i32
      %dma_wait3A_175 = tpu.memref_slice %arg2[%dma_wait3A_173, %dma_wait3A_174] : memref<10000x128xf32, #tpu.memory_space<hbm>> -> memref<10000x128xf32, #tpu.memory_space<hbm>>
      tpu.wait_indirect_dma semaphore(%arg22 : memref<!tpu.dma_semaphore, #tpu.memory_space<semaphore_mem>>) src(%dma_wait3A_175 : memref<10000x128xf32, #tpu.memory_space<hbm>>) dst(%arg14 : memref<64x128xf32, #tpu.memory_space<vmem>>)
      %dma_wait3A_176 = arith.constant 0 : i32
      %dma_wait3A_177 = arith.constant 0 : i32
      %dma_wait3A_178 = tpu.memref_slice %arg3[%dma_wait3A_176, %dma_wait3A_177] : memref<10000x128xf32, #tpu.memory_space<hbm>> -> memref<10000x128xf32, #tpu.memory_space<hbm>>
      tpu.wait_indirect_dma semaphore(%arg24 : memref<!tpu.dma_semaphore, #tpu.memory_space<semaphore_mem>>) src(%dma_wait3A_178 : memref<10000x128xf32, #tpu.memory_space<hbm>>) dst(%arg16 : memref<64x128xf32, #tpu.memory_space<vmem>>)
      %mul3A_179 = arith.constant 64 : i32
      %mul3A_180 = arith.muli %add3A_172, %mul3A_179 : i32
      %add3A_181 = arith.addi %mul3A_55, %mul3A_180 : i32
      %parallel_loop3A_182 = arith.constant 0 : i32
      %parallel_loop3A_183 = arith.constant 64 : i32
      %parallel_loop3A_184 = arith.constant 1 : i32
      scf.for %parallel_loop3A_204 = %parallel_loop3A_182 to %parallel_loop3A_183 step %parallel_loop3A_184  : i32 {
        %parallel_loop3A_205 = arith.constant 0.000000e+00 : f32
        %parallel_loop3A_206 = vector.broadcast %parallel_loop3A_205 : f32 to vector<16xf32>
        %parallel_loop3A_207 = arith.index_cast %parallel_loop3A_204 : i32 to index
        %parallel_loop3A_208 = arith.constant 0 : index
        %parallel_loop3A_209 = tpu.vector_load %arg14[%parallel_loop3A_207, %parallel_loop3A_208] {strides = array<i32>} : memref<64x128xf32, #tpu.memory_space<vmem>>, vector<16xf32>,
        %parallel_loop3A_210 = arith.index_cast %parallel_loop3A_204 : i32 to index
        %parallel_loop3A_211 = arith.constant 0 : index
        %parallel_loop3A_212 = tpu.vector_load %arg16[%parallel_loop3A_210, %parallel_loop3A_211] {strides = array<i32>} : memref<64x128xf32, #tpu.memory_space<vmem>>, vector<16xf32>,
        %parallel_loop3A_213 = arith.addf %parallel_loop3A_209, %parallel_loop3A_212 : vector<16xf32>
        %parallel_loop3A_214 = arith.constant 2.000000e-01 : f32
        %parallel_loop3A_215 = vector.broadcast %parallel_loop3A_214 : f32 to vector<16xf32>
        %parallel_loop3A_216 = arith.mulf %parallel_loop3A_215, %parallel_loop3A_213 : vector<16xf32>
        %parallel_loop3A_217 = arith.maximumf %parallel_loop3A_213, %parallel_loop3A_216 : vector<16xf32>
        %parallel_loop3A_218 = arith.mulf %parallel_loop3A_217, %get3A_37 : vector<16xf32>
        %parallel_loop3A_219 = arith.addf %parallel_loop3A_206, %parallel_loop3A_218 : vector<16xf32>
        %parallel_loop3A_220 = arith.index_cast %parallel_loop3A_204 : i32 to index
        %parallel_loop3A_221 = arith.constant 16 : index
        %parallel_loop3A_222 = tpu.vector_load %arg14[%parallel_loop3A_220, %parallel_loop3A_221] {strides = array<i32>} : memref<64x128xf32, #tpu.memory_space<vmem>>, vector<16xf32>,
        %parallel_loop3A_223 = arith.index_cast %parallel_loop3A_204 : i32 to index
        %parallel_loop3A_224 = arith.constant 16 : index
        %parallel_loop3A_225 = tpu.vector_load %arg16[%parallel_loop3A_223, %parallel_loop3A_224] {strides = array<i32>} : memref<64x128xf32, #tpu.memory_space<vmem>>, vector<16xf32>,
        %parallel_loop3A_226 = arith.addf %parallel_loop3A_222, %parallel_loop3A_225 : vector<16xf32>
        %parallel_loop3A_227 = arith.constant 2.000000e-01 : f32
        %parallel_loop3A_228 = vector.broadcast %parallel_loop3A_227 : f32 to vector<16xf32>
        %parallel_loop3A_229 = arith.mulf %parallel_loop3A_228, %parallel_loop3A_226 : vector<16xf32>
        %parallel_loop3A_230 = arith.maximumf %parallel_loop3A_226, %parallel_loop3A_229 : vector<16xf32>
        %parallel_loop3A_231 = arith.mulf %parallel_loop3A_230, %get3A_39 : vector<16xf32>
        %parallel_loop3A_232 = arith.addf %parallel_loop3A_219, %parallel_loop3A_231 : vector<16xf32>
        %parallel_loop3A_233 = arith.index_cast %parallel_loop3A_204 : i32 to index
        %parallel_loop3A_234 = arith.constant 32 : index
        %parallel_loop3A_235 = tpu.vector_load %arg14[%parallel_loop3A_233, %parallel_loop3A_234] {strides = array<i32>} : memref<64x128xf32, #tpu.memory_space<vmem>>, vector<16xf32>,
        %parallel_loop3A_236 = arith.index_cast %parallel_loop3A_204 : i32 to index
        %parallel_loop3A_237 = arith.constant 32 : index
        %parallel_loop3A_238 = tpu.vector_load %arg16[%parallel_loop3A_236, %parallel_loop3A_237] {strides = array<i32>} : memref<64x128xf32, #tpu.memory_space<vmem>>, vector<16xf32>,
        %parallel_loop3A_239 = arith.addf %parallel_loop3A_235, %parallel_loop3A_238 : vector<16xf32>
        %parallel_loop3A_240 = arith.constant 2.000000e-01 : f32
        %parallel_loop3A_241 = vector.broadcast %parallel_loop3A_240 : f32 to vector<16xf32>
        %parallel_loop3A_242 = arith.mulf %parallel_loop3A_241, %parallel_loop3A_239 : vector<16xf32>
        %parallel_loop3A_243 = arith.maximumf %parallel_loop3A_239, %parallel_loop3A_242 : vector<16xf32>
        %parallel_loop3A_244 = arith.mulf %parallel_loop3A_243, %get3A_41 : vector<16xf32>
        %parallel_loop3A_245 = arith.addf %parallel_loop3A_232, %parallel_loop3A_244 : vector<16xf32>
        %parallel_loop3A_246 = arith.index_cast %parallel_loop3A_204 : i32 to index
        %parallel_loop3A_247 = arith.constant 48 : index
        %parallel_loop3A_248 = tpu.vector_load %arg14[%parallel_loop3A_246, %parallel_loop3A_247] {strides = array<i32>} : memref<64x128xf32, #tpu.memory_space<vmem>>, vector<16xf32>,
        %parallel_loop3A_249 = arith.index_cast %parallel_loop3A_204 : i32 to index
        %parallel_loop3A_250 = arith.constant 48 : index
        %parallel_loop3A_251 = tpu.vector_load %arg16[%parallel_loop3A_249, %parallel_loop3A_250] {strides = array<i32>} : memref<64x128xf32, #tpu.memory_space<vmem>>, vector<16xf32>,
        %parallel_loop3A_252 = arith.addf %parallel_loop3A_248, %parallel_loop3A_251 : vector<16xf32>
        %parallel_loop3A_253 = arith.constant 2.000000e-01 : f32
        %parallel_loop3A_254 = vector.broadcast %parallel_loop3A_253 : f32 to vector<16xf32>
        %parallel_loop3A_255 = arith.mulf %parallel_loop3A_254, %parallel_loop3A_252 : vector<16xf32>
        %parallel_loop3A_256 = arith.maximumf %parallel_loop3A_252, %parallel_loop3A_255 : vector<16xf32>
        %parallel_loop3A_257 = arith.mulf %parallel_loop3A_256, %get3A_43 : vector<16xf32>
        %parallel_loop3A_258 = arith.addf %parallel_loop3A_245, %parallel_loop3A_257 : vector<16xf32>
        %parallel_loop3A_259 = arith.index_cast %parallel_loop3A_204 : i32 to index
        %parallel_loop3A_260 = arith.constant 64 : index
        %parallel_loop3A_261 = tpu.vector_load %arg14[%parallel_loop3A_259, %parallel_loop3A_260] {strides = array<i32>} : memref<64x128xf32, #tpu.memory_space<vmem>>, vector<16xf32>,
        %parallel_loop3A_262 = arith.index_cast %parallel_loop3A_204 : i32 to index
        %parallel_loop3A_263 = arith.constant 64 : index
        %parallel_loop3A_264 = tpu.vector_load %arg16[%parallel_loop3A_262, %parallel_loop3A_263] {strides = array<i32>} : memref<64x128xf32, #tpu.memory_space<vmem>>, vector<16xf32>,
        %parallel_loop3A_265 = arith.addf %parallel_loop3A_261, %parallel_loop3A_264 : vector<16xf32>
        %parallel_loop3A_266 = arith.constant 2.000000e-01 : f32
        %parallel_loop3A_267 = vector.broadcast %parallel_loop3A_266 : f32 to vector<16xf32>
        %parallel_loop3A_268 = arith.mulf %parallel_loop3A_267, %parallel_loop3A_265 : vector<16xf32>
        %parallel_loop3A_269 = arith.maximumf %parallel_loop3A_265, %parallel_loop3A_268 : vector<16xf32>
        %parallel_loop3A_270 = arith.mulf %parallel_loop3A_269, %get3A_45 : vector<16xf32>
        %parallel_loop3A_271 = arith.addf %parallel_loop3A_258, %parallel_loop3A_270 : vector<16xf32>
        %parallel_loop3A_272 = arith.index_cast %parallel_loop3A_204 : i32 to index
        %parallel_loop3A_273 = arith.constant 80 : index
        %parallel_loop3A_274 = tpu.vector_load %arg14[%parallel_loop3A_272, %parallel_loop3A_273] {strides = array<i32>} : memref<64x128xf32, #tpu.memory_space<vmem>>, vector<16xf32>,
        %parallel_loop3A_275 = arith.index_cast %parallel_loop3A_204 : i32 to index
        %parallel_loop3A_276 = arith.constant 80 : index
        %parallel_loop3A_277 = tpu.vector_load %arg16[%parallel_loop3A_275, %parallel_loop3A_276] {strides = array<i32>} : memref<64x128xf32, #tpu.memory_space<vmem>>, vector<16xf32>,
        %parallel_loop3A_278 = arith.addf %parallel_loop3A_274, %parallel_loop3A_277 : vector<16xf32>
        %parallel_loop3A_279 = arith.constant 2.000000e-01 : f32
        %parallel_loop3A_280 = vector.broadcast %parallel_loop3A_279 : f32 to vector<16xf32>
        %parallel_loop3A_281 = arith.mulf %parallel_loop3A_280, %parallel_loop3A_278 : vector<16xf32>
        %parallel_loop3A_282 = arith.maximumf %parallel_loop3A_278, %parallel_loop3A_281 : vector<16xf32>
        %parallel_loop3A_283 = arith.mulf %parallel_loop3A_282, %get3A_47 : vector<16xf32>
        %parallel_loop3A_284 = arith.addf %parallel_loop3A_271, %parallel_loop3A_283 : vector<16xf32>
        %parallel_loop3A_285 = arith.index_cast %parallel_loop3A_204 : i32 to index
        %parallel_loop3A_286 = arith.constant 96 : index
        %parallel_loop3A_287 = tpu.vector_load %arg14[%parallel_loop3A_285, %parallel_loop3A_286] {strides = array<i32>} : memref<64x128xf32, #tpu.memory_space<vmem>>, vector<16xf32>,
        %parallel_loop3A_288 = arith.index_cast %parallel_loop3A_204 : i32 to index
        %parallel_loop3A_289 = arith.constant 96 : index
        %parallel_loop3A_290 = tpu.vector_load %arg16[%parallel_loop3A_288, %parallel_loop3A_289] {strides = array<i32>} : memref<64x128xf32, #tpu.memory_space<vmem>>, vector<16xf32>,
        %parallel_loop3A_291 = arith.addf %parallel_loop3A_287, %parallel_loop3A_290 : vector<16xf32>
        %parallel_loop3A_292 = arith.constant 2.000000e-01 : f32
        %parallel_loop3A_293 = vector.broadcast %parallel_loop3A_292 : f32 to vector<16xf32>
        %parallel_loop3A_294 = arith.mulf %parallel_loop3A_293, %parallel_loop3A_291 : vector<16xf32>
        %parallel_loop3A_295 = arith.maximumf %parallel_loop3A_291, %parallel_loop3A_294 : vector<16xf32>
        %parallel_loop3A_296 = arith.mulf %parallel_loop3A_295, %get3A_49 : vector<16xf32>
        %parallel_loop3A_297 = arith.addf %parallel_loop3A_284, %parallel_loop3A_296 : vector<16xf32>
        %parallel_loop3A_298 = arith.index_cast %parallel_loop3A_204 : i32 to index
        %parallel_loop3A_299 = arith.constant 112 : index
        %parallel_loop3A_300 = tpu.vector_load %arg14[%parallel_loop3A_298, %parallel_loop3A_299] {strides = array<i32>} : memref<64x128xf32, #tpu.memory_space<vmem>>, vector<16xf32>,
        %parallel_loop3A_301 = arith.index_cast %parallel_loop3A_204 : i32 to index
        %parallel_loop3A_302 = arith.constant 112 : index
        %parallel_loop3A_303 = tpu.vector_load %arg16[%parallel_loop3A_301, %parallel_loop3A_302] {strides = array<i32>} : memref<64x128xf32, #tpu.memory_space<vmem>>, vector<16xf32>,
        %parallel_loop3A_304 = arith.addf %parallel_loop3A_300, %parallel_loop3A_303 : vector<16xf32>
        %parallel_loop3A_305 = arith.constant 2.000000e-01 : f32
        %parallel_loop3A_306 = vector.broadcast %parallel_loop3A_305 : f32 to vector<16xf32>
        %parallel_loop3A_307 = arith.mulf %parallel_loop3A_306, %parallel_loop3A_304 : vector<16xf32>
        %parallel_loop3A_308 = arith.maximumf %parallel_loop3A_304, %parallel_loop3A_307 : vector<16xf32>
        %parallel_loop3A_309 = arith.mulf %parallel_loop3A_308, %get3A_51 : vector<16xf32>
        %parallel_loop3A_310 = arith.addf %parallel_loop3A_297, %parallel_loop3A_309 : vector<16xf32>
        %parallel_loop3A_311 = arith.constant true
        %parallel_loop3A_312 = vector.broadcast %parallel_loop3A_311 : i1 to vector<16xi1>
        %parallel_loop3A_313 = tpu.scan <sum>, %parallel_loop3A_310 masked %parallel_loop3A_312 : vector<16xf32>, vector<16xi1> -> vector<16xf32>
        %parallel_loop3A_314 = vector.extract %parallel_loop3A_313[15] : f32 from vector<16xf32>
        %parallel_loop3A_315 = arith.addi %add3A_181, %parallel_loop3A_204 : i32
        %parallel_loop3A_316 = arith.constant 330000 : i32
        %parallel_loop3A_317 = arith.cmpi slt, %parallel_loop3A_315, %parallel_loop3A_316 : i32
        %parallel_loop3A_318 = arith.constant 1.000000e+00 : f32
        %parallel_loop3A_319 = arith.constant 0.000000e+00 : f32
        %parallel_loop3A_320 = arith.select %parallel_loop3A_317, %parallel_loop3A_318, %parallel_loop3A_319 : f32
        %parallel_loop3A_321 = vector.broadcast %parallel_loop3A_314 : f32 to vector<16xf32>
        %parallel_loop3A_322 = math.exp %parallel_loop3A_321 : vector<16xf32>
        %parallel_loop3A_323 = vector.broadcast %parallel_loop3A_320 : f32 to vector<16xf32>
        %parallel_loop3A_324 = arith.mulf %parallel_loop3A_322, %parallel_loop3A_323 : vector<16xf32>
        %parallel_loop3A_325 = arith.mulf %parallel_loop3A_209, %parallel_loop3A_324 : vector<16xf32>
        %parallel_loop3A_326 = arith.index_cast %parallel_loop3A_204 : i32 to index
        %parallel_loop3A_327 = arith.constant 0 : index
        %parallel_loop3A_328 = tpu.vector_load %arg14[%parallel_loop3A_326, %parallel_loop3A_327] {strides = array<i32>} : memref<64x128xf32, #tpu.memory_space<vmem>>, vector<16xf32>,
        tpu.vector_store %arg14[%parallel_loop3A_326, %parallel_loop3A_327], %parallel_loop3A_325 {strides = array<i32>} : memref<64x128xf32, #tpu.memory_space<vmem>>, vector<16xf32>,
        %parallel_loop3A_329 = arith.mulf %parallel_loop3A_222, %parallel_loop3A_324 : vector<16xf32>
        %parallel_loop3A_330 = arith.index_cast %parallel_loop3A_204 : i32 to index
        %parallel_loop3A_331 = arith.constant 16 : index
        %parallel_loop3A_332 = tpu.vector_load %arg14[%parallel_loop3A_330, %parallel_loop3A_331] {strides = array<i32>} : memref<64x128xf32, #tpu.memory_space<vmem>>, vector<16xf32>,
        tpu.vector_store %arg14[%parallel_loop3A_330, %parallel_loop3A_331], %parallel_loop3A_329 {strides = array<i32>} : memref<64x128xf32, #tpu.memory_space<vmem>>, vector<16xf32>,
        %parallel_loop3A_333 = arith.mulf %parallel_loop3A_235, %parallel_loop3A_324 : vector<16xf32>
        %parallel_loop3A_334 = arith.index_cast %parallel_loop3A_204 : i32 to index
        %parallel_loop3A_335 = arith.constant 32 : index
        %parallel_loop3A_336 = tpu.vector_load %arg14[%parallel_loop3A_334, %parallel_loop3A_335] {strides = array<i32>} : memref<64x128xf32, #tpu.memory_space<vmem>>, vector<16xf32>,
        tpu.vector_store %arg14[%parallel_loop3A_334, %parallel_loop3A_335], %parallel_loop3A_333 {strides = array<i32>} : memref<64x128xf32, #tpu.memory_space<vmem>>, vector<16xf32>,
        %parallel_loop3A_337 = arith.mulf %parallel_loop3A_248, %parallel_loop3A_324 : vector<16xf32>
        %parallel_loop3A_338 = arith.index_cast %parallel_loop3A_204 : i32 to index
        %parallel_loop3A_339 = arith.constant 48 : index
        %parallel_loop3A_340 = tpu.vector_load %arg14[%parallel_loop3A_338, %parallel_loop3A_339] {strides = array<i32>} : memref<64x128xf32, #tpu.memory_space<vmem>>, vector<16xf32>,
        tpu.vector_store %arg14[%parallel_loop3A_338, %parallel_loop3A_339], %parallel_loop3A_337 {strides = array<i32>} : memref<64x128xf32, #tpu.memory_space<vmem>>, vector<16xf32>,
        %parallel_loop3A_341 = arith.mulf %parallel_loop3A_261, %parallel_loop3A_324 : vector<16xf32>
        %parallel_loop3A_342 = arith.index_cast %parallel_loop3A_204 : i32 to index
        %parallel_loop3A_343 = arith.constant 64 : index
        %parallel_loop3A_344 = tpu.vector_load %arg14[%parallel_loop3A_342, %parallel_loop3A_343] {strides = array<i32>} : memref<64x128xf32, #tpu.memory_space<vmem>>, vector<16xf32>,
        tpu.vector_store %arg14[%parallel_loop3A_342, %parallel_loop3A_343], %parallel_loop3A_341 {strides = array<i32>} : memref<64x128xf32, #tpu.memory_space<vmem>>, vector<16xf32>,
        %parallel_loop3A_345 = arith.mulf %parallel_loop3A_274, %parallel_loop3A_324 : vector<16xf32>
        %parallel_loop3A_346 = arith.index_cast %parallel_loop3A_204 : i32 to index
        %parallel_loop3A_347 = arith.constant 80 : index
        %parallel_loop3A_348 = tpu.vector_load %arg14[%parallel_loop3A_346, %parallel_loop3A_347] {strides = array<i32>} : memref<64x128xf32, #tpu.memory_space<vmem>>, vector<16xf32>,
        tpu.vector_store %arg14[%parallel_loop3A_346, %parallel_loop3A_347], %parallel_loop3A_345 {strides = array<i32>} : memref<64x128xf32, #tpu.memory_space<vmem>>, vector<16xf32>,
        %parallel_loop3A_349 = arith.mulf %parallel_loop3A_287, %parallel_loop3A_324 : vector<16xf32>
        %parallel_loop3A_350 = arith.index_cast %parallel_loop3A_204 : i32 to index
        %parallel_loop3A_351 = arith.constant 96 : index
        %parallel_loop3A_352 = tpu.vector_load %arg14[%parallel_loop3A_350, %parallel_loop3A_351] {strides = array<i32>} : memref<64x128xf32, #tpu.memory_space<vmem>>, vector<16xf32>,
        tpu.vector_store %arg14[%parallel_loop3A_350, %parallel_loop3A_351], %parallel_loop3A_349 {strides = array<i32>} : memref<64x128xf32, #tpu.memory_space<vmem>>, vector<16xf32>,
        %parallel_loop3A_353 = arith.mulf %parallel_loop3A_300, %parallel_loop3A_324 : vector<16xf32>
        %parallel_loop3A_354 = arith.index_cast %parallel_loop3A_204 : i32 to index
        %parallel_loop3A_355 = arith.constant 112 : index
        %parallel_loop3A_356 = tpu.vector_load %arg14[%parallel_loop3A_354, %parallel_loop3A_355] {strides = array<i32>} : memref<64x128xf32, #tpu.memory_space<vmem>>, vector<16xf32>,
        tpu.vector_store %arg14[%parallel_loop3A_354, %parallel_loop3A_355], %parallel_loop3A_353 {strides = array<i32>} : memref<64x128xf32, #tpu.memory_space<vmem>>, vector<16xf32>,
        %parallel_loop3A_357 = vector.broadcast %parallel_loop3A_204 : i32 to vector<16xi32>
        tpu.vector_store_idx %arg19[%parallel_loop3A_357], %parallel_loop3A_324 masked %eq3A_53 : memref<64xf32, #tpu.memory_space<vmem>>[vector<16xi32>], vector<16xf32>, vector<16xi1>
      } {sc.loop_unroll_factor = 4 : i64, sc.parallel_access}
      %scan3A_185 = arith.constant 0 : i32
      %scan3A_186 = arith.constant 0 : i32
      %scan3A_187 = arith.constant 3 : i32
      %scan3A_188 = arith.addi %scan3A_186, %scan3A_187 : i32
      %scan3A_189 = arith.constant 3 : i32
      %scan3A_190 = scf.for %scan3A_204 = %scan3A_186 to %scan3A_188 step %scan3A_189 iter_args(%scan3A_205 = %scan3A_185) -> (i32)  : i32 {
        %mul3A_206 = arith.constant 16 : i32
        %mul3A_207 = arith.muli %scan3A_204, %mul3A_206 : i32
        %get3A_208 = arith.index_cast %mul3A_207 : i32 to index
        %get3A_209 = tpu.vector_load %arg19[%get3A_208] {strides = array<i32>} : memref<64xf32, #tpu.memory_space<vmem>>, vector<16xf32>,
        %mul3A_210 = arith.constant 16 : i32
        %mul3A_211 = arith.muli %scan3A_204, %mul3A_210 : i32
        %get3A_212 = arith.index_cast %mul3A_211 : i32 to index
        %get3A_213 = tpu.vector_load %arg12[%get3A_212] {strides = array<i32>} : memref<64xi32, #tpu.memory_space<vmem>>, vector<16xi32>,
        tpu.vector_store_idx %arg18[%get3A_213], %get3A_209 {add = true} : memref<10112xf32, #tpu.memory_space<vmem>>[vector<16xi32>], vector<16xf32>,
        %scan3A_214 = arith.constant 0 : i32
        %scan3A_215 = arith.constant 1 : i32
        %scan3A_216 = arith.addi %scan3A_204, %scan3A_215 : i32
        %mul3A_217 = arith.constant 16 : i32
        %mul3A_218 = arith.muli %scan3A_216, %mul3A_217 : i32
        %get3A_219 = arith.index_cast %mul3A_218 : i32 to index
        %get3A_220 = tpu.vector_load %arg19[%get3A_219] {strides = array<i32>} : memref<64xf32, #tpu.memory_space<vmem>>, vector<16xf32>,
        %mul3A_221 = arith.constant 16 : i32
        %mul3A_222 = arith.muli %scan3A_216, %mul3A_221 : i32
        %get3A_223 = arith.index_cast %mul3A_222 : i32 to index
        %get3A_224 = tpu.vector_load %arg12[%get3A_223] {strides = array<i32>} : memref<64xi32, #tpu.memory_space<vmem>>, vector<16xi32>,
        tpu.vector_store_idx %arg18[%get3A_224], %get3A_220 {add = true} : memref<10112xf32, #tpu.memory_space<vmem>>[vector<16xi32>], vector<16xf32>,
        %scan3A_225 = arith.constant 0 : i32
        %scan3A_226 = arith.constant 2 : i32
        %scan3A_227 = arith.addi %scan3A_204, %scan3A_226 : i32
        %mul3A_228 = arith.constant 16 : i32
        %mul3A_229 = arith.muli %scan3A_227, %mul3A_228 : i32
        %get3A_230 = arith.index_cast %mul3A_229 : i32 to index
        %get3A_231 = tpu.vector_load %arg19[%get3A_230] {strides = array<i32>} : memref<64xf32, #tpu.memory_space<vmem>>, vector<16xf32>,
        %mul3A_232 = arith.constant 16 : i32
        %mul3A_233 = arith.muli %scan3A_227, %mul3A_232 : i32
        %get3A_234 = arith.index_cast %mul3A_233 : i32 to index
        %get3A_235 = tpu.vector_load %arg12[%get3A_234] {strides = array<i32>} : memref<64xi32, #tpu.memory_space<vmem>>, vector<16xi32>,
        tpu.vector_store_idx %arg18[%get3A_235], %get3A_231 {add = true} : memref<10112xf32, #tpu.memory_space<vmem>>[vector<16xi32>], vector<16xf32>,
        %scan3A_236 = arith.constant 0 : i32
        scf.yield %scan3A_236 : i32
      }
      %scan3A_191 = arith.constant 3 : i32
      %scan3A_192 = arith.addi %scan3A_186, %scan3A_191 : i32
      %mul3A_193 = arith.constant 16 : i32
      %mul3A_194 = arith.muli %scan3A_192, %mul3A_193 : i32
      %get3A_195 = arith.index_cast %mul3A_194 : i32 to index
      %get3A_196 = tpu.vector_load %arg19[%get3A_195] {strides = array<i32>} : memref<64xf32, #tpu.memory_space<vmem>>, vector<16xf32>,
      %mul3A_197 = arith.constant 16 : i32
      %mul3A_198 = arith.muli %scan3A_192, %mul3A_197 : i32
      %get3A_199 = arith.index_cast %mul3A_198 : i32 to index
      %get3A_200 = tpu.vector_load %arg12[%get3A_199] {strides = array<i32>} : memref<64xi32, #tpu.memory_space<vmem>>, vector<16xi32>,
      tpu.vector_store_idx %arg18[%get3A_200], %get3A_196 {add = true} : memref<10112xf32, #tpu.memory_space<vmem>>[vector<16xi32>], vector<16xf32>,
      %scan3A_201 = arith.constant 0 : i32
      %scan3A_202 = arith.constant 4 : i32
      "tpu.region"() ({
        %run_scoped3A = tpu.sem_alloc : memref<!tpu.dma_semaphore, #tpu.memory_space<semaphore_mem>>
        %dma_start3A_204 = arith.constant 0 : i32
        %dma_start3A_205 = arith.constant 0 : i32
        %dma_start3A_206 = tpu.memref_slice %arg20[%dma_start3A_204, %dma_start3A_205] : memref<10112x128xf32, #tpu.memory_space<vmem_shared>> -> memref<10112x128xf32, #tpu.memory_space<vmem_shared>>
        tpu.enqueue_indirect_dma source(%arg14 : memref<64x128xf32, #tpu.memory_space<vmem>>) target(%dma_start3A_206 : memref<10112x128xf32, #tpu.memory_space<vmem_shared>>) offsets(%arg12 : memref<64xi32, #tpu.memory_space<vmem>>) semaphore(%run_scoped3A : memref<!tpu.dma_semaphore, #tpu.memory_space<semaphore_mem>>) {add = true}
        %dma_wait3A_207 = arith.constant 0 : i32
        %dma_wait3A_208 = arith.constant 0 : i32
        %dma_wait3A_209 = tpu.memref_slice %arg20[%dma_wait3A_207, %dma_wait3A_208] : memref<10112x128xf32, #tpu.memory_space<vmem_shared>> -> memref<10112x128xf32, #tpu.memory_space<vmem_shared>>
        tpu.wait_indirect_dma semaphore(%run_scoped3A : memref<!tpu.dma_semaphore, #tpu.memory_space<semaphore_mem>>) src(%arg14 : memref<64x128xf32, #tpu.memory_space<vmem>>) dst(%dma_wait3A_209 : memref<10112x128xf32, #tpu.memory_space<vmem_shared>>)
        tpu.yield
      }) : () -> ()
      %scan3A_203 = arith.constant 0 : i32
      scf.yield %scan3A_203 : i32
    }
    %scan3A_69 = arith.constant 81 : i32
    %dma_wait3A = arith.constant 0 : i32
    %dma_wait3A_70 = arith.constant 0 : i32
    %dma_wait3A_71 = tpu.memref_slice %arg2[%dma_wait3A, %dma_wait3A_70] : memref<10000x128xf32, #tpu.memory_space<hbm>> -> memref<10000x128xf32, #tpu.memory_space<hbm>>
    tpu.wait_indirect_dma semaphore(%arg21 : memref<!tpu.dma_semaphore, #tpu.memory_space<semaphore_mem>>) src(%dma_wait3A_71 : memref<10000x128xf32, #tpu.memory_space<hbm>>) dst(%arg13 : memref<64x128xf32, #tpu.memory_space<vmem>>)
    %dma_wait3A_72 = arith.constant 0 : i32
    %dma_wait3A_73 = arith.constant 0 : i32
    %dma_wait3A_74 = tpu.memref_slice %arg3[%dma_wait3A_72, %dma_wait3A_73] : memref<10000x128xf32, #tpu.memory_space<hbm>> -> memref<10000x128xf32, #tpu.memory_space<hbm>>
    tpu.wait_indirect_dma semaphore(%arg23 : memref<!tpu.dma_semaphore, #tpu.memory_space<semaphore_mem>>) src(%dma_wait3A_74 : memref<10000x128xf32, #tpu.memory_space<hbm>>) dst(%arg15 : memref<64x128xf32, #tpu.memory_space<vmem>>)
    "tpu.region"() ({
      %run_scoped3A = tpu.sem_alloc : memref<!tpu.dma_semaphore, #tpu.memory_space<semaphore_mem>>
      %dma_start3A_116 = arith.constant 0 : i32
      %dma_start3A_117 = tpu.memref_slice %arg8[%arg0, %arg1, %dma_start3A_116] : memref<2x16x10112xf32, #tpu.memory_space<hbm>> -> memref<1x1x10112xf32, #tpu.memory_space<hbm>>
      %dma_start3A_118 = tpu.memref_squeeze %dma_start3A_117 : memref<1x1x10112xf32, #tpu.memory_space<hbm>> -> memref<10112xf32, #tpu.memory_space<hbm>>
      %dma_start3A_119 = arith.constant 0 : i32
      %dma_start3A_120 = tpu.memref_slice %arg8[%arg0, %arg1, %dma_start3A_119] : memref<2x16x10112xf32, #tpu.memory_space<hbm>> -> memref<1x1x10112xf32, #tpu.memory_space<hbm>>
      %dma_start3A_121 = tpu.memref_squeeze %dma_start3A_120 : memref<1x1x10112xf32, #tpu.memory_space<hbm>> -> memref<10112xf32, #tpu.memory_space<hbm>>
      tpu.enqueue_dma source(%arg18 : memref<10112xf32, #tpu.memory_space<vmem>>) target(%dma_start3A_121 : memref<10112xf32, #tpu.memory_space<hbm>>) target_semaphore(%run_scoped3A : memref<!tpu.dma_semaphore, #tpu.memory_space<semaphore_mem>>)
      %dma_wait3A_122 = arith.constant 0 : i32
      %dma_wait3A_123 = tpu.memref_slice %arg8[%arg0, %arg1, %dma_wait3A_122] : memref<2x16x10112xf32, #tpu.memory_space<hbm>> -> memref<1x1x10112xf32, #tpu.memory_space<hbm>>
      %dma_wait3A_124 = tpu.memref_squeeze %dma_wait3A_123 : memref<1x1x10112xf32, #tpu.memory_space<hbm>> -> memref<10112xf32, #tpu.memory_space<hbm>>
      %dma_wait3A_125 = arith.constant 0 : i32
      %dma_wait3A_126 = tpu.memref_slice %arg8[%arg0, %arg1, %dma_wait3A_125] : memref<2x16x10112xf32, #tpu.memory_space<hbm>> -> memref<1x1x10112xf32, #tpu.memory_space<hbm>>
      %dma_wait3A_127 = tpu.memref_squeeze %dma_wait3A_126 : memref<1x1x10112xf32, #tpu.memory_space<hbm>> -> memref<10112xf32, #tpu.memory_space<hbm>>
      tpu.wait_dma2 semaphore(%run_scoped3A : memref<!tpu.dma_semaphore, #tpu.memory_space<semaphore_mem>>) src(%arg18 : memref<10112xf32, #tpu.memory_space<vmem>>) dst(%dma_wait3A_127 : memref<10112xf32, #tpu.memory_space<hbm>>)
      tpu.yield
    }) : () -> ()
    %barrier3A_75 = arith.constant 0 : index
    tpu.barrier barrier_id(%barrier3A_75)
    %add3A_76 = arith.constant 0 : i32
    %add3A_77 = arith.addi %mul3A_16, %add3A_76 : i32
    %add3A_78 = arith.constant 0 : i32
    %add3A_79 = arith.addi %mul3A_16, %add3A_78 : i32
    "tpu.region"() ({
      %run_scoped3A = tpu.sem_alloc : memref<!tpu.dma_semaphore, #tpu.memory_space<semaphore_mem>>
      %dma_start3A_116 = arith.constant 0 : i32
      %dma_start3A_117 = tpu.memref_slice %arg7[%arg0, %add3A_79, %dma_start3A_116] : memref<2x10112x128xf32, #tpu.memory_space<hbm>> -> memref<1x64x128xf32, #tpu.memory_space<hbm>>
      %dma_start3A_118 = tpu.memref_squeeze %dma_start3A_117 : memref<1x64x128xf32, #tpu.memory_space<hbm>> -> memref<64x128xf32, #tpu.memory_space<hbm>>
      %dma_start3A_119 = arith.constant 0 : i32
      %dma_start3A_120 = tpu.memref_slice %arg20[%add3A_77, %dma_start3A_119] : memref<10112x128xf32, #tpu.memory_space<vmem_shared>> -> memref<64x128xf32, #tpu.memory_space<vmem_shared>>
      tpu.enqueue_dma source(%dma_start3A_120 : memref<64x128xf32, #tpu.memory_space<vmem_shared>>) target(%dma_start3A_118 : memref<64x128xf32, #tpu.memory_space<hbm>>) target_semaphore(%run_scoped3A : memref<!tpu.dma_semaphore, #tpu.memory_space<semaphore_mem>>)
      %dma_wait3A_121 = arith.constant 0 : i32
      %dma_wait3A_122 = tpu.memref_slice %arg7[%arg0, %add3A_79, %dma_wait3A_121] : memref<2x10112x128xf32, #tpu.memory_space<hbm>> -> memref<1x64x128xf32, #tpu.memory_space<hbm>>
      %dma_wait3A_123 = tpu.memref_squeeze %dma_wait3A_122 : memref<1x64x128xf32, #tpu.memory_space<hbm>> -> memref<64x128xf32, #tpu.memory_space<hbm>>
      %dma_wait3A_124 = arith.constant 0 : i32
      %dma_wait3A_125 = tpu.memref_slice %arg20[%add3A_77, %dma_wait3A_124] : memref<10112x128xf32, #tpu.memory_space<vmem_shared>> -> memref<64x128xf32, #tpu.memory_space<vmem_shared>>
      tpu.wait_dma2 semaphore(%run_scoped3A : memref<!tpu.dma_semaphore, #tpu.memory_space<semaphore_mem>>) src(%dma_wait3A_125 : memref<64x128xf32, #tpu.memory_space<vmem_shared>>) dst(%dma_wait3A_123 : memref<64x128xf32, #tpu.memory_space<hbm>>)
      tpu.yield
    }) : () -> ()
    %add3A_80 = arith.constant 64 : i32
    %add3A_81 = arith.addi %mul3A_16, %add3A_80 : i32
    %add3A_82 = arith.constant 64 : i32
    %add3A_83 = arith.addi %mul3A_16, %add3A_82 : i32
    "tpu.region"() ({
      %run_scoped3A = tpu.sem_alloc : memref<!tpu.dma_semaphore, #tpu.memory_space<semaphore_mem>>
      %dma_start3A_116 = arith.constant 0 : i32
      %dma_start3A_117 = tpu.memref_slice %arg7[%arg0, %add3A_83, %dma_start3A_116] : memref<2x10112x128xf32, #tpu.memory_space<hbm>> -> memref<1x64x128xf32, #tpu.memory_space<hbm>>
      %dma_start3A_118 = tpu.memref_squeeze %dma_start3A_117 : memref<1x64x128xf32, #tpu.memory_space<hbm>> -> memref<64x128xf32, #tpu.memory_space<hbm>>
      %dma_start3A_119 = arith.constant 0 : i32
      %dma_start3A_120 = tpu.memref_slice %arg20[%add3A_81, %dma_start3A_119] : memref<10112x128xf32, #tpu.memory_space<vmem_shared>> -> memref<64x128xf32, #tpu.memory_space<vmem_shared>>
      tpu.enqueue_dma source(%dma_start3A_120 : memref<64x128xf32, #tpu.memory_space<vmem_shared>>) target(%dma_start3A_118 : memref<64x128xf32, #tpu.memory_space<hbm>>) target_semaphore(%run_scoped3A : memref<!tpu.dma_semaphore, #tpu.memory_space<semaphore_mem>>)
      %dma_wait3A_121 = arith.constant 0 : i32
      %dma_wait3A_122 = tpu.memref_slice %arg7[%arg0, %add3A_83, %dma_wait3A_121] : memref<2x10112x128xf32, #tpu.memory_space<hbm>> -> memref<1x64x128xf32, #tpu.memory_space<hbm>>
      %dma_wait3A_123 = tpu.memref_squeeze %dma_wait3A_122 : memref<1x64x128xf32, #tpu.memory_space<hbm>> -> memref<64x128xf32, #tpu.memory_space<hbm>>
      %dma_wait3A_124 = arith.constant 0 : i32
      %dma_wait3A_125 = tpu.memref_slice %arg20[%add3A_81, %dma_wait3A_124] : memref<10112x128xf32, #tpu.memory_space<vmem_shared>> -> memref<64x128xf32, #tpu.memory_space<vmem_shared>>
      tpu.wait_dma2 semaphore(%run_scoped3A : memref<!tpu.dma_semaphore, #tpu.memory_space<semaphore_mem>>) src(%dma_wait3A_125 : memref<64x128xf32, #tpu.memory_space<vmem_shared>>) dst(%dma_wait3A_123 : memref<64x128xf32, #tpu.memory_space<hbm>>)
      tpu.yield
    }) : () -> ()
    %add3A_84 = arith.constant 128 : i32
    %add3A_85 = arith.addi %mul3A_16, %add3A_84 : i32
    %add3A_86 = arith.constant 128 : i32
    %add3A_87 = arith.addi %mul3A_16, %add3A_86 : i32
    "tpu.region"() ({
      %run_scoped3A = tpu.sem_alloc : memref<!tpu.dma_semaphore, #tpu.memory_space<semaphore_mem>>
      %dma_start3A_116 = arith.constant 0 : i32
      %dma_start3A_117 = tpu.memref_slice %arg7[%arg0, %add3A_87, %dma_start3A_116] : memref<2x10112x128xf32, #tpu.memory_space<hbm>> -> memref<1x64x128xf32, #tpu.memory_space<hbm>>
      %dma_start3A_118 = tpu.memref_squeeze %dma_start3A_117 : memref<1x64x128xf32, #tpu.memory_space<hbm>> -> memref<64x128xf32, #tpu.memory_space<hbm>>
      %dma_start3A_119 = arith.constant 0 : i32
      %dma_start3A_120 = tpu.memref_slice %arg20[%add3A_85, %dma_start3A_119] : memref<10112x128xf32, #tpu.memory_space<vmem_shared>> -> memref<64x128xf32, #tpu.memory_space<vmem_shared>>
      tpu.enqueue_dma source(%dma_start3A_120 : memref<64x128xf32, #tpu.memory_space<vmem_shared>>) target(%dma_start3A_118 : memref<64x128xf32, #tpu.memory_space<hbm>>) target_semaphore(%run_scoped3A : memref<!tpu.dma_semaphore, #tpu.memory_space<semaphore_mem>>)
      %dma_wait3A_121 = arith.constant 0 : i32
      %dma_wait3A_122 = tpu.memref_slice %arg7[%arg0, %add3A_87, %dma_wait3A_121] : memref<2x10112x128xf32, #tpu.memory_space<hbm>> -> memref<1x64x128xf32, #tpu.memory_space<hbm>>
      %dma_wait3A_123 = tpu.memref_squeeze %dma_wait3A_122 : memref<1x64x128xf32, #tpu.memory_space<hbm>> -> memref<64x128xf32, #tpu.memory_space<hbm>>
      %dma_wait3A_124 = arith.constant 0 : i32
      %dma_wait3A_125 = tpu.memref_slice %arg20[%add3A_85, %dma_wait3A_124] : memref<10112x128xf32, #tpu.memory_space<vmem_shared>> -> memref<64x128xf32, #tpu.memory_space<vmem_shared>>
      tpu.wait_dma2 semaphore(%run_scoped3A : memref<!tpu.dma_semaphore, #tpu.memory_space<semaphore_mem>>) src(%dma_wait3A_125 : memref<64x128xf32, #tpu.memory_space<vmem_shared>>) dst(%dma_wait3A_123 : memref<64x128xf32, #tpu.memory_space<hbm>>)
      tpu.yield
    }) : () -> ()
    %add3A_88 = arith.constant 192 : i32
    %add3A_89 = arith.addi %mul3A_16, %add3A_88 : i32
    %add3A_90 = arith.constant 192 : i32
    %add3A_91 = arith.addi %mul3A_16, %add3A_90 : i32
    "tpu.region"() ({
      %run_scoped3A = tpu.sem_alloc : memref<!tpu.dma_semaphore, #tpu.memory_space<semaphore_mem>>
      %dma_start3A_116 = arith.constant 0 : i32
      %dma_start3A_117 = tpu.memref_slice %arg7[%arg0, %add3A_91, %dma_start3A_116] : memref<2x10112x128xf32, #tpu.memory_space<hbm>> -> memref<1x64x128xf32, #tpu.memory_space<hbm>>
      %dma_start3A_118 = tpu.memref_squeeze %dma_start3A_117 : memref<1x64x128xf32, #tpu.memory_space<hbm>> -> memref<64x128xf32, #tpu.memory_space<hbm>>
      %dma_start3A_119 = arith.constant 0 : i32
      %dma_start3A_120 = tpu.memref_slice %arg20[%add3A_89, %dma_start3A_119] : memref<10112x128xf32, #tpu.memory_space<vmem_shared>> -> memref<64x128xf32, #tpu.memory_space<vmem_shared>>
      tpu.enqueue_dma source(%dma_start3A_120 : memref<64x128xf32, #tpu.memory_space<vmem_shared>>) target(%dma_start3A_118 : memref<64x128xf32, #tpu.memory_space<hbm>>) target_semaphore(%run_scoped3A : memref<!tpu.dma_semaphore, #tpu.memory_space<semaphore_mem>>)
      %dma_wait3A_121 = arith.constant 0 : i32
      %dma_wait3A_122 = tpu.memref_slice %arg7[%arg0, %add3A_91, %dma_wait3A_121] : memref<2x10112x128xf32, #tpu.memory_space<hbm>> -> memref<1x64x128xf32, #tpu.memory_space<hbm>>
      %dma_wait3A_123 = tpu.memref_squeeze %dma_wait3A_122 : memref<1x64x128xf32, #tpu.memory_space<hbm>> -> memref<64x128xf32, #tpu.memory_space<hbm>>
      %dma_wait3A_124 = arith.constant 0 : i32
      %dma_wait3A_125 = tpu.memref_slice %arg20[%add3A_89, %dma_wait3A_124] : memref<10112x128xf32, #tpu.memory_space<vmem_shared>> -> memref<64x128xf32, #tpu.memory_space<vmem_shared>>
      tpu.wait_dma2 semaphore(%run_scoped3A : memref<!tpu.dma_semaphore, #tpu.memory_space<semaphore_mem>>) src(%dma_wait3A_125 : memref<64x128xf32, #tpu.memory_space<vmem_shared>>) dst(%dma_wait3A_123 : memref<64x128xf32, #tpu.memory_space<hbm>>)
      tpu.yield
    }) : () -> ()
    %add3A_92 = arith.constant 256 : i32
    %add3A_93 = arith.addi %mul3A_16, %add3A_92 : i32
    %add3A_94 = arith.constant 256 : i32
    %add3A_95 = arith.addi %mul3A_16, %add3A_94 : i32
    "tpu.region"() ({
      %run_scoped3A = tpu.sem_alloc : memref<!tpu.dma_semaphore, #tpu.memory_space<semaphore_mem>>
      %dma_start3A_116 = arith.constant 0 : i32
      %dma_start3A_117 = tpu.memref_slice %arg7[%arg0, %add3A_95, %dma_start3A_116] : memref<2x10112x128xf32, #tpu.memory_space<hbm>> -> memref<1x64x128xf32, #tpu.memory_space<hbm>>
      %dma_start3A_118 = tpu.memref_squeeze %dma_start3A_117 : memref<1x64x128xf32, #tpu.memory_space<hbm>> -> memref<64x128xf32, #tpu.memory_space<hbm>>
      %dma_start3A_119 = arith.constant 0 : i32
      %dma_start3A_120 = tpu.memref_slice %arg20[%add3A_93, %dma_start3A_119] : memref<10112x128xf32, #tpu.memory_space<vmem_shared>> -> memref<64x128xf32, #tpu.memory_space<vmem_shared>>
      tpu.enqueue_dma source(%dma_start3A_120 : memref<64x128xf32, #tpu.memory_space<vmem_shared>>) target(%dma_start3A_118 : memref<64x128xf32, #tpu.memory_space<hbm>>) target_semaphore(%run_scoped3A : memref<!tpu.dma_semaphore, #tpu.memory_space<semaphore_mem>>)
      %dma_wait3A_121 = arith.constant 0 : i32
      %dma_wait3A_122 = tpu.memref_slice %arg7[%arg0, %add3A_95, %dma_wait3A_121] : memref<2x10112x128xf32, #tpu.memory_space<hbm>> -> memref<1x64x128xf32, #tpu.memory_space<hbm>>
      %dma_wait3A_123 = tpu.memref_squeeze %dma_wait3A_122 : memref<1x64x128xf32, #tpu.memory_space<hbm>> -> memref<64x128xf32, #tpu.memory_space<hbm>>
      %dma_wait3A_124 = arith.constant 0 : i32
      %dma_wait3A_125 = tpu.memref_slice %arg20[%add3A_93, %dma_wait3A_124] : memref<10112x128xf32, #tpu.memory_space<vmem_shared>> -> memref<64x128xf32, #tpu.memory_space<vmem_shared>>
      tpu.wait_dma2 semaphore(%run_scoped3A : memref<!tpu.dma_semaphore, #tpu.memory_space<semaphore_mem>>) src(%dma_wait3A_125 : memref<64x128xf32, #tpu.memory_space<vmem_shared>>) dst(%dma_wait3A_123 : memref<64x128xf32, #tpu.memory_space<hbm>>)
      tpu.yield
    }) : () -> ()
    %add3A_96 = arith.constant 320 : i32
    %add3A_97 = arith.addi %mul3A_16, %add3A_96 : i32
    %add3A_98 = arith.constant 320 : i32
    %add3A_99 = arith.addi %mul3A_16, %add3A_98 : i32
    "tpu.region"() ({
      %run_scoped3A = tpu.sem_alloc : memref<!tpu.dma_semaphore, #tpu.memory_space<semaphore_mem>>
      %dma_start3A_116 = arith.constant 0 : i32
      %dma_start3A_117 = tpu.memref_slice %arg7[%arg0, %add3A_99, %dma_start3A_116] : memref<2x10112x128xf32, #tpu.memory_space<hbm>> -> memref<1x64x128xf32, #tpu.memory_space<hbm>>
      %dma_start3A_118 = tpu.memref_squeeze %dma_start3A_117 : memref<1x64x128xf32, #tpu.memory_space<hbm>> -> memref<64x128xf32, #tpu.memory_space<hbm>>
      %dma_start3A_119 = arith.constant 0 : i32
      %dma_start3A_120 = tpu.memref_slice %arg20[%add3A_97, %dma_start3A_119] : memref<10112x128xf32, #tpu.memory_space<vmem_shared>> -> memref<64x128xf32, #tpu.memory_space<vmem_shared>>
      tpu.enqueue_dma source(%dma_start3A_120 : memref<64x128xf32, #tpu.memory_space<vmem_shared>>) target(%dma_start3A_118 : memref<64x128xf32, #tpu.memory_space<hbm>>) target_semaphore(%run_scoped3A : memref<!tpu.dma_semaphore, #tpu.memory_space<semaphore_mem>>)
      %dma_wait3A_121 = arith.constant 0 : i32
      %dma_wait3A_122 = tpu.memref_slice %arg7[%arg0, %add3A_99, %dma_wait3A_121] : memref<2x10112x128xf32, #tpu.memory_space<hbm>> -> memref<1x64x128xf32, #tpu.memory_space<hbm>>
      %dma_wait3A_123 = tpu.memref_squeeze %dma_wait3A_122 : memref<1x64x128xf32, #tpu.memory_space<hbm>> -> memref<64x128xf32, #tpu.memory_space<hbm>>
      %dma_wait3A_124 = arith.constant 0 : i32
      %dma_wait3A_125 = tpu.memref_slice %arg20[%add3A_97, %dma_wait3A_124] : memref<10112x128xf32, #tpu.memory_space<vmem_shared>> -> memref<64x128xf32, #tpu.memory_space<vmem_shared>>
      tpu.wait_dma2 semaphore(%run_scoped3A : memref<!tpu.dma_semaphore, #tpu.memory_space<semaphore_mem>>) src(%dma_wait3A_125 : memref<64x128xf32, #tpu.memory_space<vmem_shared>>) dst(%dma_wait3A_123 : memref<64x128xf32, #tpu.memory_space<hbm>>)
      tpu.yield
    }) : () -> ()
    %add3A_100 = arith.constant 384 : i32
    %add3A_101 = arith.addi %mul3A_16, %add3A_100 : i32
    %add3A_102 = arith.constant 384 : i32
    %add3A_103 = arith.addi %mul3A_16, %add3A_102 : i32
    "tpu.region"() ({
      %run_scoped3A = tpu.sem_alloc : memref<!tpu.dma_semaphore, #tpu.memory_space<semaphore_mem>>
      %dma_start3A_116 = arith.constant 0 : i32
      %dma_start3A_117 = tpu.memref_slice %arg7[%arg0, %add3A_103, %dma_start3A_116] : memref<2x10112x128xf32, #tpu.memory_space<hbm>> -> memref<1x64x128xf32, #tpu.memory_space<hbm>>
      %dma_start3A_118 = tpu.memref_squeeze %dma_start3A_117 : memref<1x64x128xf32, #tpu.memory_space<hbm>> -> memref<64x128xf32, #tpu.memory_space<hbm>>
      %dma_start3A_119 = arith.constant 0 : i32
      %dma_start3A_120 = tpu.memref_slice %arg20[%add3A_101, %dma_start3A_119] : memref<10112x128xf32, #tpu.memory_space<vmem_shared>> -> memref<64x128xf32, #tpu.memory_space<vmem_shared>>
      tpu.enqueue_dma source(%dma_start3A_120 : memref<64x128xf32, #tpu.memory_space<vmem_shared>>) target(%dma_start3A_118 : memref<64x128xf32, #tpu.memory_space<hbm>>) target_semaphore(%run_scoped3A : memref<!tpu.dma_semaphore, #tpu.memory_space<semaphore_mem>>)
      %dma_wait3A_121 = arith.constant 0 : i32
      %dma_wait3A_122 = tpu.memref_slice %arg7[%arg0, %add3A_103, %dma_wait3A_121] : memref<2x10112x128xf32, #tpu.memory_space<hbm>> -> memref<1x64x128xf32, #tpu.memory_space<hbm>>
      %dma_wait3A_123 = tpu.memref_squeeze %dma_wait3A_122 : memref<1x64x128xf32, #tpu.memory_space<hbm>> -> memref<64x128xf32, #tpu.memory_space<hbm>>
      %dma_wait3A_124 = arith.constant 0 : i32
      %dma_wait3A_125 = tpu.memref_slice %arg20[%add3A_101, %dma_wait3A_124] : memref<10112x128xf32, #tpu.memory_space<vmem_shared>> -> memref<64x128xf32, #tpu.memory_space<vmem_shared>>
      tpu.wait_dma2 semaphore(%run_scoped3A : memref<!tpu.dma_semaphore, #tpu.memory_space<semaphore_mem>>) src(%dma_wait3A_125 : memref<64x128xf32, #tpu.memory_space<vmem_shared>>) dst(%dma_wait3A_123 : memref<64x128xf32, #tpu.memory_space<hbm>>)
      tpu.yield
    }) : () -> ()
    %add3A_104 = arith.constant 448 : i32
    %add3A_105 = arith.addi %mul3A_16, %add3A_104 : i32
    %add3A_106 = arith.constant 448 : i32
    %add3A_107 = arith.addi %mul3A_16, %add3A_106 : i32
    "tpu.region"() ({
      %run_scoped3A = tpu.sem_alloc : memref<!tpu.dma_semaphore, #tpu.memory_space<semaphore_mem>>
      %dma_start3A_116 = arith.constant 0 : i32
      %dma_start3A_117 = tpu.memref_slice %arg7[%arg0, %add3A_107, %dma_start3A_116] : memref<2x10112x128xf32, #tpu.memory_space<hbm>> -> memref<1x64x128xf32, #tpu.memory_space<hbm>>
      %dma_start3A_118 = tpu.memref_squeeze %dma_start3A_117 : memref<1x64x128xf32, #tpu.memory_space<hbm>> -> memref<64x128xf32, #tpu.memory_space<hbm>>
      %dma_start3A_119 = arith.constant 0 : i32
      %dma_start3A_120 = tpu.memref_slice %arg20[%add3A_105, %dma_start3A_119] : memref<10112x128xf32, #tpu.memory_space<vmem_shared>> -> memref<64x128xf32, #tpu.memory_space<vmem_shared>>
      tpu.enqueue_dma source(%dma_start3A_120 : memref<64x128xf32, #tpu.memory_space<vmem_shared>>) target(%dma_start3A_118 : memref<64x128xf32, #tpu.memory_space<hbm>>) target_semaphore(%run_scoped3A : memref<!tpu.dma_semaphore, #tpu.memory_space<semaphore_mem>>)
      %dma_wait3A_121 = arith.constant 0 : i32
      %dma_wait3A_122 = tpu.memref_slice %arg7[%arg0, %add3A_107, %dma_wait3A_121] : memref<2x10112x128xf32, #tpu.memory_space<hbm>> -> memref<1x64x128xf32, #tpu.memory_space<hbm>>
      %dma_wait3A_123 = tpu.memref_squeeze %dma_wait3A_122 : memref<1x64x128xf32, #tpu.memory_space<hbm>> -> memref<64x128xf32, #tpu.memory_space<hbm>>
      %dma_wait3A_124 = arith.constant 0 : i32
      %dma_wait3A_125 = tpu.memref_slice %arg20[%add3A_105, %dma_wait3A_124] : memref<10112x128xf32, #tpu.memory_space<vmem_shared>> -> memref<64x128xf32, #tpu.memory_space<vmem_shared>>
      tpu.wait_dma2 semaphore(%run_scoped3A : memref<!tpu.dma_semaphore, #tpu.memory_space<semaphore_mem>>) src(%dma_wait3A_125 : memref<64x128xf32, #tpu.memory_space<vmem_shared>>) dst(%dma_wait3A_123 : memref<64x128xf32, #tpu.memory_space<hbm>>)
      tpu.yield
    }) : () -> ()
    %add3A_108 = arith.constant 512 : i32
    %add3A_109 = arith.addi %mul3A_16, %add3A_108 : i32
    %add3A_110 = arith.constant 512 : i32
    %add3A_111 = arith.addi %mul3A_16, %add3A_110 : i32
    "tpu.region"() ({
      %run_scoped3A = tpu.sem_alloc : memref<!tpu.dma_semaphore, #tpu.memory_space<semaphore_mem>>
      %dma_start3A_116 = arith.constant 0 : i32
      %dma_start3A_117 = tpu.memref_slice %arg7[%arg0, %add3A_111, %dma_start3A_116] : memref<2x10112x128xf32, #tpu.memory_space<hbm>> -> memref<1x64x128xf32, #tpu.memory_space<hbm>>
      %dma_start3A_118 = tpu.memref_squeeze %dma_start3A_117 : memref<1x64x128xf32, #tpu.memory_space<hbm>> -> memref<64x128xf32, #tpu.memory_space<hbm>>
      %dma_start3A_119 = arith.constant 0 : i32
      %dma_start3A_120 = tpu.memref_slice %arg20[%add3A_109, %dma_start3A_119] : memref<10112x128xf32, #tpu.memory_space<vmem_shared>> -> memref<64x128xf32, #tpu.memory_space<vmem_shared>>
      tpu.enqueue_dma source(%dma_start3A_120 : memref<64x128xf32, #tpu.memory_space<vmem_shared>>) target(%dma_start3A_118 : memref<64x128xf32, #tpu.memory_space<hbm>>) target_semaphore(%run_scoped3A : memref<!tpu.dma_semaphore, #tpu.memory_space<semaphore_mem>>)
      %dma_wait3A_121 = arith.constant 0 : i32
      %dma_wait3A_122 = tpu.memref_slice %arg7[%arg0, %add3A_111, %dma_wait3A_121] : memref<2x10112x128xf32, #tpu.memory_space<hbm>> -> memref<1x64x128xf32, #tpu.memory_space<hbm>>
      %dma_wait3A_123 = tpu.memref_squeeze %dma_wait3A_122 : memref<1x64x128xf32, #tpu.memory_space<hbm>> -> memref<64x128xf32, #tpu.memory_space<hbm>>
      %dma_wait3A_124 = arith.constant 0 : i32
      %dma_wait3A_125 = tpu.memref_slice %arg20[%add3A_109, %dma_wait3A_124] : memref<10112x128xf32, #tpu.memory_space<vmem_shared>> -> memref<64x128xf32, #tpu.memory_space<vmem_shared>>
      tpu.wait_dma2 semaphore(%run_scoped3A : memref<!tpu.dma_semaphore, #tpu.memory_space<semaphore_mem>>) src(%dma_wait3A_125 : memref<64x128xf32, #tpu.memory_space<vmem_shared>>) dst(%dma_wait3A_123 : memref<64x128xf32, #tpu.memory_space<hbm>>)
      tpu.yield
    }) : () -> ()
    %add3A_112 = arith.constant 576 : i32
    %add3A_113 = arith.addi %mul3A_16, %add3A_112 : i32
    %add3A_114 = arith.constant 576 : i32
    %add3A_115 = arith.addi %mul3A_16, %add3A_114 : i32
    "tpu.region"() ({
      %run_scoped3A = tpu.sem_alloc : memref<!tpu.dma_semaphore, #tpu.memory_space<semaphore_mem>>
      %dma_start3A_116 = arith.constant 0 : i32
      %dma_start3A_117 = tpu.memref_slice %arg7[%arg0, %add3A_115, %dma_start3A_116] : memref<2x10112x128xf32, #tpu.memory_space<hbm>> -> memref<1x56x128xf32, #tpu.memory_space<hbm>>
      %dma_start3A_118 = tpu.memref_squeeze %dma_start3A_117 : memref<1x56x128xf32, #tpu.memory_space<hbm>> -> memref<56x128xf32, #tpu.memory_space<hbm>>
      %dma_start3A_119 = arith.constant 0 : i32
      %dma_start3A_120 = tpu.memref_slice %arg20[%add3A_113, %dma_start3A_119] : memref<10112x128xf32, #tpu.memory_space<vmem_shared>> -> memref<56x128xf32, #tpu.memory_space<vmem_shared>>
      tpu.enqueue_dma source(%dma_start3A_120 : memref<56x128xf32, #tpu.memory_space<vmem_shared>>) target(%dma_start3A_118 : memref<56x128xf32, #tpu.memory_space<hbm>>) target_semaphore(%run_scoped3A : memref<!tpu.dma_semaphore, #tpu.memory_space<semaphore_mem>>)
      %dma_wait3A_121 = arith.constant 0 : i32
      %dma_wait3A_122 = tpu.memref_slice %arg7[%arg0, %add3A_115, %dma_wait3A_121] : memref<2x10112x128xf32, #tpu.memory_space<hbm>> -> memref<1x56x128xf32, #tpu.memory_space<hbm>>
      %dma_wait3A_123 = tpu.memref_squeeze %dma_wait3A_122 : memref<1x56x128xf32, #tpu.memory_space<hbm>> -> memref<56x128xf32, #tpu.memory_space<hbm>>
      %dma_wait3A_124 = arith.constant 0 : i32
      %dma_wait3A_125 = tpu.memref_slice %arg20[%add3A_113, %dma_wait3A_124] : memref<10112x128xf32, #tpu.memory_space<vmem_shared>> -> memref<56x128xf32, #tpu.memory_space<vmem_shared>>
      tpu.wait_dma2 semaphore(%run_scoped3A : memref<!tpu.dma_semaphore, #tpu.memory_space<semaphore_mem>>) src(%dma_wait3A_125 : memref<56x128xf32, #tpu.memory_space<vmem_shared>>) dst(%dma_wait3A_123 : memref<56x128xf32, #tpu.memory_space<hbm>>)
      tpu.yield
    }) : () -> ()
    return
  }
}

module attributes {stable_mosaic.version = 14 : i64} {
  func.func @_fin_body(%arg0: i32, %arg1: memref<2x128x128xf32, #tpu.memory_space<vmem>>, %arg2: memref<2x16x128xf32, #tpu.memory_space<vmem>>, %arg3: memref<128x128xf32, #tpu.memory_space<vmem>>, %arg4: memref<128x128xf32, #tpu.memory_space<vmem>>) attributes {dimension_semantics = [#tpu.dimension_semantics<arbitrary>], iteration_bounds = array<i64: 79>, scalar_prefetch = 0 : i64, scratch_operands = 0 : i64, tpu.core_type = #tpu.core_type<tc>, window_params = [{transform_indices = @transform_0, window_bounds = array<i64: 2, 128, 128>}, {transform_indices = @transform_1, window_bounds = array<i64: 2, 16, 128>}, {transform_indices = @transform_2, window_bounds = array<i64: 128, 128>}, {transform_indices = @transform_3, window_bounds = array<i64: 128, 128>}]} {
    %get3A = arith.constant 0 : index
    %get3A_0 = arith.constant 0 : index
    %get3A_1 = arith.constant 0 : index
    %get3A_2 = vector.load %arg1[%get3A, %get3A_0, %get3A_1] : memref<2x128x128xf32, #tpu.memory_space<vmem>>, vector<1x128x128xf32>
    %get3A_3 = vector.shape_cast %get3A_2 : vector<1x128x128xf32> to vector<128x128xf32>
    %get3A_4 = arith.constant 1 : index
    %get3A_5 = arith.constant 0 : index
    %get3A_6 = arith.constant 0 : index
    %get3A_7 = vector.load %arg1[%get3A_4, %get3A_5, %get3A_6] : memref<2x128x128xf32, #tpu.memory_space<vmem>>, vector<1x128x128xf32>
    %get3A_8 = vector.shape_cast %get3A_7 : vector<1x128x128xf32> to vector<128x128xf32>
    %add3A = arith.addf %get3A_3, %get3A_8 : vector<128x128xf32>
    %get3A_9 = arith.constant 0 : index
    %get3A_10 = arith.constant 0 : index
    %get3A_11 = arith.constant 0 : index
    %get3A_12 = vector.load %arg2[%get3A_9, %get3A_10, %get3A_11] : memref<2x16x128xf32, #tpu.memory_space<vmem>>, vector<2x16x128xf32>
    %reduce_sum3A = arith.constant dense<0.000000e+00> : vector<128xf32>
    %reduce_sum3A_13 = vector.multi_reduction <add>, %get3A_12, %reduce_sum3A [0, 1] : vector<2x16x128xf32> to vector<128xf32>
    %broadcast_in_dim3A = vector.shape_cast %reduce_sum3A_13 : vector<128xf32> to vector<128x1xf32>
    %add3A_14 = arith.constant 1.000000e-16 : f32
    %add3A_15 = vector.broadcast %add3A_14 : f32 to vector<128x1xf32>
    %add3A_16 = arith.addf %broadcast_in_dim3A, %add3A_15 : vector<128x1xf32>
    %div3A = vector.broadcast %add3A_16 : vector<128x1xf32> to vector<128x128xf32>
    %div3A_17 = arith.divf %add3A, %div3A : vector<128x128xf32>
    %get3A_18 = arith.constant 0 : index
    %get3A_19 = arith.constant 0 : index
    %get3A_20 = vector.load %arg3[%get3A_18, %get3A_19] : memref<128x128xf32, #tpu.memory_space<vmem>>, vector<128x128xf32>
    %add3A_21 = arith.addf %div3A_17, %get3A_20 : vector<128x128xf32>
    %max3A = arith.constant 0.000000e+00 : f32
    %max3A_22 = vector.broadcast %max3A : f32 to vector<128x128xf32>
    %max3A_23 = arith.maximumf %add3A_21, %max3A_22 : vector<128x128xf32>
    %swap3A = arith.constant 0 : index
    %swap3A_24 = arith.constant 0 : index
    %swap3A_25 = vector.load %arg4[%swap3A, %swap3A_24] : memref<128x128xf32, #tpu.memory_space<vmem>>, vector<128x128xf32>
    tpu.vector_store %arg4[%swap3A, %swap3A_24], %max3A_23 {strides = array<i32>} : memref<128x128xf32, #tpu.memory_space<vmem>>, vector<128x128xf32>,
    return
  }
  func.func @transform_0(%arg0: i32) -> (i32, i32, i32) {
    %c0_i32 = arith.constant 0 : i32
    %c0_i32_0 = arith.constant 0 : i32
    %c0_i32_1 = arith.constant 0 : i32
    return %c0_i32, %arg0, %c0_i32_0 : i32, i32, i32
  }
  func.func @transform_1(%arg0: i32) -> (i32, i32, i32) {
    %c0_i32 = arith.constant 0 : i32
    %c0_i32_0 = arith.constant 0 : i32
    %c0_i32_1 = arith.constant 0 : i32
    return %c0_i32, %c0_i32_0, %arg0 : i32, i32, i32
  }
  func.func @transform_2(%arg0: i32) -> (i32, i32) {
    %c0_i32 = arith.constant 0 : i32
    %c0_i32_0 = arith.constant 0 : i32
    return %arg0, %c0_i32 : i32, i32
  }
  func.func @transform_3(%arg0: i32) -> (i32, i32) {
    %c0_i32 = arith.constant 0 : i32
    %c0_i32_0 = arith.constant 0 : i32
    return %arg0, %c0_i32 : i32, i32
  }
}

module attributes {stable_mosaic.version = 14 : i64} {
  func.func @_mm_body(%arg0: i32, %arg1: memref<1000x128xf32, #tpu.memory_space<vmem>>, %arg2: memref<128x128xf32, #tpu.memory_space<vmem>>, %arg3: memref<128x128xf32, #tpu.memory_space<vmem>>, %arg4: memref<128x128xf32, #tpu.memory_space<vmem>>, %arg5: memref<1x128xf32, #tpu.memory_space<vmem>>, %arg6: memref<1000x128xf32, #tpu.memory_space<vmem>>, %arg7: memref<1000x128xf32, #tpu.memory_space<vmem>>, %arg8: memref<1000x128xf32, #tpu.memory_space<vmem>>) attributes {dimension_semantics = [#tpu.dimension_semantics<arbitrary>], iteration_bounds = array<i64: 10>, scalar_prefetch = 0 : i64, scratch_operands = 0 : i64, tpu.core_type = #tpu.core_type<tc>, window_params = [{transform_indices = @transform_0, window_bounds = array<i64: 1000, 128>}, {pipeline_mode = #tpu.pipeline_mode<synchronous>, transform_indices = @transform_1, window_bounds = array<i64: 128, 128>}, {pipeline_mode = #tpu.pipeline_mode<synchronous>, transform_indices = @transform_2, window_bounds = array<i64: 128, 128>}, {pipeline_mode = #tpu.pipeline_mode<synchronous>, transform_indices = @transform_3, window_bounds = array<i64: 128, 128>}, {pipeline_mode = #tpu.pipeline_mode<synchronous>, transform_indices = @transform_4, window_bounds = array<i64: 1, 128>}, {transform_indices = @transform_5, window_bounds = array<i64: 1000, 128>}, {transform_indices = @transform_6, window_bounds = array<i64: 1000, 128>}, {transform_indices = @transform_7, window_bounds = array<i64: 1000, 128>}]} {
    %get3A = arith.constant 0 : index
    %get3A_0 = arith.constant 0 : index
    %get3A_1 = vector.load %arg1[%get3A, %get3A_0] : memref<1000x128xf32, #tpu.memory_space<vmem>>, vector<1000x128xf32>
    %get3A_2 = arith.constant 0 : index
    %get3A_3 = arith.constant 0 : index
    %get3A_4 = vector.load %arg2[%get3A_2, %get3A_3] : memref<128x128xf32, #tpu.memory_space<vmem>>, vector<128x128xf32>
    %dot_general3A = arith.constant dense<0.000000e+00> : vector<1000x128xf32>
    %dot_general3A_5 = tpu.matmul %get3A_1, %get3A_4, %dot_general3A {dimension_numbers = #tpu.dot_dimension_numbers<[1], [0], [0], [1], [0, 0, 1, 1], [], []>, transpose_lhs_hint = false} : vector<1000x128xf32>, vector<128x128xf32>, vector<1000x128xf32> -> vector<1000x128xf32>
    %swap3A = arith.constant 0 : index
    %swap3A_6 = arith.constant 0 : index
    %swap3A_7 = vector.load %arg6[%swap3A, %swap3A_6] : memref<1000x128xf32, #tpu.memory_space<vmem>>, vector<1000x128xf32>
    tpu.vector_store %arg6[%swap3A, %swap3A_6], %dot_general3A_5 {strides = array<i32>} : memref<1000x128xf32, #tpu.memory_space<vmem>>, vector<1000x128xf32>,
    %get3A_8 = arith.constant 0 : index
    %get3A_9 = arith.constant 0 : index
    %get3A_10 = vector.load %arg3[%get3A_8, %get3A_9] : memref<128x128xf32, #tpu.memory_space<vmem>>, vector<128x128xf32>
    %dot_general3A_11 = arith.constant dense<0.000000e+00> : vector<1000x128xf32>
    %dot_general3A_12 = tpu.matmul %get3A_1, %get3A_10, %dot_general3A_11 {dimension_numbers = #tpu.dot_dimension_numbers<[1], [0], [0], [1], [0, 0, 1, 1], [], []>, transpose_lhs_hint = false} : vector<1000x128xf32>, vector<128x128xf32>, vector<1000x128xf32> -> vector<1000x128xf32>
    %swap3A_13 = arith.constant 0 : index
    %swap3A_14 = arith.constant 0 : index
    %swap3A_15 = vector.load %arg7[%swap3A_13, %swap3A_14] : memref<1000x128xf32, #tpu.memory_space<vmem>>, vector<1000x128xf32>
    tpu.vector_store %arg7[%swap3A_13, %swap3A_14], %dot_general3A_12 {strides = array<i32>} : memref<1000x128xf32, #tpu.memory_space<vmem>>, vector<1000x128xf32>,
    %get3A_16 = arith.constant 0 : index
    %get3A_17 = arith.constant 0 : index
    %get3A_18 = vector.load %arg4[%get3A_16, %get3A_17] : memref<128x128xf32, #tpu.memory_space<vmem>>, vector<128x128xf32>
    %dot_general3A_19 = arith.constant dense<0.000000e+00> : vector<1000x128xf32>
    %dot_general3A_20 = tpu.matmul %get3A_1, %get3A_18, %dot_general3A_19 {dimension_numbers = #tpu.dot_dimension_numbers<[1], [0], [0], [1], [0, 0, 1, 1], [], []>, transpose_lhs_hint = false} : vector<1000x128xf32>, vector<128x128xf32>, vector<1000x128xf32> -> vector<1000x128xf32>
    %get3A_21 = arith.constant 0 : index
    %get3A_22 = arith.constant 0 : index
    %get3A_23 = vector.load %arg5[%get3A_21, %get3A_22] : memref<1x128xf32, #tpu.memory_space<vmem>>, vector<1x128xf32>
    %add3A = vector.broadcast %get3A_23 : vector<1x128xf32> to vector<1000x128xf32>
    %add3A_24 = arith.addf %dot_general3A_20, %add3A : vector<1000x128xf32>
    %swap3A_25 = arith.constant 0 : index
    %swap3A_26 = arith.constant 0 : index
    %swap3A_27 = vector.load %arg8[%swap3A_25, %swap3A_26] : memref<1000x128xf32, #tpu.memory_space<vmem>>, vector<1000x128xf32>
    tpu.vector_store %arg8[%swap3A_25, %swap3A_26], %add3A_24 {strides = array<i32>} : memref<1000x128xf32, #tpu.memory_space<vmem>>, vector<1000x128xf32>,
    return
  }
  func.func @transform_0(%arg0: i32) -> (i32, i32) {
    %c0_i32 = arith.constant 0 : i32
    %c0_i32_0 = arith.constant 0 : i32
    return %arg0, %c0_i32 : i32, i32
  }
  func.func @transform_1(%arg0: i32) -> (i32, i32) {
    %c0_i32 = arith.constant 0 : i32
    %c0_i32_0 = arith.constant 0 : i32
    %c0_i32_1 = arith.constant 0 : i32
    return %c0_i32, %c0_i32_0 : i32, i32
  }
  func.func @transform_2(%arg0: i32) -> (i32, i32) {
    %c0_i32 = arith.constant 0 : i32
    %c0_i32_0 = arith.constant 0 : i32
    %c0_i32_1 = arith.constant 0 : i32
    return %c0_i32, %c0_i32_0 : i32, i32
  }
  func.func @transform_3(%arg0: i32) -> (i32, i32) {
    %c0_i32 = arith.constant 0 : i32
    %c0_i32_0 = arith.constant 0 : i32
    %c0_i32_1 = arith.constant 0 : i32
    return %c0_i32, %c0_i32_0 : i32, i32
  }
  func.func @transform_4(%arg0: i32) -> (i32, i32) {
    %c0_i32 = arith.constant 0 : i32
    %c0_i32_0 = arith.constant 0 : i32
    %c0_i32_1 = arith.constant 0 : i32
    return %c0_i32, %c0_i32_0 : i32, i32
  }
  func.func @transform_5(%arg0: i32) -> (i32, i32) {
    %c0_i32 = arith.constant 0 : i32
    %c0_i32_0 = arith.constant 0 : i32
    return %arg0, %c0_i32 : i32, i32
  }
  func.func @transform_6(%arg0: i32) -> (i32, i32) {
    %c0_i32 = arith.constant 0 : i32
    %c0_i32_0 = arith.constant 0 : i32
    return %arg0, %c0_i32 : i32, i32
  }
  func.func @transform_7(%arg0: i32) -> (i32, i32) {
    %c0_i32 = arith.constant 0 : i32
    %c0_i32_0 = arith.constant 0 : i32
    return %arg0, %c0_i32 : i32, i32
  }
}

</mosaic_0001>

<sc_bundles>
// kernel: kernel.5.cloned.1.call-start
scs
__scs_entry_jumppad:
0x0: {  	(pc) =	sbr.rel $0x88, $3  }
0x1: {  	(tag) =	ssettag $0x0;
	lr =	simm.s32 $0x1  }
0x2: {  	[smem:$0x3F9A] =	sst lr;
	_ =	strace $0xD0000000  }
0x3: {  	_ = 	snop  }
0x4: {  	_ = 	snop  }
0x5: {  	_ = 	snop  }
0x6: {  	_ = 	snop  }
0x7: {  	_ = 	snop  }
__scs_overlays_trampoline_lowered:
0x8: {  	[smem:$0x3FA9] =	sst s0  }
0x9: {  	[smem:$0x3FAA] =	sst s1  }
0xa: {  	[smem:$0x3FAB] =	sst s2  }
0xb: {  	[smem:$0x3FAC] =	sst s3  }
0xc: {  	[smem:$0x3FAD] =	sst s4  }
0xd: {  	[smem:$0x3FAE] =	sst s5  }
0xe: {  	[smem:$0x3FAF] =	sst s6  }
0xf: {  	[smem:$0x3FB0] =	sst s7  }
0x10: {  	[smem:$0x3FB1] =	sst s8  }
0x11: {  	[smem:$0x3FB2] =	sst s9;
	s0 =	simm.s32 @!p0 $0x0  }
0x12: {  	s1 =	sld [smem:$0x3F98];
	s0 =	simm.s32 @p0 $0x1  }
0x13: {  	[smem:$0x3FB3] =	sst s0;
	s0 =	simm.s32 @!p1 $0x0  }
0x14: {  	s2 =	sld [smem:$0x3F97];
	s0 =	simm.s32 @p1 $0x1  }
0x15: {  	[smem:$0x3FB4] =	sst s0;
	s0 =	simm.s32 @!p2 $0x0  }
0x16: {  	s3 =	sld [smem:$0x3FDB];
	s0 =	simm.s32 @p2 $0x1  }
0x17: {  	s4 =	simm.s32 $0x1BF5;
	[smem:$0x3FB6] =	sst s0  }
0x18: {  	s0 =	sld [smem:$0x3F99];
	_ =	swait.ge [sflag:s4], $0x0  }
0x19: {  	s7 =	sld [smem:$0x3F9A]  }
0x1a: {  	s8 =	sadd.s32 $0xFFFFE003, lr  }
0x1b: {  	s9 =	sadd.s32 $0xFFFFFEF7, lr;
	s5 =	simm.s32 $0xFFFFFFFF;
	p2 =	slt.u32 s8, $0xFFFFF086  }
0x1c: {  	p1 =	slt.u32 s9, $0xF7A;
	s5 =	simm.s32 @!p2 $0x0  }
0x1d: {  	s5 =	simm.s32 @p1 $0x1;
	p0 =	seq.s32 s7, s2  }
0x1e: {  	s7 =	smul.u32 @!p0 $0xF7A, s2;
	p2 =	seq.s32 @!p0 s5, $0x0  }
0x1f: {  	s9 =	smul.u32 $0xF7A, s1;
	s8 =	simm.s32 @!p0 $0x1BF5;
	p2 =	por !p2, p0  }
0x20: {  	[sflag:s8] =	ssyncset.s32 @!p0 $0xFFFFF086;
	s6 =	sadd.s32 @!p0 s3, s7;
	s7 =	simm.s32 @!p0 $0x108  }
0x21: {  	s3 =	sadd.s32 s3, s9;
	s6 =	sadd.s32 @!p0 $0x88, s6;
	s7 =	simm.s32 @p2 $0x1082  }
0x22: {  	[simem:s7], [sflag:s8] =	dma.local @!p0 [hbm:s6], $0xF7A  }
0x23: {  	s9 =	sor.u32 $0xD0000000, s2;
	s6 =	simm.s32 $0x108;
	_ =	swait.ge @!p0 [sflag:s8], $0x0  }
0x24: {  	s3 =	sadd.s32 $0x88, s3;
	s6 =	simm.s32 @!p1 $0x1082;
	[sflag:s4] =	ssyncset.s32 $0xFFFFF086  }
0x25: {  	[simem:s6], [sflag:s4] =	dma.local [hbm:s3], $0xF7A  }
0x26: {  	[smem:$0x3F9A] =	sst s1;
	(tag) =	ssettag s2;
	_ =	strace s9  }
0x27: {  	s1 =	sld [smem:$0x3FAA]  }
0x28: {  	s2 =	sld [smem:$0x3FAB]  }
0x29: {  	s4 =	sld [smem:$0x3FAD]  }
0x2a: {  	p0 =	seq.s32 s5, $0x0;
	s5 =	sld [smem:$0x3FAE]  }
0x2b: {  	s6 =	sld [smem:$0x3FAF]  }
0x2c: {  	s7 =	sld [smem:$0x3FB0]  }
0x2d: {  	s3 =	simm.s32 $0x108;
	s8 =	sld [smem:$0x3FB1]  }
0x2e: {  	s3 =	simm.s32 @!p0 $0x1082;
	s9 =	sld [smem:$0x3FB2]  }
0x2f: {  	lr =	sadd.s32 s0, s3;
	s0 =	sld [smem:$0x3FA9]  }
0x30: {  	s3 =	sld [smem:$0x3FAC]  }
0x31: {  	[smem:$0x3FB5] =	sst s10  }
0x32: {  	s10 =	sld [smem:$0x3FB3];
	_ =	sdelay $0x3  }
0x33: {  	p0 =	seq.s32 s10, $0x1;
	s10 =	sld [smem:$0x3FB5];
	_ =	sdelay $0x3  }
0x34: {  	[smem:$0x3FB5] =	sst s10  }
0x35: {  	s10 =	sld [smem:$0x3FB4];
	_ =	sdelay $0x3  }
0x36: {  	p1 =	seq.s32 s10, $0x1;
	s10 =	sld [smem:$0x3FB5];
	_ =	sdelay $0x3  }
0x37: {  	[smem:$0x3FB5] =	sst s10  }
0x38: {  	s10 =	sld [smem:$0x3FB6]  }
0x39: {  	_ = 	snop;
	(pc) =	sbr.ind lr, $3  }
0x3a: {  	_ = 	snop  }
0x3b: {  	_ = 	snop  }
0x3c: {  	p2 =	seq.s32 s10, $0x1;
	s10 =	sld [smem:$0x3FB5]  }
0x3d: {  	_ =	shalt  }
0x3e: {  	_ =	shalt  }
0x3f: {  	_ =	shalt  }
0x40: {  	_ =	shalt  }
0x41: {  	_ =	shalt  }
0x42: {  	_ =	shalt  }
0x43: {  	_ =	shalt  }
0x44: {  	_ =	shalt  }
0x45: {  	_ =	shalt  }
0x46: {  	_ =	shalt  }
0x47: {  	_ =	shalt  }
0x48: {  	_ =	shalt  }
0x49: {  	_ =	shalt  }
0x4a: {  	_ =	shalt  }
0x4b: {  	_ =	shalt  }
0x4c: {  	_ =	shalt  }
0x4d: {  	_ =	shalt  }
0x4e: {  	_ =	shalt  }
0x4f: {  	_ =	shalt  }
0x50: {  	_ =	shalt  }
0x51: {  	_ =	shalt  }
0x52: {  	_ =	shalt  }
0x53: {  	_ =	shalt  }
0x54: {  	_ =	shalt  }
0x55: {  	_ =	shalt  }
0x56: {  	_ =	shalt  }
0x57: {  	_ =	shalt  }
0x58: {  	_ =	shalt  }
0x59: {  	_ =	shalt  }
0x5a: {  	_ =	shalt  }
0x5b: {  	_ =	shalt  }
0x5c: {  	_ =	shalt  }
0x5d: {  	_ =	shalt  }
0x5e: {  	_ =	shalt  }
0x5f: {  	_ =	shalt  }
0x60: {  	_ =	shalt  }
0x61: {  	_ =	shalt  }
0x62: {  	_ =	shalt  }
0x63: {  	_ =	shalt  }
0x64: {  	_ =	shalt  }
0x65: {  	_ =	shalt  }
0x66: {  	_ =	shalt  }
0x67: {  	_ =	shalt  }
0x68: {  	_ =	shalt  }
0x69: {  	_ =	shalt  }
0x6a: {  	_ =	shalt  }
0x6b: {  	_ =	shalt  }
0x6c: {  	_ =	shalt  }
0x6d: {  	_ =	shalt  }
0x6e: {  	_ =	shalt  }
0x6f: {  	_ =	shalt  }
0x70: {  	_ =	shalt  }
0x71: {  	_ =	shalt  }
0x72: {  	_ =	shalt  }
0x73: {  	_ =	shalt  }
0x74: {  	_ =	shalt  }
0x75: {  	_ =	shalt  }
0x76: {  	_ =	shalt  }
0x77: {  	_ =	shalt  }
0x78: {  	_ =	shalt  }
0x79: {  	_ =	shalt  }
0x7a: {  	_ =	shalt  }
0x7b: {  	_ =	shalt  }
0x7c: {  	_ =	shalt  }
0x7d: {  	_ =	shalt  }
0x7e: {  	_ =	shalt  }
0x7f: {  	_ =	shalt  }
0x80: {  	_ =	shalt  }
0x81: {  	_ =	shalt  }
0x82: {  	_ =	shalt  }
0x83: {  	_ =	shalt  }
0x84: {  	_ =	shalt  }
0x85: {  	_ =	shalt  }
0x86: {  	_ =	shalt  }
0x87: {  	_ =	shalt  }
.Lfunc_end0:
.L_simem_size_0:
called_computation_lowered:
.L_overlay_start_0:
0x88: {  	s2 =	sld [smem:$0x3FD9]  }
0x89: {  	s3 =	sld [smem:$0x3FFE];
	_ =	sdelay $0x1  }
0x8a: {  	s1 =	srdreg.scid  }
0x8b: {  	s0 =	sand.u32 $0x1, s1  }
0x8c: {  	s17 =	sshll.u32 s0, $0xA;
	s2 =	sadd.s32 s3, s2  }
0x8d: {  	s2 =	sadd.s32 s2, s17  }
0x8e: {  	[smem:$0x3FC1] =	sst s2  }
0x8f: {  	_ = 	snop  }
0x90: {  	s2 =	sld [smem:$0x3FC5]  }
0x91: {  	s18 =	sld [smem:$0x3FD0];
	(tm) =	ssettm $0x1  }
0x92: {  	s4 =	sld [smem:$0x3FFB];
	_ =	sdelay $0x3  }
0x93: {  	_ =	strace s4  }
0x94: {  	s4 =	sld [smem:$0x3FFC];
	_ =	sdelay $0x3  }
0x95: {  	_ =	strace s4  }
0x96: {  	s4 =	sld [smem:$0x3FFD];
	_ =	sdelay $0x3  }
0x97: {  	_ =	strace s4  }
0x98: {  	_ =	strace $0x8FFFFFFF  }
0x99: {  	s19 =	sld [smem:$0x3FDB];
	_ =	sdelay $0x1  }
0x9a: {  	s5 =	simm.s32 $_scs_section_size  }
0x9b: {  	s6 =	simm.s32 $_size__tile_overlayer_lowered;
	s7 =	simm.s32 $_tile_overlayer_lowered  }
0x9c: {  	s22 =	simm.s32 $0x1BFF;
	s21 =	sshll.u32 s7, $0x1;
	s4 =	sadd.s32 s5, s19  }
0x9d: {  	s8 =	simm.s32 $0x0;
	s20 =	sshll.u32 s6, $0x1;
	s6 =	sadd.s32 s21, s4  }
0x9e: {  	[timem:s8], [sflag:s22] =	dma.local [hbm:s6], s20  }
0x9f: {  	_ =	swait.ge [sflag:s22], s20  }
0xa0: {  	s5 =	ssub.s32 $0x0, s20;
	[sflag:s22] =	ssyncset.done $0x0  }
0xa1: {  	[sflag:s22] =	ssyncadd.s32 s5;
	_ =	sdelay $0x1  }
0xa2: {  	s23 =	simm.s32 $0x1B8B  }
0xa3: {  	_ =	swait.ge [sflag:s23], $0x1  }
0xa4: {  	[sflag:s23] =	ssyncset.done $0x0  }
0xa5: {  	s25 =	simm.s32 $0x1B8E;
	s24 =	sld [smem:$0x3FFE];
	[sflag:s23] =	ssyncadd.s32 $0xFFFFFFFF  }
0xa6: {  	s26 =	simm.s32 $execute0_lowered;
	[smem:$0x3FD2] =	sst s25  }
0xa7: {  	s6 =	sshll.u32 s26, $0x1;
	_ =	strace $0x80000046;
	[dreg:$0x1] =	wrdreg $0xFFFFFFFF  }
0xa8: {  	s28 =	simm.s32 $_size_execute0_lowered;
	s4 =	sadd.s32 s4, s6;
	[dreg:$0x0] =	wrdreg $0x0  }
0xa9: {  	s6 =	sshll.u32 s28, $0x1;
	[dreg:$0x2] =	wrdreg s4  }
0xaa: {  	[dreg:$0x3] =	wrdreg s6  }
0xab: {  	[dreg:$0x4] =	wrdreg $0xC0  }
0xac: {  	_ =	task [dreg:s8], $0x5FFFF  }
0xad: {  	[dreg:$0x1] =	wrdreg $0xFFFFFFFF  }
0xae: {  	[dreg:$0x0] =	wrdreg $0x60  }
0xaf: {  	[dreg:$0x2] =	wrdreg s18  }
0xb0: {  	[dreg:$0x3] =	wrdreg s24  }
0xb1: {  	[dreg:$0x4] =	wrdreg s2  }
0xb2: {  	[dreg:$0x5] =	wrdreg $0xAA800  }
0xb3: {  	[dreg:$0x6] =	wrdreg $0x9  }
0xb4: {  	_ =	task.clear_ibuf [dreg:s8], $0x7FFFF;
	_ =	strace $0x90000046  }
0xb5: {  	s29 =	simm.s32 $0x9;
	_ =	strace $0x80000048  }
0xb6: {  	_ =	swait.ge [sflag:s29], $0x1  }
0xb7: {  	[sflag:s29] =	ssyncadd.s32 $0xFFFFFFFF  }
0xb8: {  	_ =	strace $0x90000048  }
0xb9: {  	_ =	sfence  }
0xba: {  	s30 =	sld [smem:$0x0];
	_ =	sdelay $0x2  }
0xbb: {  	s31 =	sshll.u32 s1, $0xD;
	s1 =	sshrl.u32 s1, $0x2  }
0xbc: {  	s3 =	sand.u32 $0x4000, s31;
	s1 =	sadd.s32 s1, s30  }
0xbd: {  	s0 =	sor.u32 s3, s0;
	s1 =	sshll.u32 s1, $0x11  }
0xbe: {  	s0 =	sor.u32 s1, s0  }
0xbf: {  	s0 =	sadd.s32 $0x8F2B, s0  }
0xc0: {  	[sflag:s0] =	ssyncadd.remote.s32 $0x1  }
0xc1: {  	_ =	sfence.sel $0xFFFF  }
0xc2: {  	[dreg:$0x0] =	wrdreg $0xFFFFFFFF;
	(pc) =	sbr.abs _section_cstart, $3  }
0xc3: {  	[dreg:$0x1] =	wrdreg $0xFFFFFFFF  }
0xc4: {  	_ =	task.clear_ibuf [dreg:s8], $0x2FFFF;
	_ =	strace $0x9FFFFFFF  }
0xc5: {  	(tm) =	ssettm $0x7FFFFFFF  }
tec
execute0_lowered:
.L_overlay_start_1:
0x0: {  	(tag) =	ssettag $0x1  }
0x1: {  	s0 =	srdreg.scid  }
0x2: {  	s19 =	stileid.u32;
	s1 =	rddreg [dreg:$0x1];
	s22 =	simm.s32 $0x0  }
0x3: {  	s2 =	sand.u32 $0x1, s0;
	s3 =	sshrl.u32 s19, $0x3;
	s8 =	smul.u32 $0x13C00, s19  }
0x4: {  	[smem:$0x7FF] =	sst s22;
	s4 =	sadd.s32 $0x3CE00, s1;
	s0 =	smul.u32 $0x27800, s2  }
0x5: {  	s5 =	sshll.u32 s19, $0x7;
	s7 =	sshll.u32 s19, $0x1;
	s3 =	smul.u32 $0x13C00, s3  }
0x6: {  	s18 =	sand.u32 $0x380, s5;
	s20 =	ssub.s32 $0x2, s2;
	s11 =	smul.u32 $0x13C000, s2  }
0x7: {  	s5 =	sor.u32 s2, s7;
	s2 =	smul.u32 $0x2880, s2;
	s6 =	sshrl.u32 s20, $0x1  }
0x8: {  	s7 =	sadd.s32 $0x4000, s8;
	s9 =	sadd.s32 $0x6000, s8;
	s10 =	sadd.s32 $0x8000, s8  }
0x9: {  	s12 =	sadd.s32 $0xA000, s8;
	s13 =	sadd.s32 $0xC000, s8;
	s14 =	sadd.s32 $0xE000, s8  }
0xa: {  	s15 =	sadd.s32 $0x10000, s8;
	s16 =	sadd.s32 $0x12000, s8;
	s0 =	sadd.s32 s0, s3  }
0xb: {  	s24 =	sadd.s32 s11, s9;
	s25 =	sadd.s32 s11, s10;
	s26 =	sadd.s32 s11, s12  }
0xc: {  	s3 =	sor.u32 s18, s0;
	s0 =	ssub.s32 s20, s6;
	s6 =	sadd.s32 $0x2000, s8  }
0xd: {  	s8 =	sadd.s32 s8, s11;
	s18 =	sadd.s32 s11, s7;
	s20 =	sshrl.u32 s26, $0x3  }
0xe: {  	s17 =	sadd.s32 s11, s6;
	s8 =	sshrl.u32 s8, $0x3;
	s23 =	sshrl.u32 s18, $0x3  }
0xf: {  	s18 =	smul.u32 $0x5100, s19;
	s17 =	sshrl.u32 s17, $0x3;
	s8 =	sadd.s32 s4, s8  }
0x10: {  	s3 =	sshrl.u32 s3, $0x3;
	[dreg:$0x6] =	wrdreg s8;
	s21 =	sadd.s32 s4, s17  }
0x11: {  	s8 =	sadd.s32 s4, s23;
	s17 =	sshrl.u32 s25, $0x3;
	[dreg:$0x7] =	wrdreg s21  }
0x12: {  	s23 =	sadd.s32 s11, s14;
	[dreg:$0x8] =	wrdreg s8;
	s17 =	sadd.s32 s4, s17  }
0x13: {  	s8 =	sshrl.u32 s24, $0x3;
	s24 =	sadd.s32 s11, s15;
	[dreg:$0xa] =	wrdreg s17  }
0x14: {  	s8 =	sadd.s32 s4, s8;
	s26 =	sshrl.u32 s24, $0x3;
	s24 =	rddreg [dreg:$0x3]  }
0x15: {  	s21 =	sadd.s32 s11, s13;
	s17 =	sshrl.u32 s23, $0x3;
	[dreg:$0x9] =	wrdreg s8  }
0x16: {  	s8 =	sadd.s32 s4, s20;
	s25 =	sadd.s32 s4, s17;
	s17 =	sadd.s32 s11, s16  }
0x17: {  	s20 =	smul.u32 $0x4F000, s19;
	[dreg:$0xb] =	wrdreg s8;
	s8 =	sshrl.u32 s21, $0x3  }
0x18: {  	s19 =	sadd.s32 $0x1400, s1;
	s28 =	sadd.s32 s9, s24;
	s8 =	sadd.s32 s4, s8  }
0x19: {  	s9 =	smul.u32 $0x2880, s5;
	[dreg:$0xc] =	wrdreg s8;
	s8 =	sadd.s32 s4, s26  }
0x1a: {  	s31 =	sadd.s32 s16, s24;
	[dreg:$0xe] =	wrdreg s8;
	s8 =	sshrl.u32 s17, $0x3  }
0x1b: {  	[dreg:$0xd] =	wrdreg s25;
	s21 =	sadd.s32 s3, s1;
	s4 =	sadd.s32 s4, s8  }
0x1c: {  	s11 =	sshrl.u32 s9, $0x3;
	s17 =	sadd.s32 $0x15C00, s1;
	[dreg:$0xf] =	wrdreg s4  }
0x1d: {  	s4 =	sadd.s32 s2, s18;
	s18 =	sadd.s32 $0xB800, s1;
	s1 =	sadd.s32 s19, s11  }
0x1e: {  	s16 =	sadd.s32 $0x8BE00, s21;
	_ =	strace $0x80000047;
	[dreg:$0x1c] =	wrdreg s1  }
0x1f: {  	s0 =	smax.u32 s0, $0x1;
	[dreg:$0x1d] =	wrdreg s16  }
0x20: {  	s8 =	sshrl.u32 s20, $0x2;
	s20 =	sadd.s32 $0x80, s9;
	[dreg:$0x1e] =	wrdreg s0  }
0x21: {  	[dreg:$0x1f] =	wrdreg s20  }
0x22: {  	s23 =	sadd.s32 s8, s24;
	[dreg:$0x10] =	wrdreg s4  }
0x23: {  	s25 =	sadd.s32 s6, s24;
	[dreg:$0x11] =	wrdreg s23  }
0x24: {  	s26 =	sadd.s32 s7, s24;
	[dreg:$0x12] =	wrdreg s25  }
0x25: {  	s29 =	sadd.s32 s10, s24;
	s12 =	sadd.s32 s12, s24;
	[dreg:$0x13] =	wrdreg s26  }
0x26: {  	s13 =	sadd.s32 s13, s24;
	s30 =	sadd.s32 s14, s24;
	[dreg:$0x14] =	wrdreg s28  }
0x27: {  	s15 =	sadd.s32 s15, s24;
	s5 =	simm.s32 $0x200;
	[dreg:$0x15] =	wrdreg s29  }
0x28: {  	s10 =	simm.s32 $0x80;
	s6 =	simm.s32 $0x5;
	[dreg:$0x16] =	wrdreg s12  }
0x29: {  	s7 =	simm.s32 $0x100;
	s8 =	simm.s32 $0x40;
	[dreg:$0x17] =	wrdreg s13  }
0x2a: {  	s2 =	simm.s32 $0x3;
	s14 =	sadd.s32 s18, s11;
	[dreg:$0x18] =	wrdreg s30  }
0x2b: {  	s11 =	smov.u32 s9;
	s21 =	sor.u32 $0x40, s4;
	[dreg:$0x19] =	wrdreg s15  }
0x2c: {  	s0 =	simm.s32 $0x1;
	s4 =	simm.s32 $0xAA00;
	[dreg:$0x1a] =	wrdreg s31  }
0x2d: {  	s16 =	simm.s32 $0x8280;
	s20 =	simm.s32 $0x2;
	[dreg:$0x1b] =	wrdreg s14  }
0x2e: {  	v0 =	vimm.f32 $0.0e+00;
	[smem:$0x7FD] =	sst s21;
	s14 =	simm.s32 $0x180;
	s21 =	simm.s32 $0x4  }
.LBB2_1:
0x2f: {  	s1 =	simm.s32 $0x0;
	s9 =	simm.s32 $0x200  }
.LBB2_2:
0x30: {  	p0 =	sne.s32 s9, $0x7E00;
	[tilespmem:s1+$0x270] =	vst v0  }
0x31: {  	[tilespmem:s1+$0x200] =	vst v0  }
0x32: {  	[tilespmem:s1+$0x210] =	vst v0  }
.Ltmp0:
0x33: {  	[tilespmem:s1+$0x220] =	vst v0;
	(pc) =	sbr.rel @p0 .LBB2_2-.Ltmp0, $4  }
0x34: {  	[tilespmem:s1+$0x230] =	vst v0  }
0x35: {  	[tilespmem:s1+$0x240] =	vst v0  }
0x36: {  	[tilespmem:s1+$0x250] =	vst v0  }
0x37: {  	[tilespmem:s1+$0x260] =	vst v0;
	s1 =	sshra.s32 s9, $0x2;
	s9 =	sadd.s32 $0x200, s9  }
0x38: {  	[tilespmem:s1+$0x270] =	vst v0  }
0x39: {  	[tilespmem:s1+$0x200] =	vst v0  }
0x3a: {  	[tilespmem:s1+$0x210] =	vst v0  }
0x3b: {  	[tilespmem:s1+$0x220] =	vst v0  }
0x3c: {  	[tilespmem:s1+$0x230] =	vst v0  }
0x3d: {  	[tilespmem:s1+$0x240] =	vst v0  }
0x3e: {  	[tilespmem:s1+$0x250] =	vst v0  }
0x3f: {  	[dreg:$0x5] =	wrdreg s22;
	[tilespmem:s1+$0x260] =	vst v0;
	s1 =	simm.s32 $0x40;
	s9 =	simm.s32 $0x0  }
.LBB2_4:
0x40: {  	p0 =	sne.s32 s1, $0x9DC0;
	[tilespmem:s9+$0x8280] =	vst v0;
	s9 =	smov.u32 s1;
	s1 =	sadd.s32 $0x40, s1  }
.Ltmp1:
0x41: {  	(pc) =	sbr.rel @p0 .LBB2_4-.Ltmp1, $2  }
0x42: {  	_ =	sdelay $0x2  }
0x43: {  	s9 =	sshra.s32 s9, $0x2  }
0x44: {  	[tilespmem:s9+$0x8280] =	vst v0  }
0x45: {  	[spmem:s23] =	stream.linear.scatter [tilespmem:s5], [sflag:$0x5], $0x2000, $0x38;
	[tilespmem:$0x1E680] =	vst v63  }
0x46: {  	_ =	swait.ge [sflag:s6], $0x2000  }
0x47: {  	[sflag:s6] =	ssyncset.done $0x0  }
0x48: {  	[sflag:s6] =	ssyncadd.s32 $0xFFFFE000  }
0x49: {  	[spmem:s25] =	stream.linear.scatter [tilespmem:s5], [sflag:$0x5], $0x2000, $0x38;
	[tilespmem:$0x1E680] =	vst v63  }
0x4a: {  	_ =	swait.ge [sflag:s6], $0x2000  }
0x4b: {  	[sflag:s6] =	ssyncset.done $0x0  }
0x4c: {  	[sflag:s6] =	ssyncadd.s32 $0xFFFFE000  }
0x4d: {  	[spmem:s26] =	stream.linear.scatter [tilespmem:s5], [sflag:$0x5], $0x2000, $0x38;
	[tilespmem:$0x1E680] =	vst v63  }
0x4e: {  	_ =	swait.ge [sflag:s6], $0x2000  }
0x4f: {  	[sflag:s6] =	ssyncset.done $0x0  }
0x50: {  	[sflag:s6] =	ssyncadd.s32 $0xFFFFE000  }
0x51: {  	[spmem:s28] =	stream.linear.scatter [tilespmem:s5], [sflag:$0x5], $0x2000, $0x38;
	[tilespmem:$0x1E680] =	vst v63  }
0x52: {  	_ =	swait.ge [sflag:s6], $0x2000  }
0x53: {  	[sflag:s6] =	ssyncset.done $0x0  }
0x54: {  	[sflag:s6] =	ssyncadd.s32 $0xFFFFE000  }
0x55: {  	[spmem:s29] =	stream.linear.scatter [tilespmem:s5], [sflag:$0x5], $0x2000, $0x38;
	[tilespmem:$0x1E680] =	vst v63  }
0x56: {  	_ =	swait.ge [sflag:s6], $0x2000  }
0x57: {  	[sflag:s6] =	ssyncset.done $0x0  }
0x58: {  	[sflag:s6] =	ssyncadd.s32 $0xFFFFE000  }
0x59: {  	[spmem:s12] =	stream.linear.scatter [tilespmem:s5], [sflag:$0x5], $0x2000, $0x38;
	[tilespmem:$0x1E680] =	vst v63  }
0x5a: {  	_ =	swait.ge [sflag:s6], $0x2000  }
0x5b: {  	[sflag:s6] =	ssyncset.done $0x0  }
0x5c: {  	[sflag:s6] =	ssyncadd.s32 $0xFFFFE000  }
0x5d: {  	[spmem:s13] =	stream.linear.scatter [tilespmem:s5], [sflag:$0x5], $0x2000, $0x38;
	[tilespmem:$0x1E680] =	vst v63  }
0x5e: {  	_ =	swait.ge [sflag:s6], $0x2000  }
0x5f: {  	[sflag:s6] =	ssyncset.done $0x0  }
0x60: {  	[sflag:s6] =	ssyncadd.s32 $0xFFFFE000  }
0x61: {  	[spmem:s30] =	stream.linear.scatter [tilespmem:s5], [sflag:$0x5], $0x2000, $0x38;
	[tilespmem:$0x1E680] =	vst v63  }
0x62: {  	_ =	swait.ge [sflag:s6], $0x2000  }
0x63: {  	[sflag:s6] =	ssyncset.done $0x0  }
0x64: {  	[sflag:s6] =	ssyncadd.s32 $0xFFFFE000  }
0x65: {  	[spmem:s15] =	stream.linear.scatter [tilespmem:s5], [sflag:$0x5], $0x2000, $0x38;
	[tilespmem:$0x1E680] =	vst v63  }
0x66: {  	_ =	swait.ge [sflag:s6], $0x2000  }
0x67: {  	[sflag:s6] =	ssyncset.done $0x0  }
0x68: {  	[sflag:s6] =	ssyncadd.s32 $0xFFFFE000  }
0x69: {  	[spmem:s31] =	stream.linear.scatter [tilespmem:s5], [sflag:$0x5], $0x1C00, $0x38;
	[tilespmem:$0x1E680] =	vst v63  }
0x6a: {  	_ =	swait.ge [sflag:s6], $0x1C00  }
0x6b: {  	[sflag:s6] =	ssyncset.done $0x0  }
0x6c: {  	[sflag:s6] =	ssyncadd.s32 $0xFFFFE400  }
0x6d: {  	s22 =	simm.s32 $0x0;
	s3 =	simm.s32 $0x8200;
	s1 =	rddreg [dreg:$0x2]  }
0x6e: {  	[tilespmem:s3], [sflag:$0x5] =	stream.linear.gather [hbm4b:s1+s22], $0x80, $0x38;
	[tilespmem:$0x1E680] =	vst v63  }
0x6f: {  	_ =	swait.ge [sflag:s6], $0x80  }
0x70: {  	[sflag:s6] =	ssyncset.done $0x0  }
0x71: {  	[sflag:s6] =	ssyncadd.s32 $0xFFFFFF80  }
0x72: {  	[bflag:$0x0] =	sbarrier.arrive $0xFFFF  }
0x73: {  	v56 =	vld [tilespmem:$0x8200]  }
0x74: {  	v57 =	vld [tilespmem:$0x8210]  }
0x75: {  	v58 =	vld [tilespmem:$0x8220]  }
0x76: {  	v59 =	vld [tilespmem:$0x8230]  }
0x77: {  	v60 =	vld [tilespmem:$0x8240]  }
0x78: {  	v61 =	vld [tilespmem:$0x8250]  }
0x79: {  	v62 =	vld [tilespmem:$0x8260];
	s28 =	rddreg [dreg:$0x1b]  }
0x7a: {  	v63 =	vld [tilespmem:$0x8270];
	[tilespmem:s22], [sflag:$0x5] =	stream.linear.gather [hbm4b:s28+s22], $0x40, $0x38  }
0x7b: {  	[tilespmem:$0x1FF80] =	vst v56  }
0x7c: {  	[tilespmem:$0x1FF90] =	vst v57  }
0x7d: {  	[tilespmem:$0x1FFA0] =	vst v58  }
0x7e: {  	[tilespmem:$0x1FFB0] =	vst v59  }
0x7f: {  	[tilespmem:$0x1FFC0] =	vst v60  }
0x80: {  	[tilespmem:$0x1FFD0] =	vst v61  }
0x81: {  	[tilespmem:$0x1FFE0] =	vst v62  }
0x82: {  	[tilespmem:$0x1FFF0] =	vst v63  }
0x83: {  	_ =	swait.ge [sflag:s6], $0x40  }
0x84: {  	[sflag:s6] =	ssyncset.done $0x0  }
0x85: {  	s29 =	rddreg [dreg:$0x1c];
	[sflag:s6] =	ssyncadd.s32 $0xFFFFFFC0  }
0x86: {  	[tilespmem:s7], [sflag:$0x5] =	stream.linear.gather [hbm4b:s29+s22], $0x40, $0x38;
	[tilespmem:$0x1E680] =	vst v63  }
0x87: {  	_ =	swait.ge [sflag:s6], $0x40  }
0x88: {  	[sflag:s6] =	ssyncset.done $0x0  }
0x89: {  	s23 =	sld [smem:$0x7FD];
	[sflag:s6] =	ssyncadd.s32 $0xFFFFFFC0  }
0x8a: {  	s26 =	simm.s32 $0x0;
	s30 =	rddreg [dreg:$0x0]  }
0x8b: {  	[tilespmem:s5], [sflag:$0x1] =	stream.indirect.gather [hbm4b:s30+s8], $0x80, s22, s8, $0xb8;
	[tilespmem:$0x1E680] =	vst v63  }
0x8c: {  	s31 =	simm.s32 $0x4200;
	s3 =	simm.s32 $0x2200;
	s25 =	rddreg [dreg:$0x10]  }
0x8d: {  	[tilespmem:s31], [sflag:$0x3] =	stream.indirect.gather [hbm4b:s17+s8], $0x80, s7, s8, $0xb8;
	[tilespmem:$0x1E680] =	vst v63  }
.LBB2_6:
0x8e: {  	s28 =	sshll.u32 s26, $0x7  }
0x8f: {  	s1 =	sadd.s32 s28, s11  }
0x90: {  	s1 =	sadd.s32 $0x40, s1  }
0x91: {  	s1 =	sshrl.u32 s1, $0x3  }
0x92: {  	s9 =	sadd.s32 s18, s1  }
0x93: {  	[tilespmem:s10], [sflag:$0x5] =	stream.linear.gather [hbm4b:s9+s22], $0x40, $0x38;
	[tilespmem:$0x1E680] =	vst v63  }
0x94: {  	_ =	swait.ge [sflag:s6], $0x40  }
0x95: {  	[sflag:s6] =	ssyncset.done $0x0  }
0x96: {  	s1 =	sadd.s32 s19, s1;
	[sflag:s6] =	ssyncadd.s32 $0xFFFFFFC0  }
0x97: {  	[tilespmem:s14], [sflag:$0x5] =	stream.linear.gather [hbm4b:s1+s22], $0x40, $0x38;
	[tilespmem:$0x1E680] =	vst v63  }
0x98: {  	_ =	swait.ge [sflag:s6], $0x40  }
0x99: {  	[sflag:s6] =	ssyncset.done $0x0  }
0x9a: {  	[sflag:s6] =	ssyncadd.s32 $0xFFFFFFC0  }
0x9b: {  	s13 =	rddreg [dreg:$0x0]  }
0x9c: {  	[tilespmem:s3], [sflag:$0x2] =	stream.indirect.gather [hbm4b:s13+s8], $0x80, s10, s8, $0xb8;
	[tilespmem:$0x1E680] =	vst v63  }
0x9d: {  	s15 =	simm.s32 $0x6200  }
0x9e: {  	[tilespmem:s15], [sflag:$0x4] =	stream.indirect.gather [hbm4b:s17+s8], $0x80, s14, s8, $0xb8;
	[tilespmem:$0x1E680] =	vst v63  }
0x9f: {  	_ =	swait.ge [sflag:s0], $0x2000  }
0xa0: {  	[sflag:s0] =	ssyncset.done $0x0  }
0xa1: {  	[sflag:s0] =	ssyncadd.s32 $0xFFFFE000  }
0xa2: {  	_ =	swait.ge [sflag:s2], $0x2000  }
0xa3: {  	[sflag:s2] =	ssyncset.done $0x0  }
0xa4: {  	s29 =	simm.s32 $0x300;
	[sflag:s2] =	ssyncadd.s32 $0xFFFFE000  }
0xa5: {  	s12 =	smov.u32 s24;
	s24 =	simm.s32 $0x4300;
	v45 =	vld [tilespmem:s29+$0x80]  }
0xa6: {  	v0 =	vld [tilespmem:s24+$0x80]  }
0xa7: {  	v44 =	vld [tilespmem:s29+$0x90]  }
0xa8: {  	v1 =	vld [tilespmem:s24+$0x90]  }
0xa9: {  	v54 =	vld [tilespmem:s29+$0xA0]  }
0xaa: {  	v9 =	vld [tilespmem:s24+$0xA0]  }
0xab: {  	v46 =	vld [tilespmem:s29+$0xB0]  }
0xac: {  	v6 =	vld [tilespmem:s29+$0xE0]  }
0xad: {  	v10 =	vld [tilespmem:s24+$0xB0]  }
0xae: {  	v49 =	vld [tilespmem:s29+$0xC0]  }
0xaf: {  	v11 =	vld [tilespmem:s24+$0xC0]  }
0xb0: {  	v52 =	vld [tilespmem:s29+$0xD0]  }
0xb1: {  	v12 =	vld [tilespmem:s24+$0xD0];
	[tilespmem:$0x1FE60] =	vst v6  }
0xb2: {  	v7 =	vld [tilespmem:s29+$0xF0];
	_ =	sdelay $0x4  }
0xb3: {  	v13 =	vld [tilespmem:s24+$0xE0];
	[tilespmem:$0x1FE70] =	vst v7  }
0xb4: {  	v8 =	vld [tilespmem:s29+$0xFFFFFF80];
	_ =	sdelay $0x3  }
0xb5: {  	v14 =	vld [tilespmem:s24+$0xF0]  }
0xb6: {  	v15 =	vld [tilespmem:s24+$0xFFFFFF00];
	[tilespmem:$0x1FEC0] =	vst v8  }
0xb7: {  	v21 =	vld [tilespmem:s29+$0x0];
	_ =	sdelay $0x4  }
0xb8: {  	v16 =	vld [tilespmem:s24+$0xFFFFFF80];
	[tilespmem:$0x1FF10] =	vst v21  }
0xb9: {  	v27 =	vld [tilespmem:s29+$0xFFFFFF00];
	_ =	sdelay $0x4  }
0xba: {  	v18 =	vld [tilespmem:s24+$0x0];
	[tilespmem:$0x1FE80] =	vst v27  }
0xbb: {  	v26 =	vld [tilespmem:s29+$0xFFFFFF10];
	_ =	sdelay $0x4  }
0xbc: {  	[tilespmem:$0x1FE90] =	vst v26  }
0xbd: {  	v23 =	vld [tilespmem:s29+$0xFFFFFF90];
	_ =	sdelay $0x4  }
0xbe: {  	v19 =	vld [tilespmem:s24+$0xFFFFFF10];
	[tilespmem:$0x1FED0] =	vst v23  }
0xbf: {  	v22 =	vld [tilespmem:s29+$0x10];
	_ =	sdelay $0x4  }
0xc0: {  	v20 =	vld [tilespmem:s24+$0xFFFFFF90];
	[tilespmem:$0x1FF20] =	vst v22  }
0xc1: {  	v28 =	vld [tilespmem:s29+$0xFFFFFF20];
	_ =	sdelay $0x4  }
0xc2: {  	v58 =	vld [tilespmem:s24+$0x10];
	[tilespmem:$0x1FEA0] =	vst v28  }
0xc3: {  	v25 =	vld [tilespmem:s29+$0xFFFFFFA0];
	_ =	sdelay $0x1  }
0xc4: {  	v2 =	vld [tilespmem:$0x1FF80];
	v0 =	vadd.f32 v0, v45  }
0xc5: {  	v3 =	vld [tilespmem:$0x1FF90]  }
0xc6: {  	v4 =	vld [tilespmem:$0x1FFA0];
	v1 =	vadd.f32 v1, v44;
	v17 =	vmul.f32 $2.000000030e-01, v0  }
0xc7: {  	v59 =	vld [tilespmem:s24+$0xFFFFFF20];
	[tilespmem:$0x1FEE0] =	vst v25  }
0xc8: {  	v9 =	vadd.f32 v9, v54;
	v0 =	vmax.f32 v0, v17;
	v17 =	vmul.f32 $2.000000030e-01, v1;
	v24 =	vld [tilespmem:s29+$0x20]  }
0xc9: {  	v10 =	vadd.f32 v10, v46;
	v0 =	vmul.f32 v0, v2  }
0xca: {  	v5 =	vld [tilespmem:$0x1FFB0];
	v11 =	vadd.f32 v11, v49;
	v1 =	vmax.f32 v1, v17;
	v17 =	vmul.f32 $2.000000030e-01, v9  }
0xcb: {  	v13 =	vadd.f32 v13, v6;
	v6 =	vld [tilespmem:$0x1FFC0];
	v0 =	vadd.f32 $0.0e+00, v0;
	v1 =	vmul.f32 v1, v3  }
0xcc: {  	v9 =	vmax.f32 v9, v17;
	v17 =	vmul.f32 $2.000000030e-01, v10;
	v14 =	vadd.f32 v14, v7;
	v7 =	vld [tilespmem:$0x1FFD0]  }
0xcd: {  	v0 =	vadd.f32 v1, v0;
	v1 =	vmul.f32 v9, v4;
	v60 =	vld [tilespmem:s24+$0xFFFFFFA0];
	[tilespmem:$0x1FF30] =	vst v24  }
0xce: {  	v12 =	vadd.f32 v12, v52;
	v10 =	vmax.f32 v10, v17;
	v17 =	vmul.f32 $2.000000030e-01, v11;
	v29 =	vld [tilespmem:s29+$0xFFFFFF30]  }
0xcf: {  	v0 =	vadd.f32 v1, v0;
	v1 =	vmul.f32 v10, v5  }
0xd0: {  	v11 =	vmax.f32 v11, v17;
	v17 =	vmul.f32 $2.000000030e-01, v12  }
0xd1: {  	v0 =	vadd.f32 v1, v0;
	v1 =	vmul.f32 v11, v6  }
0xd2: {  	v12 =	vmax.f32 v12, v17;
	v16 =	vadd.f32 v16, v8;
	v8 =	vld [tilespmem:$0x1FFE0]  }
0xd3: {  	v0 =	vadd.f32 v1, v0;
	v1 =	vmul.f32 v12, v7;
	v12 =	vld [tilespmem:s24+$0x20];
	[tilespmem:$0x1FEB0] =	vst v29  }
0xd4: {  	v15 =	vadd.f32 v15, v27;
	v27 =	vld [tilespmem:s29+$0xFFFFFFB0];
	_ =	sdelay $0x1  }
0xd5: {  	v17 =	vmul.f32 $2.000000030e-01, v13;
	_ =	sdelay $0x1  }
0xd6: {  	v47 =	vld [tilespmem:$0x1FFF0];
	v13 =	vmax.f32 v13, v17  }
0xd7: {  	v0 =	vadd.f32 v1, v0;
	v1 =	vmul.f32 v13, v8;
	v13 =	vld [tilespmem:s24+$0xFFFFFF30];
	[tilespmem:$0x1FEF0] =	vst v27  }
0xd8: {  	v19 =	vadd.f32 v19, v26;
	v26 =	vld [tilespmem:s29+$0x30];
	_ =	sdelay $0x1  }
0xd9: {  	v17 =	vmul.f32 $2.000000030e-01, v14;
	_ =	sdelay $0x1  }
0xda: {  	v14 =	vmax.f32 v14, v17  }
0xdb: {  	v0 =	vadd.f32 v1, v0;
	v1 =	vmul.f32 v14, v47;
	v14 =	vld [tilespmem:s24+$0xFFFFFFB0];
	[tilespmem:$0x1FF40] =	vst v26  }
0xdc: {  	v17 =	vmul.f32 $2.000000030e-01, v16;
	v30 =	vld [tilespmem:s29+$0xFFFFFFC0]  }
0xdd: {  	v18 =	vadd.f32 v18, v21  }
0xde: {  	v16 =	vmax.f32 v16, v17;
	v21 =	vmul.f32 $2.000000030e-01, v15  }
0xdf: {  	v17 =	vmul.f32 $2.000000030e-01, v18;
	v0 =	vadd.f32 v1, v0;
	v1 =	vmul.f32 v16, v2;
	v16 =	vld [tilespmem:s24+$0x30]  }
0xe0: {  	v15 =	vmax.f32 v15, v21;
	v50 =	vld [tilespmem:s29+$0xFFFFFF40]  }
0xe1: {  	v17 =	vmax.f32 v18, v17;
	v21 =	vmul.f32 $2.000000030e-01, v19;
	v20 =	vadd.f32 v20, v23;
	v18 =	vld [tilespmem:s24+$0xFFFFFF40];
	[tilespmem:$0x1FF00] =	vst v30  }
0xe2: {  	v15 =	vmul.f32 v15, v2;
	v10 =	vadd.f32 v59, v28;
	v28 =	vld [tilespmem:s29+$0x40]  }
0xe3: {  	v19 =	vmax.f32 v19, v21;
	v21 =	vmul.f32 $2.000000030e-01, v20;
	v9 =	vadd.f32 v58, v22  }
0xe4: {  	v1 =	vadd.f32 $0.0e+00, v1;
	v15 =	vadd.f32 $0.0e+00, v15;
	v19 =	vmul.f32 v19, v3  }
0xe5: {  	v20 =	vmax.f32 v20, v21;
	v21 =	vmul.f32 $2.000000030e-01, v9;
	v11 =	vadd.f32 v60, v25  }
0xe6: {  	v17 =	vmul.f32 v17, v2;
	v15 =	vadd.f32 v19, v15;
	v19 =	vmul.f32 v20, v3  }
0xe7: {  	v9 =	vmax.f32 v9, v21;
	v23 =	vmul.f32 $2.000000030e-01, v10;
	v21 =	vmul.f32 $2.000000030e-01, v11;
	v22 =	vld [tilespmem:s24+$0xFFFFFFC0];
	[tilespmem:$0x1FF50] =	vst v28  }
0xe8: {  	v17 =	vadd.f32 $0.0e+00, v17;
	v1 =	vadd.f32 v19, v1;
	v9 =	vmul.f32 v9, v3;
	v25 =	vld [tilespmem:s29+$0x50]  }
0xe9: {  	v10 =	vmax.f32 v10, v23;
	v11 =	vmax.f32 v11, v21;
	v12 =	vadd.f32 v12, v24;
	v20 =	vld [tilespmem:s24+$0x40]  }
0xea: {  	v10 =	vmul.f32 v10, v4;
	v11 =	vmul.f32 v11, v4;
	v13 =	vadd.f32 v13, v29;
	v53 =	vld [tilespmem:s29+$0xFFFFFF50]  }
0xeb: {  	v9 =	vadd.f32 v9, v17;
	v17 =	vmul.f32 $2.000000030e-01, v12;
	v14 =	vadd.f32 v14, v27;
	v19 =	vld [tilespmem:s24+$0xFFFFFF50]  }
0xec: {  	v10 =	vadd.f32 v10, v15;
	v1 =	vadd.f32 v11, v1;
	v21 =	vmul.f32 $2.000000030e-01, v13;
	v51 =	vld [tilespmem:s29+$0xFFFFFFD0]  }
0xed: {  	v12 =	vmax.f32 v12, v17;
	v17 =	vmul.f32 $2.000000030e-01, v14;
	v16 =	vadd.f32 v16, v26;
	v23 =	vld [tilespmem:s24+$0xFFFFFFD0];
	[tilespmem:$0x1FF60] =	vst v25  }
0xee: {  	v61 =	vmul.f32 v12, v4;
	v13 =	vmax.f32 v13, v21;
	v12 =	vadd.f32 v18, v50;
	v26 =	vld [tilespmem:s29+$0x60]  }
0xef: {  	v13 =	vmul.f32 v13, v5;
	v14 =	vmax.f32 v14, v17;
	v17 =	vmul.f32 $2.000000030e-01, v16;
	v15 =	vld [tilespmem:s24+$0x50]  }
0xf0: {  	v9 =	vadd.f32 v61, v9;
	v21 =	vmul.f32 $2.000000030e-01, v12;
	v22 =	vadd.f32 v22, v30;
	v57 =	vld [tilespmem:s29+$0xFFFFFF60]  }
0xf1: {  	v10 =	vadd.f32 v13, v10;
	v14 =	vmul.f32 v14, v5;
	v62 =	vmax.f32 v16, v17;
	v18 =	vld [tilespmem:s24+$0xFFFFFF60]  }
0xf2: {  	v12 =	vmax.f32 v12, v21;
	v13 =	vmul.f32 $2.000000030e-01, v22;
	v16 =	vadd.f32 v20, v28;
	v55 =	vld [tilespmem:s29+$0xFFFFFFE0]  }
0xf3: {  	v1 =	vadd.f32 v14, v1;
	v11 =	vmul.f32 v62, v5;
	v12 =	vmul.f32 v12, v6;
	v24 =	vld [tilespmem:s24+$0xFFFFFFE0];
	[tilespmem:$0x1FF70] =	vst v26  }
0xf4: {  	v13 =	vmax.f32 v22, v13;
	v14 =	vadd.f32 v19, v53;
	v19 =	vmul.f32 $2.000000030e-01, v16;
	v17 =	vld [tilespmem:s24+$0x60]  }
0xf5: {  	v9 =	vadd.f32 v11, v9;
	v10 =	vadd.f32 v12, v10;
	v63 =	vmul.f32 v13, v6;
	v59 =	vld [tilespmem:s29+$0xFFFFFF70]  }
0xf6: {  	v12 =	vadd.f32 v23, v51;
	v13 =	vmax.f32 v16, v19;
	v16 =	vmul.f32 $2.000000030e-01, v14;
	v20 =	vld [tilespmem:s24+$0xFFFFFF70]  }
0xf7: {  	v1 =	vadd.f32 v63, v1;
	v32 =	vmul.f32 v13, v6;
	v13 =	vadd.f32 v15, v25;
	v58 =	vld [tilespmem:s29+$0xFFFFFFF0]  }
0xf8: {  	v15 =	vmul.f32 $2.000000030e-01, v12;
	v14 =	vmax.f32 v14, v16;
	v16 =	vadd.f32 v18, v57;
	v19 =	vld [tilespmem:s24+$0xFFFFFFF0]  }
0xf9: {  	v21 =	vadd.f32 v24, v55;
	v48 =	vld [tilespmem:s29+$0x70];
	v14 =	vmul.f32 v14, v7;
	v33 =	vmul.f32 $2.000000030e-01, v13  }
0xfa: {  	s30 =	simm.s32 $0x500;
	v18 =	vld [tilespmem:s24+$0x70];
	v9 =	vadd.f32 v32, v9;
	v12 =	vmax.f32 v12, v15;
	v15 =	vmul.f32 $2.000000030e-01, v16  }
0xfb: {  	s3 =	simm.s32 $0x4500;
	v60 =	vld [tilespmem:s30+$0x80];
	v12 =	vmul.f32 v12, v7;
	v10 =	vadd.f32 v14, v10;
	v11 =	vmax.f32 v13, v33  }
0xfc: {  	v22 =	vld [tilespmem:s3+$0x80];
	v13 =	vmul.f32 $2.000000030e-01, v21;
	v15 =	vmax.f32 v16, v15;
	v11 =	vmul.f32 v11, v7  }
0xfd: {  	v61 =	vld [tilespmem:s30+$0x90];
	v1 =	vadd.f32 v12, v1;
	v15 =	vmul.f32 v15, v8;
	v17 =	vadd.f32 v17, v26  }
0xfe: {  	v62 =	vld [tilespmem:s30+$0xA0];
	v16 =	vadd.f32 v20, v59;
	v12 =	vmax.f32 v21, v13;
	v13 =	vadd.f32 v19, v58  }
0xff: {  	v20 =	vld [tilespmem:s3+$0x90];
	v18 =	vadd.f32 v18, v48;
	v12 =	vmul.f32 v12, v8;
	v23 =	vmul.f32 $2.000000030e-01, v17  }
0x100: {  	v14 =	vld [tilespmem:s3+$0xA0];
	v9 =	vadd.f32 v11, v9;
	v10 =	vadd.f32 v15, v10;
	v19 =	vmul.f32 $2.000000030e-01, v16  }
0x101: {  	v63 =	vld [tilespmem:s30+$0xB0];
	v34 =	vmul.f32 $2.000000030e-01, v13;
	v1 =	vadd.f32 v12, v1;
	v17 =	vmax.f32 v17, v23  }
0x102: {  	v43 =	vld [tilespmem:s30+$0xC0];
	v12 =	vadd.f32 v22, v60;
	v15 =	vmax.f32 v16, v19;
	v17 =	vmul.f32 v17, v8  }
0x103: {  	v21 =	vld [tilespmem:s3+$0xB0];
	v11 =	vmax.f32 v13, v34;
	v13 =	vmul.f32 $2.000000030e-01, v18;
	v15 =	vmul.f32 v15, v47  }
0x104: {  	(xrf2) =	vadd.scan.msk.f32 $0xffff, v0;
	v42 =	vld [tilespmem:s30+$0xD0];
	v35 =	vmul.f32 $2.000000030e-01, v12;
	v0 =	vadd.f32 v17, v9;
	v17 =	vadd.f32 v20, v61  }
0x105: {  	v14 =	vadd.f32 v14, v62;
	v16 =	vld [tilespmem:s3+$0xC0];
	v11 =	vmul.f32 v11, v47;
	v13 =	vmax.f32 v18, v13  }
0x106: {  	v41 =	vld [tilespmem:s30+$0xE0];
	v10 =	vadd.f32 v15, v10;
	v9 =	vmax.f32 v12, v35;
	v12 =	vmul.f32 $2.000000030e-01, v17  }
0x107: {  	v19 =	vld [tilespmem:s3+$0xD0];
	v1 =	vadd.f32 v11, v1;
	v36 =	vmul.f32 v13, v47;
	v9 =	vmul.f32 v9, v2  }
0x108: {  	v40 =	vld [tilespmem:s30+$0xF0];
	v13 =	vadd.f32 v21, v63;
	(xrf2) =	vadd.scan.msk.f32 $0xffff, v10;
	v37 =	vmax.f32 v17, v12;
	v12 =	vmul.f32 $2.000000030e-01, v14  }
0x109: {  	v15 =	vld [tilespmem:s3+$0xE0];
	v0 =	vadd.f32 v36, v0;
	(xrf2) =	vadd.scan.msk.f32 $0xffff, v1;
	v1 =	vadd.f32 $0.0e+00, v9;
	v38 =	vmul.f32 v37, v3  }
0x10a: {  	v56 =	vld [tilespmem:s30+$0xFFFFFF80];
	v39 =	vmax.f32 v14, v12;
	v12 =	vmul.f32 $2.000000030e-01, v13;
	v14 =	vadd.f32 v16, v43  }
0x10b: {  	v17 =	vld [tilespmem:s3+$0xF0];
	(xrf2) =	vadd.scan.msk.f32 $0xffff, v0;
	v0 =	vadd.f32 v38, v1;
	v1 =	vmul.f32 v39, v4  }
0x10c: {  	v33 =	vld [tilespmem:s30+$0x0];
	v32 =	vmax.f32 v13, v12;
	v12 =	vmul.f32 $2.000000030e-01, v14;
	v13 =	vadd.f32 v19, v42  }
0x10d: {  	v22 =	vld [tilespmem:s30+$0xFFFFFF10];
	v0 =	vadd.f32 v1, v0;
	v1 =	vmul.f32 v32, v5  }
0x10e: {  	v23 =	vld [tilespmem:s30+$0xFFFFFF00];
	v15 =	vadd.f32 v15, v41;
	v12 =	vmax.f32 v14, v12;
	v14 =	vmul.f32 $2.000000030e-01, v13  }
0x10f: {  	v18 =	vld [tilespmem:s3+$0xFFFFFF00];
	v0 =	vadd.f32 v1, v0;
	v1 =	vmul.f32 v12, v6  }
0x110: {  	v34, _, _ =	vpop (xrf2);
	v20 =	vld [tilespmem:s3+$0xFFFFFF10];
	v12 =	vmax.f32 v13, v14;
	v13 =	vmul.f32 $2.000000030e-01, v15;
	v14 =	vadd.f32 v17, v40  }
0x111: {  	v11 =	vmul.f32 $1.442695020e+00, v34;
	v16 =	vld [tilespmem:s3+$0xFFFFFF80];
	v0 =	vadd.f32 v1, v0  }
0x112: {  	v1 =	vmul.f32 v12, v7;
	v12 =	vld [tilespmem:s30+$0xFFFFFF90];
	v13 =	vmax.f32 v15, v13;
	v15 =	vmul.f32 $2.000000030e-01, v14  }
0x113: {  	v19 =	vld [tilespmem:s3+$0x0]  }
0x114: {  	v21 =	vld [tilespmem:s3+$0xFFFFFF90];
	v11 =	vbroadcast v11, $0xF;
	v17, _, _ =	vpop (xrf2);
	v14 =	vmax.f32 v14, v15  }
0x115: {  	v35 =	vld [tilespmem:s30+$0x10];
	v17 =	vmul.f32 $1.442695020e+00, v17;
	v24, _, _ =	vpop (xrf2);
	v0 =	vadd.f32 v1, v0;
	v1 =	vmul.f32 v13, v8  }
0x116: {  	(erf) = vpow2.f32 v11;
	v24 =	vmul.f32 $1.442695020e+00, v24;
	v25, _, _ =	vpop (xrf2);
	v15 =	vld [tilespmem:s3+$0x10];
	[tilespmem:$0x1FDF0] =	vst v56  }
0x117: {  	v13 =	vbroadcast v17, $0xF;
	v0 =	vadd.f32 v1, v0;
	v1 =	vmul.f32 v14, v47;
	v14 =	vmovc v12;
	v12 =	vld [tilespmem:s30+$0xFFFFFF20];
	[tilespmem:$0x1FE00] =	vst v33  }
0x118: {  	v16 =	vadd.f32 v16, v56;
	v26 =	vadd.f32 v19, v33;
	v30 =	vmul.f32 $1.442695020e+00, v25;
	v19 =	vld [tilespmem:s3+$0xFFFFFF20]  }
0x119: {  	v24 =	vbroadcast v24, $0xF;
	(erf) = vpow2.f32 v13;
	v36 =	vld [tilespmem:s30+$0xFFFFFFA0]  }
0x11a: {  	v18 =	vadd.f32 v18, v23;
	v13 =	vmul.f32 $2.000000030e-01, v16;
	v30 =	vbroadcast v30, $0xF;
	v28 =	vld [tilespmem:s3+$0xFFFFFFA0]  }
0x11b: {  	v20 =	vadd.f32 v20, v22;
	(erf) = vpow2.f32 v24;
	v0 =	vadd.f32 v1, v0;
	v37 =	vld [tilespmem:s30+$0x20]  }
0x11c: {  	v25 =	vmovc v23;
	v23 =	vmul.f32 $2.000000030e-01, v26;
	v16 =	vmax.f32 v16, v13;
	(erf) = vpow2.f32 v30;
	v56 =	vld [tilespmem:s3+$0x20];
	[tilespmem:$0x1FE10] =	vst v12  }
0x11d: {  	v27 =	vmul.f32 v16, v2;
	v16 =	vmul.f32 $2.000000030e-01, v20;
	(xrf2) =	vadd.scan.msk.f32 $0xffff, v0;
	v0 =	vadd.f32 v21, v14;
	v17 =	vld [tilespmem:s30+$0xFFFFFF30]  }
0x11e: {  	v24 =	vmovc v22;
	v22 =	vmax.f32 v26, v23;
	v21 =	vmul.f32 $2.000000030e-01, v18;
	v1 =	vadd.f32 v19, v12;
	v31 =	vld [tilespmem:s3+$0xFFFFFF30]  }
0x11f: {  	v15 =	vadd.f32 v15, v35;
	v20 =	vmax.f32 v20, v16;
	v38 =	vmul.f32 $2.000000030e-01, v0;
	v11 =	vld [tilespmem:s30+$0xFFFFFFB0]  }
0x120: {  	v18 =	vmax.f32 v18, v21;
	v21 =	vmul.f32 v22, v2;
	v29 =	vld [tilespmem:s3+$0xFFFFFFB0];
	v12 =	vmul.f32 $2.000000030e-01, v1  }
0x121: {  	v27 =	vadd.f32 $0.0e+00, v27;
	v18 =	vmul.f32 v18, v2;
	v19 =	vmul.f32 $2.000000030e-01, v15;
	v2 =	vld [tilespmem:s30+$0x30]  }
0x122: {  	v20 =	vmul.f32 v20, v3;
	v0 =	vmax.f32 v0, v38;
	v26 =	vmax.f32 v1, v12;
	v12 =	vld [tilespmem:s3+$0x30];
	[tilespmem:$0x1FE20] =	vst v36  }
0x123: {  	v39 =	vadd.f32 $0.0e+00, v21;
	v18 =	vadd.f32 $0.0e+00, v18;
	v16 =	vmax.f32 v15, v19;
	v10 =	vld [tilespmem:s30+$0xFFFFFF40]  }
0x124: {  	v28 =	vadd.f32 v28, v36;
	v15 =	vmovc v37;
	v1 =	vmul.f32 v0, v3;
	v0 =	vmul.f32 v16, v3;
	v30 =	vld [tilespmem:s3+$0xFFFFFF40]  }
0x125: {  	v18 =	vadd.f32 v20, v18;
	v56 =	vadd.f32 v56, v15;
	v3 =	vld [tilespmem:s30+$0xFFFFFFC0]  }
0x126: {  	v13 =	vmovc v35;
	v26 =	vmul.f32 v26, v4;
	v35 =	vld [tilespmem:s3+$0xFFFFFFC0];
	[tilespmem:$0x1FE30] =	vst v17;
	v37 =	vadd.f32 v0, v39;
	v0 =	vmul.f32 $2.000000030e-01, v28  }
0x127: {  	[tilespmem:$0x1FE40] =	vst v11;
	v29 =	vadd.f32 v29, v11;
	v34 =	vadd.f32 v1, v27  }
0x128: {  	v27, _, _ =	vpop (xrf2);
	v20 =	vld [tilespmem:s30+$0x40];
	v38 =	vadd.f32 v26, v18;
	v1 =	vmax.f32 v28, v0;
	v28 =	vadd.f32 v31, v17  }
0x129: {  	v33 =	vld [tilespmem:s3+$0x40];
	v18 =	vmovc v2;
	v26 =	vmul.f32 $1.442695020e+00, v27;
	v0 =	vadd.f32 v12, v2;
	v2 =	vmul.f32 $2.000000030e-01, v56  }
0x12a: {  	v39 =	vld [tilespmem:s3+$0xFFFFFF50];
	v32 =	vmul.f32 v1, v4;
	v30 =	vadd.f32 v30, v10;
	v1 =	vmul.f32 $2.000000030e-01, v28  }
0x12b: {  	v9 =	vld [tilespmem:s30+$0xFFFFFFD0];
	v31 =	vbroadcast v26, $0xF;
	v56 =	vmax.f32 v56, v2;
	v2 =	vmul.f32 $2.000000030e-01, v29  }
0x12c: {  	v36 =	vld [tilespmem:s3+$0xFFFFFFD0];
	v27 =	vmul.f32 $2.000000030e-01, v0;
	v1 =	vmax.f32 v28, v1;
	v28 =	vmul.f32 $2.000000030e-01, v30  }
0x12d: {  	v26 =	vmov v10;
	v10 =	vld [tilespmem:s30+$0xFFFFFF50];
	(erf) = vpow2.f32 v31;
	v32 =	vadd.f32 v32, v34  }
0x12e: {  	v29 =	vmax.f32 v29, v2;
	v0 =	vmax.f32 v0, v27;
	v2 =	vld [tilespmem:s30+$0x50];
	[tilespmem:$0x1FE50] =	vst v3;
	v27 =	vmax.f32 v30, v28  }
0x12f: {  	s24 =	sadd.s32 $0x0, s25;
	v28 =	vmul.f32 v56, v4;
	v31 =	vmul.f32 v29, v5;
	v30 =	vadd.f32 v35, v3;
	v29 =	vld [tilespmem:s3+$0xFFFFFF60]  }
0x130: {  	s9 =	simm.f32 $1.000000000e+00;
	p0 =	slt.u32 s24, $0x50910;
	v33 =	vadd.f32 v33, v20;
	v1 =	vmul.f32 v1, v5;
	v35 =	vmul.f32 v27, v6;
	v27 =	vld [tilespmem:s30+$0xFFFFFF60]  }
0x131: {  	s9 =	simm.s32 @!p0 $0x0;
	v0 =	vmul.f32 v0, v5;
	v4 =	vpop (erf);
	v28 =	vadd.f32 v28, v37;
	v5 =	vmul.f32 $2.000000030e-01, v30  }
0x132: {  	v1 =	vadd.f32 v1, v38;
	v31 =	vadd.f32 v31, v32;
	v32 =	vmul.f32 s9, v4  }
0x133: {  	v0 =	vadd.f32 v0, v28;
	v28 =	vmax.f32 v30, v5;
	v5 =	vadd.f32 v39, v10  }
0x134: {  	v36 =	vadd.f32 v36, v9;
	v11 =	vmul.f32 $2.000000030e-01, v33;
	v1 =	vadd.f32 v35, v1  }
0x135: {  	v23 =	vmovc v9;
	v19 =	vmovc v10;
	v4 =	vmul.f32 v32, v45;
	v9 =	vadd.f32 v29, v27;
	v10 =	vmul.f32 $2.000000030e-01, v5  }
0x136: {  	v30 =	vmax.f32 v33, v11;
	v35 =	vmul.f32 v32, v44;
	v38 =	vmul.f32 v32, v54  }
0x137: {  	v34 =	vld [tilespmem:s3+$0x50];
	v28 =	vmul.f32 v28, v6;
	[tilespmem:s29+$0x80] =	vst v4;
	v33 =	vmax.f32 v5, v10;
	v5 =	vmul.f32 $2.000000030e-01, v9  }
0x138: {  	v30 =	vmul.f32 v30, v6;
	v6 =	vmul.f32 v32, v46;
	[tilespmem:s29+$0x90] =	vst v35  }
0x139: {  	[tilespmem:s29+$0xA0] =	vst v38;
	v38 =	vmax.f32 v9, v5;
	v9 =	vmul.f32 v32, v49  }
0x13a: {  	[tilespmem:s29+$0xB0] =	vst v6  }
0x13b: {  	[tilespmem:s29+$0xC0] =	vst v9  }
0x13c: {  	v21 =	vmov v2;
	v11 =	vmul.f32 $2.000000030e-01, v36;
	v34 =	vadd.f32 v34, v2;
	v2 =	vld [tilespmem:$0x1FE60];
	_ =	sdelay $0x1  }
0x13d: {  	v0 =	vadd.f32 v30, v0;
	v30 =	vmax.f32 v36, v11;
	v36 =	vpop (erf)  }
0x13e: {  	s13 =	sadd.s32 $0x4, s25;
	v4 =	vmul.f32 $2.000000030e-01, v34;
	v39 =	vpop (erf)  }
0x13f: {  	p0 =	slt.u32 s13, $0x50910;
	s13 =	simm.f32 $1.000000000e+00;
	v10 =	vmul.f32 v32, v52;
	v52 =	vpop (erf)  }
0x140: {  	s13 =	simm.s32 @!p0 $0x0;
	v34 =	vmax.f32 v34, v4;
	v6 =	vpop (erf);
	v4 =	vmul.f32 v32, v2;
	v2 =	vld [tilespmem:$0x1FE70]  }
0x141: {  	v56 =	vmul.f32 s13, v6  }
0x142: {  	s15 =	simm.s32 $0x3  }
0x143: {  	v44 =	vmov s15;
	v6 =	vmul.f32 v56, v62  }
0x144: {  	v45 =	vld [tilespmem:s3+$0xFFFFFFE0];
	[tilespmem:s29+$0xD0] =	vst v10  }
0x145: {  	v29 =	vld [tilespmem:s30+$0xFFFFFFE0];
	[tilespmem:s30+$0xA0] =	vst v6;
	v5 =	vmul.f32 v32, v2  }
0x146: {  	v31 =	vadd.f32 v28, v31;
	v30 =	vmul.f32 v30, v7;
	[tilespmem:s29+$0xE0] =	vst v4  }
0x147: {  	v10 =	vmul.f32 v56, v60;
	[tilespmem:s29+$0xF0] =	vst v5  }
0x148: {  	[tilespmem:v44+s4+$0x0] =	vst.idx.msk $0x1, v32;
	v32 =	vadd.f32 v30, v31;
	v30 =	vmul.f32 v56, v61  }
0x149: {  	v46 =	vld [tilespmem:s3+$0x60];
	[tilespmem:s30+$0x80] =	vst v10;
	v10 =	vmul.f32 v56, v43  }
0x14a: {  	v28 =	vld [tilespmem:s30+$0x60];
	v45 =	vadd.f32 v45, v29;
	[tilespmem:s30+$0x90] =	vst v30;
	v30 =	vmul.f32 v56, v63  }
0x14b: {  	v11 =	vmov s22;
	[tilespmem:s30+$0xC0] =	vst v10  }
0x14c: {  	v49 =	vand.u32 $0xFFFFFFFC, v11;
	v11 =	vmul.f32 $2.000000030e-01, v45;
	[tilespmem:s30+$0xB0] =	vst v30  }
0x14d: {  	v2 =	vld [tilespmem:$0x1FE80]  }
0x14e: {  	v45 =	vmax.f32 v45, v11;
	v11 =	vmul.f32 v56, v42  }
0x14f: {  	v9 =	vadd.f32 v46, v28;
	v41 =	vmul.f32 v56, v41  }
0x150: {  	v36 =	vmul.f32 s9, v36;
	v46 =	vld [tilespmem:s3+$0xFFFFFF70];
	[tilespmem:s30+$0xD0] =	vst v11  }
0x151: {  	v4 =	vld [tilespmem:s3+$0xFFFFFFF0];
	v5 =	vmul.f32 $2.000000030e-01, v9;
	[tilespmem:s30+$0xE0] =	vst v41  }
0x152: {  	v54 =	vmul.f32 v36, v2;
	v2 =	vld [tilespmem:$0x1FE90]  }
0x153: {  	v60 =	vmax.f32 v9, v5;
	v9 =	vld [tilespmem:s3+$0x70];
	s3 =	simm.s32 $0x7  }
0x154: {  	v63 =	vmul.f32 v56, v40;
	v30 =	vmul.f32 s9, v52;
	v52 =	vmov s3;
	_ =	sdelay $0x1  }
0x155: {  	v35 =	vld [tilespmem:s30+$0xFFFFFF70];
	[tilespmem:s30+$0xF0] =	vst v63  }
0x156: {  	v5 =	vmul.f32 v36, v2;
	v2 =	vld [tilespmem:$0x1FEA0];
	_ =	sdelay $0x1  }
0x157: {  	[tilespmem:v52+s4+$0x0] =	vst.idx.msk $0x1, v56  }
0x158: {  	[tilespmem:s29+$0xFFFFFF00] =	vst v54  }
0x159: {  	v33 =	vmul.f32 v33, v7;
	v62 =	vadd.f32 v46, v35;
	v31 =	vld [tilespmem:s30+$0x70];
	[tilespmem:s29+$0xFFFFFF10] =	vst v5  }
0x15a: {  	v34 =	vmul.f32 v34, v7;
	v7 =	vmul.f32 v36, v2;
	v2 =	vld [tilespmem:$0x1FEB0]  }
0x15b: {  	v46 =	vmul.f32 $2.000000030e-01, v62;
	_ =	sdelay $0x1  }
0x15c: {  	v43 =	vmax.f32 v62, v46;
	v62 =	vmul.f32 v36, v50;
	_ =	sdelay $0x1  }
0x15d: {  	v6 =	vadd.f32 v9, v31;
	v52 =	vmul.f32 v60, v8;
	[tilespmem:s29+$0xFFFFFF40] =	vst v62;
	v60 =	vmul.f32 v36, v2  }
0x15e: {  	[tilespmem:s29+$0xFFFFFF20] =	vst v7  }
0x15f: {  	v1 =	vadd.f32 v33, v1;
	v33 =	vld [tilespmem:s30+$0xFFFFFFF0];
	v11 =	vmul.f32 $2.000000030e-01, v6;
	[tilespmem:s29+$0xFFFFFF30] =	vst v60  }
0x160: {  	v0 =	vadd.f32 v34, v0;
	v2 =	vld [tilespmem:$0x1FEC0]  }
0x161: {  	v63 =	vmul.f32 v36, v53;
	v56 =	vmax.f32 v6, v11  }
0x162: {  	v41 =	vmul.f32 v56, v47;
	v0 =	vadd.f32 v52, v0  }
0x163: {  	v37 =	vmul.f32 s9, v39;
	[tilespmem:s29+$0xFFFFFF50] =	vst v63  }
0x164: {  	v4 =	vadd.f32 v4, v33;
	v41 =	vadd.f32 v41, v0;
	v0 =	vld [tilespmem:$0x1FEF0]  }
0x165: {  	v6 =	vmul.f32 v37, v2;
	v2 =	vld [tilespmem:$0x1FED0]  }
0x166: {  	v49 =	vbroadcast v49, $0x0;
	v9 =	vmul.f32 $2.000000030e-01, v4  }
0x167: {  	v38 =	vmul.f32 v38, v8  }
0x168: {  	v46 =	vmax.f32 v4, v9;
	v4 =	vmul.f32 v36, v57;
	v54 =	vmul.f32 v43, v47  }
0x169: {  	v1 =	vadd.f32 v38, v1;
	v5 =	vmul.f32 v36, v59;
	v52 =	vmul.f32 v37, v0;
	v0 =	vld [tilespmem:$0x1FF00]  }
0x16a: {  	v10 =	vmul.f32 v45, v8;
	v8 =	vmul.f32 v37, v2;
	v2 =	vld [tilespmem:$0x1FEE0];
	[tilespmem:s29+$0xFFFFFF60] =	vst v4  }
0x16b: {  	v1 =	vadd.f32 v54, v1;
	[tilespmem:s29+$0xFFFFFF70] =	vst v5  }
0x16c: {  	[tilespmem:v49+s4+$0x0] =	vst.idx.msk $0x1, v36  }
0x16d: {  	(xrf2) =	vadd.scan.msk.f32 $0xffff, v1;
	v1 =	vld [tilespmem:$0x1FF20];
	_ =	sdelay $0x4  }
0x16e: {  	v59 =	vmul.f32 v30, v1;
	v1 =	vld [tilespmem:$0x1FF30];
	_ =	sdelay $0x4  }
0x16f: {  	v62 =	vmul.f32 v37, v55;
	v55 =	vmul.f32 v30, v1;
	v1 =	vld [tilespmem:$0x1FF40];
	_ =	sdelay $0x4  }
0x170: {  	v54 =	vmul.f32 v30, v1;
	v1 =	vld [tilespmem:$0x1FF50];
	_ =	sdelay $0x1  }
0x171: {  	s31 =	simm.s32 $0x700  }
0x172: {  	v38 =	vld [tilespmem:s31+$0xB0]  }
0x173: {  	v44 =	vmul.f32 v37, v0;
	v0 =	vld [tilespmem:$0x1FF10];
	[tilespmem:s29+$0xFFFFFF80] =	vst v6  }
0x174: {  	v53 =	vmul.f32 v30, v1;
	v1 =	vld [tilespmem:$0x1FF60]  }
0x175: {  	s15 =	simm.s32 $0x4700;
	v61 =	vadd.f32 v10, v32;
	v32 =	vld [tilespmem:s31+$0x80];
	v34 =	vmul.f32 v46, v47  }
0x176: {  	v7 =	vld [tilespmem:s15+$0x80]  }
0x177: {  	v39 =	vadd.f32 v34, v61;
	v34 =	vld [tilespmem:s31+$0x90]  }
0x178: {  	s9 =	simm.s32 $0x1;
	v11 =	vld [tilespmem:s15+$0x90]  }
0x179: {  	v10 =	vmov s9;
	v56 =	vmul.f32 v37, v51;
	v51 =	vmul.f32 v30, v1;
	v1 =	vld [tilespmem:$0x1FF70]  }
0x17a: {  	s24 =	simm.s32 $0x2;
	v45 =	vld [tilespmem:s15+$0xB0];
	v42 =	vand.u32 $0xFFFFFFFD, v10;
	v48 =	vmul.f32 v30, v48  }
0x17b: {  	v46 =	vmul.f32 v37, v58;
	(xrf2) =	vadd.scan.msk.f32 $0xffff, v39;
	v39 =	vld [tilespmem:s31+$0xC0];
	v43 =	vadd.f32 v7, v32;
	v63 =	vmov s24  }
0x17c: {  	v61 =	vbroadcast v42, $0x0;
	(xrf2) =	vadd.scan.msk.f32 $0xffff, v41;
	v41 =	vld [tilespmem:s15+$0xC0];
	v49 =	vand.u32 $0xFFFFFFFE, v63;
	v9 =	vmul.f32 v37, v2  }
0x17d: {  	v50 =	vmul.f32 $2.000000030e-01, v43;
	v36 =	vld [tilespmem:s31+$0xA0];
	v49 =	vbroadcast v49, $0x0;
	[tilespmem:s29+$0xFFFFFF90] =	vst v8  }
0x17e: {  	s1 =	simm.s32 $0x8;
	s9 =	simm.s32 $0x4;
	s24 =	simm.s32 $0xC;
	v58 =	vmul.f32 v30, v0;
	v0 =	vld [tilespmem:s15+$0xA0];
	[tilespmem:s29+$0xFFFFFFA0] =	vst v9;
	v47 =	vmul.f32 v30, v1;
	v1 =	vadd.f32 v11, v34  }
.LBB2_7:
0x17f: {  	v2 =	vld [tilespmem:$0x1FF80]  }
0x180: {  	v60 =	vld [tilespmem:s15+$0xD0]  }
0x181: {  	[tilespmem:s29+$0xFFFFFFB0] =	vst v52;
	v52 =	vld [tilespmem:s31+$0xE0]  }
0x182: {  	[tilespmem:s29+$0xFFFFFFC0] =	vst v44;
	v44 =	vmov v35;
	v35 =	vld [tilespmem:s15+$0xE0]  }
0x183: {  	v9 =	vld [tilespmem:$0x1FFA0]  }
0x184: {  	v10 =	vld [tilespmem:$0x1FFB0]  }
0x185: {  	v12 =	vld [tilespmem:$0x1FFC0]  }
0x186: {  	[tilespmem:s29+$0xFFFFFFF0] =	vst v46;
	v16 =	vmov v13;
	v13 =	vld [tilespmem:$0x1FFD0]  }
0x187: {  	[tilespmem:s29+$0x0] =	vst v58;
	v17 =	vmov v14;
	v14 =	vld [tilespmem:$0x1FFE0];
	v4 =	vmul.f32 $2.000000030e-01, v1  }
0x188: {  	v22 =	vmov v20;
	v20 =	vmov v18;
	v18 =	vmov v15;
	v15 =	vld [tilespmem:$0x1FFF0];
	[tilespmem:s29+$0xFFFFFFD0] =	vst v56  }
0x189: {  	[tilespmem:s29+$0xFFFFFFE0] =	vst v62;
	v1 =	vmax.f32 v1, v4;
	v4 =	vld [tilespmem:$0x1FF90]  }
0x18a: {  	v3 =	vmax.f32 v43, v50;
	v50 =	vld [tilespmem:s31+$0xD0];
	[tilespmem:s29+$0x10] =	vst v59  }
0x18b: {  	v56 =	vld [tilespmem:s31+$0xF0];
	[tilespmem:v61+s4+$0x0] =	vst.idx.msk $0x1, v37  }
0x18c: {  	v40 =	vmov v28;
	v42, _, _ =	vpop (xrf2);
	[tilespmem:s29+$0x20] =	vst v55;
	v46 =	vld [tilespmem:s31+$0xFFFFFF80];
	v0 =	vadd.f32 v0, v36;
	v57 =	vmul.f32 v3, v2  }
0x18d: {  	v63 =	vmul.f32 $1.442695020e+00, v42;
	v42 =	vmovc v29;
	v29 =	vadd.f32 v45, v38;
	v62 =	vadd.f32 v41, v39;
	v41 =	vmovc v31;
	v31 =	vld [tilespmem:s15+$0xF0]  }
0x18e: {  	v45 =	vld [tilespmem:s31+$0x0];
	v28 =	vmul.f32 $2.000000030e-01, v0;
	v7, _, _ =	vpop (xrf2);
	v11 =	vadd.f32 $0.0e+00, v57;
	v1 =	vmul.f32 v1, v4  }
0x18f: {  	[tilespmem:s29+$0x30] =	vst v54;
	v60 =	vadd.f32 v60, v50;
	v57 =	vbroadcast v63, $0xF;
	v5 =	vmul.f32 $1.442695020e+00, v7;
	v7 =	vld [tilespmem:s15+$0xFFFFFF80]  }
0x190: {  	v0 =	vmax.f32 v0, v28;
	v28 =	vmul.f32 $2.000000030e-01, v29;
	v1 =	vadd.f32 v1, v11;
	v11 =	vld [tilespmem:s15+$0x0];
	[tilespmem:s29+$0x40] =	vst v53  }
0x191: {  	v59 =	vld [tilespmem:s31+$0xFFFFFF00];
	v35 =	vadd.f32 v35, v52;
	v8 =	vmul.f32 $2.000000030e-01, v60;
	v0 =	vmul.f32 v0, v9;
	[tilespmem:s29+$0x50] =	vst v51  }
0x192: {  	v37 =	vld [tilespmem:s15+$0xFFFFFF00];
	v31 =	vadd.f32 v31, v56;
	(erf) = vpow2.f32 v57;
	v28 =	vmax.f32 v29, v28;
	[tilespmem:s29+$0x60] =	vst v47  }
0x193: {  	v6, _, _ =	vpop (xrf2);
	v29 =	vmul.f32 $2.000000030e-01, v62;
	v61 =	vmax.f32 v60, v8;
	[tilespmem:s29+$0x70] =	vst v48;
	v47 =	vld [tilespmem:s31+$0xFFFFFF90];
	v8 =	vmov s9  }
0x194: {  	[tilespmem:v49+s4+$0x0] =	vst.idx.msk $0x1, v30;
	v0 =	vadd.f32 v0, v1;
	v1 =	vmul.f32 v28, v10;
	v28 =	vmul.f32 $1.442695020e+00, v6;
	v6 =	vld [tilespmem:s15+$0xFFFFFF10]  }
0x195: {  	v29 =	vmax.f32 v62, v29;
	v62 =	vmul.f32 $2.000000030e-01, v35;
	v7 =	vadd.f32 v7, v46;
	v48 =	vld [tilespmem:s31+$0x10]  }
0x196: {  	v49 =	vld [tilespmem:s31+$0x20];
	v0 =	vadd.f32 v1, v0;
	v1 =	vmul.f32 v29, v12;
	v29 =	vbroadcast v5, $0xF  }
0x197: {  	v63 =	vbroadcast v28, $0xF;
	v28 =	vld [tilespmem:s31+$0xFFFFFF10];
	v35 =	vmax.f32 v35, v62;
	v5 =	vmul.f32 $2.000000030e-01, v31  }
0x198: {  	v60 =	vmul.f32 $2.000000030e-01, v7;
	v62 =	vld [tilespmem:s15+$0x10];
	v0 =	vadd.f32 v1, v0;
	v1 =	vmul.f32 v61, v13  }
0x199: {  	v30 =	vadd.f32 v11, v45;
	v11 =	vadd.f32 v37, v59;
	(erf) = vpow2.f32 v29;
	v29 =	vld [tilespmem:s15+$0xFFFFFF90]  }
0x19a: {  	v37 =	vmax.f32 v7, v60;
	v60 =	vld [tilespmem:s15+$0x20];
	v0 =	vadd.f32 v1, v0;
	v1 =	vmul.f32 v35, v14  }
0x19b: {  	v53 =	vld [tilespmem:s31+$0xFFFFFFA0];
	v31 =	vmax.f32 v31, v5;
	v61 =	vmul.f32 $2.000000030e-01, v30;
	v3 =	vmul.f32 v37, v2  }
0x19c: {  	(erf) = vpow2.f32 v63;
	v35 =	vld [tilespmem:s15+$0xFFFFFFA0];
	v0 =	vadd.f32 v1, v0;
	v1 =	vmul.f32 v31, v15  }
0x19d: {  	v43 =	vmovc v33;
	v54 =	vadd.f32 v6, v28;
	v6 =	vld [tilespmem:s15+$0xFFFFFF20];
	v30 =	vmax.f32 v30, v61;
	v33 =	vadd.f32 $0.0e+00, v3  }
0x19e: {  	v31 =	vld [tilespmem:s31+$0xFFFFFF20];
	v30 =	vmul.f32 v30, v2;
	v29 =	vadd.f32 v29, v47;
	v0 =	vadd.f32 v1, v0  }
0x19f: {  	v63 =	vmul.f32 $2.000000030e-01, v11;
	v57 =	vadd.f32 v62, v48;
	v60 =	vadd.f32 v60, v49  }
0x1a0: {  	v1 =	vand.u32 $0xFFFFFFFC, v8;
	v30 =	vadd.f32 $0.0e+00, v30;
	v7 =	vmul.f32 $2.000000030e-01, v29;
	(xrf2) =	vadd.scan.msk.f32 $0xffff, v0  }
0x1a1: {  	v51 =	vbroadcast v1, $0x0;
	v1 =	vmul.f32 $2.000000030e-01, v54;
	v0 =	vmax.f32 v11, v63  }
0x1a2: {  	v58 =	vld [tilespmem:s15+$0xFFFFFF30];
	v35 =	vadd.f32 v35, v53;
	v0 =	vmul.f32 v0, v2;
	v29 =	vmax.f32 v29, v7  }
0x1a3: {  	v55 =	vld [tilespmem:s31+$0xFFFFFFB0];
	v5 =	vpop (erf);
	v1 =	vmax.f32 v54, v1;
	v6 =	vadd.f32 v6, v31;
	v29 =	vmul.f32 v29, v4  }
0x1a4: {  	v11 =	vpop (erf);
	v7 =	vmul.f32 $2.000000030e-01, v57;
	v1 =	vmul.f32 v1, v4;
	v8 =	vadd.f32 $0.0e+00, v0;
	v0 =	vld [tilespmem:s31+$0xFFFFFF30]  }
0x1a5: {  	v37 =	vmul.f32 s13, v11;
	v3 =	vmul.f32 $2.000000030e-01, v6;
	v29 =	vadd.f32 v29, v33;
	v33 =	vld [tilespmem:s15+$0xFFFFFFB0]  }
0x1a6: {  	v11 =	vmul.f32 $2.000000030e-01, v35;
	v1 =	vadd.f32 v1, v8;
	v8 =	vmax.f32 v57, v7;
	v57 =	vld [tilespmem:s31+$0x30]  }
0x1a7: {  	v54 =	vmul.f32 s13, v5;
	v3 =	vmax.f32 v6, v3;
	v63 =	vmul.f32 v8, v4;
	v4 =	vld [tilespmem:s15+$0x30]  }
0x1a8: {  	v61 =	vld [tilespmem:s31+$0xFFFFFF40];
	v2 =	vpop (erf);
	v35 =	vmax.f32 v35, v11;
	v6 =	vmul.f32 $2.000000030e-01, v60;
	v3 =	vmul.f32 v3, v9  }
0x1a9: {  	v62 =	vld [tilespmem:s31+$0xFFFFFF50];
	v63 =	vadd.f32 v63, v30;
	v30 =	vmul.f32 s13, v2;
	v2 =	vadd.f32 v58, v0  }
0x1aa: {  	v11 =	vmul.f32 v54, v25;
	v1 =	vadd.f32 v3, v1;
	v3 =	vld [tilespmem:s15+$0xFFFFFF40];
	v33 =	vadd.f32 v33, v55;
	v5, _, _ =	vpop (xrf2)  }
0x1ab: {  	v35 =	vmul.f32 v35, v9;
	v7 =	vld [tilespmem:s15+$0xFFFFFFC0];
	v6 =	vmax.f32 v60, v6;
	v5 =	vmul.f32 $1.442695020e+00, v5  }
0x1ac: {  	v25 =	vmovc v59;
	v58 =	vld [tilespmem:s31+$0xFFFFFFC0];
	v59 =	vmul.f32 $2.000000030e-01, v2;
	v8 =	vmul.f32 $2.000000030e-01, v33;
	v4 =	vadd.f32 v4, v57  }
0x1ad: {  	v60 =	vld [tilespmem:s31+$0x40];
	v6 =	vmul.f32 v6, v9;
	v5 =	vbroadcast v5, $0xF  }
0x1ae: {  	v9 =	vld [tilespmem:s31+$0xFFFFFF60];
	v2 =	vmax.f32 v2, v59;
	v8 =	vmax.f32 v33, v8;
	v33 =	vmul.f32 $2.000000030e-01, v4  }
0x1af: {  	v59 =	vld [tilespmem:s31+$0xFFFFFFD0];
	v3 =	vadd.f32 v3, v61;
	v2 =	vmul.f32 v2, v10;
	(erf) = vpow2.f32 v5  }
0x1b0: {  	s29 =	smov.u32 s30;
	v8 =	vmul.f32 v8, v10;
	v5 =	vadd.f32 v35, v29;
	v29 =	vld [tilespmem:s15+$0x40];
	v4 =	vmax.f32 v4, v33  }
0x1b1: {  	[tilespmem:s29+$0xFFFFFF00] =	vst v11;
	v7 =	vadd.f32 v7, v58;
	v11 =	vmul.f32 $2.000000030e-01, v3;
	v4 =	vmul.f32 v4, v10;
	v10 =	vld [tilespmem:$0x1FE10]  }
0x1b2: {  	v1 =	vadd.f32 v2, v1;
	v2 =	vadd.f32 v8, v5;
	v5 =	vld [tilespmem:s15+$0xFFFFFFD0]  }
0x1b3: {  	v6 =	vadd.f32 v6, v63;
	v35 =	vld [tilespmem:s15+$0xFFFFFF50];
	v3 =	vmax.f32 v3, v11;
	v8 =	vmul.f32 $2.000000030e-01, v7  }
0x1b4: {  	v63 =	vld [tilespmem:s31+$0x50];
	v3 =	vmul.f32 v3, v12  }
0x1b5: {  	v4 =	vadd.f32 v4, v6;
	v6 =	vld [tilespmem:s15+$0x50];
	v7 =	vmax.f32 v7, v8;
	v33 =	vadd.f32 v29, v60  }
0x1b6: {  	s3 =	sadd.s32 s1, s25;
	v29 =	vmul.f32 v54, v24;
	v1 =	vadd.f32 v3, v1;
	v3 =	vld [tilespmem:s15+$0xFFFFFF60];
	v7 =	vmul.f32 v7, v12  }
0x1b7: {  	p1 =	slt.u32 s3, $0x50910;
	s13 =	simm.f32 $1.000000000e+00;
	v10 =	vmul.f32 v54, v10;
	v8 =	vmul.f32 $2.000000030e-01, v33;
	v5 =	vadd.f32 v5, v59  }
0x1b8: {  	s13 =	simm.s32 @!p1 $0x0;
	v24 =	vmov v28;
	v35 =	vadd.f32 v35, v62;
	[tilespmem:s29+$0xFFFFFF10] =	vst v29;
	v29 =	vld [tilespmem:s31+$0xFFFFFFE0];
	v2 =	vadd.f32 v7, v2;
	v28 =	vpop (erf)  }
0x1b9: {  	v7 =	vld [tilespmem:s15+$0xFFFFFFE0];
	[tilespmem:s29+$0xFFFFFF20] =	vst v10;
	v8 =	vmax.f32 v33, v8;
	v10 =	vmul.f32 $2.000000030e-01, v5;
	v11 =	vmul.f32 s13, v28  }
0x1ba: {  	v6 =	vadd.f32 v6, v63;
	v28 =	vmovc v31;
	v31 =	vmul.f32 $2.000000030e-01, v35;
	v8 =	vmul.f32 v8, v12  }
0x1bb: {  	v3 =	vadd.f32 v3, v9;
	v12 =	vld [tilespmem:s15+$0xFFFFFF70];
	v5 =	vmax.f32 v5, v10;
	v32 =	vmul.f32 v11, v32  }
0x1bc: {  	[tilespmem:$0x1FE10] =	vst v28;
	v28 =	vld [tilespmem:s31+$0x60];
	v31 =	vmax.f32 v35, v31;
	v33 =	vmul.f32 v11, v34;
	v34 =	vmul.f32 $2.000000030e-01, v6  }
0x1bd: {  	v4 =	vadd.f32 v8, v4;
	v35 =	vld [tilespmem:s31+$0xFFFFFF70];
	v10 =	vmul.f32 v11, v38;
	v5 =	vmul.f32 v5, v13  }
0x1be: {  	v8 =	vld [tilespmem:s15+$0x60];
	v7 =	vadd.f32 v7, v29;
	[tilespmem:s31+$0x80] =	vst v32;
	v32 =	vmul.f32 v11, v36;
	v36 =	vmul.f32 v31, v13  }
0x1bf: {  	v6 =	vmax.f32 v6, v34;
	v34 =	vmul.f32 $2.000000030e-01, v3;
	[tilespmem:s31+$0xB0] =	vst v10;
	v10 =	vmul.f32 v11, v50  }
0x1c0: {  	v38 =	vld [tilespmem:s15+$0xFFFFFFF0];
	[tilespmem:s31+$0x90] =	vst v33;
	v50 =	vmul.f32 $2.000000030e-01, v7;
	v6 =	vmul.f32 v6, v13  }
0x1c1: {  	s3 =	sadd.s32 $0x3, s1;
	v33 =	vld [tilespmem:s31+$0xFFFFFFF0];
	v13 =	vmov v48;
	v48 =	vmul.f32 v30, v41;
	[tilespmem:s31+$0xA0] =	vst v32;
	v32 =	vmul.f32 v11, v39  }
0x1c2: {  	v39 =	vmov s3;
	v3 =	vmax.f32 v3, v34;
	v12 =	vadd.f32 v12, v35  }
0x1c3: {  	v31 =	vld [tilespmem:s31+$0x70];
	v1 =	vadd.f32 v36, v1;
	v8 =	vadd.f32 v8, v28;
	v3 =	vmul.f32 v3, v14  }
0x1c4: {  	v2 =	vadd.f32 v5, v2;
	v34 =	vld [tilespmem:s15+$0x70];
	[tilespmem:s31+$0xC0] =	vst v32;
	v32 =	vmul.f32 v11, v52;
	v36 =	vmul.f32 $2.000000030e-01, v12  }
0x1c5: {  	[tilespmem:s31+$0xD0] =	vst v10;
	v10 =	vmul.f32 v11, v56;
	v56 =	vmul.f32 $2.000000030e-01, v8;
	v1 =	vadd.f32 v3, v1  }
0x1c6: {  	[tilespmem:s31+$0xE0] =	vst v32;
	v32 =	vmax.f32 v7, v50;
	v50 =	vadd.f32 v38, v33;
	v3 =	vmax.f32 v12, v36  }
0x1c7: {  	v4 =	vadd.f32 v6, v4;
	[tilespmem:s31+$0xF0] =	vst v10;
	v38 =	vmov v0;
	v3 =	vmul.f32 v3, v15  }
0x1c8: {  	v8 =	vmax.f32 v8, v56;
	[tilespmem:v39+s4+$0x0] =	vst.idx.msk $0x1, v11;
	v36 =	vmul.f32 v54, v26;
	v52 =	vmul.f32 $2.000000030e-01, v50  }
0x1c9: {  	v56 =	vadd.f32 v34, v31;
	v34 =	vld [tilespmem:$0x1FE30];
	[tilespmem:$0x1FE30] =	vst v38;
	v0 =	vadd.f32 v3, v1;
	v3 =	vmul.f32 v54, v19  }
0x1ca: {  	v5 =	vmul.f32 v32, v14;
	v39 =	vmul.f32 v54, v27;
	[tilespmem:s29+$0xFFFFFF40] =	vst v36;
	v10 =	vmax.f32 v50, v52;
	v52 =	vld [tilespmem:$0x1FE20]  }
0x1cb: {  	s15 =	sadd.s32 $0x200, s15;
	v26 =	vmovc v61;
	v61 =	vmov v53;
	v53 =	vmul.f32 v30, v22;
	v8 =	vmul.f32 v8, v14;
	[tilespmem:s29+$0xFFFFFF50] =	vst v3;
	v3 =	vld [tilespmem:$0x1FE40]  }
0x1cc: {  	v27 =	vmovc v9;
	v14 =	vmov v47;
	v9 =	vld [tilespmem:s15+$0x90];
	v47 =	vmul.f32 v30, v40;
	v32 =	vmul.f32 $2.000000030e-01, v56;
	[tilespmem:s29+$0xFFFFFF60] =	vst v39  }
0x1cd: {  	s30 =	smov.u32 s31;
	s31 =	sadd.s32 $0x200, s31;
	v2 =	vadd.f32 v5, v2;
	v19 =	vmovc v62;
	v50 =	vld [tilespmem:s15+$0x80];
	[tilespmem:$0x1FE20] =	vst v61;
	v62 =	vmov v55;
	v55 =	vmul.f32 v30, v18  }
0x1ce: {  	v5 =	vmul.f32 v10, v15;
	v6 =	vmax.f32 v56, v32;
	v32 =	vld [tilespmem:s31+$0x80];
	v56 =	vmovc v46;
	v46 =	vmul.f32 v37, v43  }
0x1cf: {  	v7 =	vmul.f32 v54, v34;
	(xrf2) =	vadd.scan.msk.f32 $0xffff, v0;
	v0 =	vmul.f32 v54, v44;
	v44 =	vld [tilespmem:$0x1FDF0];
	[tilespmem:$0x1FDF0] =	vst v56  }
0x1d0: {  	v4 =	vadd.f32 v8, v4;
	[tilespmem:$0x1FE40] =	vst v62;
	v8 =	vmul.f32 v37, v52;
	v52 =	vmul.f32 v37, v3;
	v3 =	vld [tilespmem:$0x1FE50]  }
0x1d1: {  	v38 =	vld [tilespmem:s31+$0xB0];
	v56 =	vmul.f32 v37, v23;
	v1 =	vadd.f32 v5, v2;
	v2 =	vmul.f32 v6, v15;
	[tilespmem:s29+$0xFFFFFF30] =	vst v7  }
0x1d2: {  	v62 =	vmul.f32 v37, v42;
	v23 =	vmov v59;
	v7 =	vmul.f32 v37, v17;
	[tilespmem:s29+$0xFFFFFF70] =	vst v0;
	v0 =	vld [tilespmem:$0x1FE00]  }
0x1d3: {  	p0 =	slt.u32 s24, $0x3C;
	v34 =	vld [tilespmem:s31+$0x90];
	v59 =	vmul.f32 v30, v16;
	v2 =	vadd.f32 v2, v4;
	(xrf2) =	vadd.scan.msk.f32 $0xffff, v1;
	[tilespmem:v51+s4+$0x0] =	vst.idx.msk $0x1, v54  }
.Ltmp2:
0x1d4: {  	s3 =	sadd.s32 $0x1, s9;
	v41 =	vld [tilespmem:s15+$0xC0];
	v54 =	vmul.f32 v30, v20;
	v51 =	vmul.f32 v30, v21;
	v43 =	vadd.f32 v50, v32;
	[tilespmem:s29+$0xFFFFFF90] =	vst v7;
	(pc) =	sbr.rel @p0 .LBB2_7-.Ltmp2, $4  }
0x1d5: {  	v36 =	vld [tilespmem:s31+$0xA0];
	v4 =	vmul.f32 v37, v44;
	v1 =	vmovc v58;
	[tilespmem:s29+$0xFFFFFFA0] =	vst v8;
	v44 =	vmul.f32 v37, v3;
	v3 =	vmov s3;
	s3 =	sadd.s32 $0x2, s9  }
0x1d6: {  	v39 =	vld [tilespmem:s31+$0xC0];
	v18 =	vmovc v57;
	(xrf2) =	vadd.scan.msk.f32 $0xffff, v2;
	[tilespmem:$0x1FE50] =	vst v1;
	v50 =	vmul.f32 $2.000000030e-01, v43;
	v1 =	vmov s3  }
0x1d7: {  	v15 =	vmovc v49;
	v58 =	vmul.f32 v30, v0;
	v0 =	vmovc v45;
	v45 =	vld [tilespmem:s15+$0xB0];
	[tilespmem:s29+$0xFFFFFF80] =	vst v4;
	v3 =	vand.u32 $0xFFFFFFFD, v3;
	v2 =	vand.u32 $0xFFFFFFFE, v1  }
0x1d8: {  	v20 =	vmovc v60;
	v21 =	vmovc v63;
	[tilespmem:$0x1FE00] =	vst v0;
	v0 =	vld [tilespmem:s15+$0xA0];
	s9 =	smov.u32 s1;
	s1 =	smov.u32 s24;
	s24 =	sadd.s32 $0x4, s24;
	v1 =	vadd.f32 v9, v34;
	v61 =	vbroadcast v3, $0x0;
	v49 =	vbroadcast v2, $0x0  }
0x1d9: {  	v10 =	vld [tilespmem:s31+$0xD0];
	_ =	sdelay $0x4  }
0x1da: {  	[tilespmem:$0x1FB40] =	vst v10  }
0x1db: {  	v9 =	vld [tilespmem:s31+$0xE0];
	_ =	sdelay $0x4  }
0x1dc: {  	v4 =	vld [tilespmem:s15+$0xD0];
	[tilespmem:$0x1FB50] =	vst v9  }
0x1dd: {  	v16 =	vld [tilespmem:s31+$0xF0];
	_ =	sdelay $0x1  }
0x1de: {  	v2 =	vmax.f32 v43, v50;
	v50 =	vld [tilespmem:$0x1FF80];
	_ =	sdelay $0x1  }
0x1df: {  	v43 =	vld [tilespmem:$0x1FF90]  }
0x1e0: {  	v6 =	vld [tilespmem:s15+$0xE0];
	[tilespmem:$0x1FB60] =	vst v16  }
0x1e1: {  	v3 =	vmul.f32 $2.000000030e-01, v1;
	v11 =	vld [tilespmem:s31+$0xFFFFFF80]  }
0x1e2: {  	v2 =	vmul.f32 v2, v50  }
0x1e3: {  	v57 =	vld [tilespmem:$0x1FFB0];
	v1 =	vmax.f32 v1, v3  }
0x1e4: {  	v5 =	vadd.f32 v45, v38;
	v45 =	vld [tilespmem:$0x1FFA0];
	v1 =	vmul.f32 v1, v43;
	v2 =	vadd.f32 $0.0e+00, v2  }
0x1e5: {  	v0 =	vadd.f32 v0, v36;
	v8 =	vld [tilespmem:s15+$0xF0]  }
0x1e6: {  	v1 =	vadd.f32 v1, v2;
	v2 =	vld [tilespmem:s15+$0xFFFFFF00];
	[tilespmem:$0x1FBC0] =	vst v11  }
0x1e7: {  	v3 =	vmul.f32 $2.000000030e-01, v0;
	v12 =	vld [tilespmem:s31+$0x0];
	_ =	sdelay $0x1  }
0x1e8: {  	v0 =	vmax.f32 v0, v3;
	v3 =	vmul.f32 $2.000000030e-01, v5  }
0x1e9: {  	v0 =	vmul.f32 v0, v45  }
0x1ea: {  	v63 =	vld [tilespmem:$0x1FFC0];
	v3 =	vmax.f32 v5, v3  }
0x1eb: {  	v0 =	vadd.f32 v0, v1;
	v1 =	vmul.f32 v3, v57;
	v3 =	vld [tilespmem:s15+$0xFFFFFF80];
	[tilespmem:$0x1FC00] =	vst v12  }
0x1ec: {  	v7 =	vadd.f32 v41, v39;
	v22 =	vld [tilespmem:s31+$0xFFFFFF00];
	_ =	sdelay $0x1  }
0x1ed: {  	v41 =	vmul.f32 $2.000000030e-01, v7;
	_ =	sdelay $0x1  }
0x1ee: {  	v5 =	vmax.f32 v7, v41  }
0x1ef: {  	v0 =	vadd.f32 v1, v0;
	v1 =	vmul.f32 v5, v63;
	v5 =	vld [tilespmem:s15+$0x0];
	[tilespmem:$0x1FB70] =	vst v22  }
0x1f0: {  	v40 =	vld [tilespmem:s31+$0xFFFFFF10];
	_ =	sdelay $0x2  }
0x1f1: {  	v4 =	vadd.f32 v4, v10;
	v0 =	vadd.f32 v1, v0;
	v1 =	vld [tilespmem:$0x1FFD0];
	_ =	sdelay $0x1  }
0x1f2: {  	v42 =	vmul.f32 $2.000000030e-01, v4;
	[tilespmem:$0x1FB80] =	vst v40  }
0x1f3: {  	v17 =	vld [tilespmem:s31+$0xFFFFFF90]  }
0x1f4: {  	v4 =	vmax.f32 v4, v42  }
0x1f5: {  	v1 =	vmul.f32 v4, v1  }
0x1f6: {  	v6 =	vadd.f32 v6, v9  }
0x1f7: {  	v0 =	vadd.f32 v1, v0;
	v1 =	vld [tilespmem:$0x1FFE0]  }
0x1f8: {  	v60 =	vmul.f32 $2.000000030e-01, v6;
	v7 =	vld [tilespmem:s15+$0xFFFFFF10];
	[tilespmem:$0x1FBD0] =	vst v17  }
0x1f9: {  	v8 =	vadd.f32 v8, v16;
	v16 =	vld [tilespmem:s31+$0x10];
	_ =	sdelay $0x2  }
0x1fa: {  	v41 =	vmax.f32 v6, v60;
	v60, _, _ =	vpop (xrf2);
	v42 =	vmul.f32 $2.000000030e-01, v8  }
0x1fb: {  	v1 =	vmul.f32 v41, v1;
	v41 =	vmul.f32 $1.442695020e+00, v60  }
0x1fc: {  	v6 =	vmax.f32 v8, v42;
	v8 =	vld [tilespmem:s15+$0xFFFFFF90];
	[tilespmem:$0x1FC10] =	vst v16  }
0x1fd: {  	v4 =	vbroadcast v41, $0xF;
	v41 =	vld [tilespmem:s31+$0xFFFFFF20]  }
0x1fe: {  	v0 =	vadd.f32 v1, v0;
	v1 =	vld [tilespmem:$0x1FFF0];
	_ =	sdelay $0x2  }
0x1ff: {  	v42, _, _ =	vpop (xrf2)  }
0x200: {  	v60, _, _ =	vpop (xrf2);
	v10 =	vld [tilespmem:s15+$0x10];
	[tilespmem:$0x1FB90] =	vst v41  }
0x201: {  	v1 =	vmul.f32 v6, v1;
	v6 =	vmul.f32 $1.442695020e+00, v60;
	v60 =	vld [tilespmem:s31+$0xFFFFFFA0];
	_ =	sdelay $0x4  }
0x202: {  	(erf) = vpow2.f32 v4;
	v4 =	vld [tilespmem:s15+$0xFFFFFF20];
	[tilespmem:$0x1FBE0] =	vst v60  }
0x203: {  	v2 =	vadd.f32 v2, v22;
	v22 =	vld [tilespmem:s31+$0x20];
	_ =	sdelay $0x4  }
0x204: {  	v0 =	vadd.f32 v1, v0;
	v1 =	vmul.f32 $1.442695020e+00, v42;
	v42 =	vld [tilespmem:s15+$0xFFFFFFA0];
	[tilespmem:$0x1FC20] =	vst v22  }
0x205: {  	v3 =	vadd.f32 v3, v11;
	v11 =	vld [tilespmem:s31+$0xFFFFFF30];
	_ =	sdelay $0x2  }
0x206: {  	v1 =	vbroadcast v1, $0xF;
	(xrf2) =	vadd.scan.msk.f32 $0xffff, v0;
	v0 =	vmul.f32 $2.000000030e-01, v3  }
0x207: {  	v6 =	vbroadcast v6, $0xF  }
0x208: {  	(erf) = vpow2.f32 v1;
	v0 =	vmax.f32 v3, v0;
	v3 =	vld [tilespmem:s15+$0x20];
	[tilespmem:$0x1FBA0] =	vst v11  }
0x209: {  	(erf) = vpow2.f32 v6;
	v6 =	vadd.f32 v8, v17;
	v17 =	vld [tilespmem:s31+$0xFFFFFFB0];
	_ =	sdelay $0x2  }
0x20a: {  	v9 =	vmul.f32 $2.000000030e-01, v2  }
0x20b: {  	v1 =	vadd.f32 v5, v12  }
0x20c: {  	v2 =	vmax.f32 v2, v9;
	v7 =	vadd.f32 v7, v40;
	v9 =	vld [tilespmem:s15+$0xFFFFFF30];
	[tilespmem:$0x1FBF0] =	vst v17  }
0x20d: {  	v40 =	vmul.f32 $2.000000030e-01, v1;
	v8 =	vadd.f32 v10, v16;
	v16 =	vld [tilespmem:s31+$0x30]  }
0x20e: {  	v12 =	vmul.f32 $2.000000030e-01, v7  }
0x20f: {  	v2 =	vmul.f32 v2, v50;
	v1 =	vmax.f32 v1, v40  }
0x210: {  	v1 =	vmul.f32 v1, v50;
	v5 =	vmax.f32 v7, v12  }
0x211: {  	v2 =	vadd.f32 $0.0e+00, v2;
	v5 =	vmul.f32 v5, v43;
	v7 =	vmul.f32 $2.000000030e-01, v6  }
0x212: {  	v4 =	vadd.f32 v4, v41;
	v41 =	vld [tilespmem:s15+$0xFFFFFFB0];
	[tilespmem:$0x1FC30] =	vst v16  }
0x213: {  	v6 =	vmax.f32 v6, v7;
	v7 =	vadd.f32 v5, v2;
	v2 =	vadd.f32 $0.0e+00, v1;
	v1 =	vld [tilespmem:s31+$0xFFFFFF40];
	_ =	sdelay $0x1  }
0x214: {  	v0 =	vmul.f32 v0, v50;
	v10 =	vmul.f32 $2.000000030e-01, v8;
	_ =	sdelay $0x1  }
0x215: {  	v0 =	vadd.f32 $0.0e+00, v0;
	v50 =	vmax.f32 v8, v10  }
0x216: {  	v6 =	vmul.f32 v6, v43;
	v5 =	vmul.f32 v50, v43;
	v43, _, _ =	vpop (xrf2);
	v8 =	vadd.f32 v42, v60;
	v40 =	vld [tilespmem:s15+$0x30];
	[tilespmem:$0x1FBB0] =	vst v1  }
0x217: {  	v10 =	vmul.f32 $1.442695020e+00, v43;
	v12 =	vmul.f32 $2.000000030e-01, v4;
	v3 =	vadd.f32 v3, v22;
	v22 =	vld [tilespmem:s15+$0xFFFFFF40]  }
0x218: {  	v43 =	vadd.f32 v6, v0;
	v6 =	vmul.f32 $2.000000030e-01, v8;
	v9 =	vadd.f32 v9, v11;
	v42 =	vld [tilespmem:s31+$0xFFFFFFC0]  }
0x219: {  	v5 =	vadd.f32 v5, v2;
	v4 =	vmax.f32 v4, v12;
	v12 =	vmul.f32 $2.000000030e-01, v3;
	v60 =	vld [tilespmem:s15+$0xFFFFFFC0]  }
0x21a: {  	v10 =	vbroadcast v10, $0xF;
	v6 =	vmax.f32 v8, v6;
	v0 =	vmul.f32 $2.000000030e-01, v9;
	v50 =	vld [tilespmem:s31+$0x40];
	[tilespmem:s29+$0xFFFFFFB0] =	vst v52  }
0x21b: {  	v4 =	vmul.f32 v4, v45;
	v6 =	vmul.f32 v6, v45;
	v3 =	vmax.f32 v3, v12;
	v8 =	vld [tilespmem:s15+$0x40];
	[tilespmem:s29+$0xFFFFFFC0] =	vst v44  }
0x21c: {  	v3 =	vmul.f32 v3, v45;
	v0 =	vmax.f32 v9, v0;
	v9 =	vadd.f32 v41, v17;
	v2 =	vld [tilespmem:s31+$0xFFFFFF50];
	[tilespmem:s29+$0xFFFFFFD0] =	vst v56  }
0x21d: {  	(erf) = vpow2.f32 v10;
	v4 =	vadd.f32 v4, v7;
	v6 =	vadd.f32 v6, v43;
	v12 =	vld [tilespmem:s15+$0xFFFFFF50];
	[tilespmem:s29+$0xFFFFFFE0] =	vst v62  }
0x21e: {  	v3 =	vadd.f32 v3, v5;
	v0 =	vmul.f32 v0, v57;
	v41 =	vmul.f32 $2.000000030e-01, v9;
	[tilespmem:s29+$0xFFFFFFF0] =	vst v46  }
0x21f: {  	v10 =	vadd.f32 v40, v16;
	[tilespmem:s29+$0x0] =	vst v58;
	v11 =	vadd.f32 v22, v1  }
0x220: {  	v4 =	vadd.f32 v0, v4;
	v9 =	vmax.f32 v9, v41;
	v44 =	vld [tilespmem:s31+$0xFFFFFF60];
	[tilespmem:s29+$0x10] =	vst v59;
	v40 =	vadd.f32 v60, v42  }
0x221: {  	v56 =	vld [tilespmem:s15+$0xFFFFFF60];
	[tilespmem:s29+$0x20] =	vst v55;
	v45 =	vmul.f32 $2.000000030e-01, v10;
	v8 =	vadd.f32 v8, v50;
	v62 =	vmul.f32 $2.000000030e-01, v11  }
0x222: {  	v9 =	vmul.f32 v9, v57;
	[tilespmem:s29+$0x30] =	vst v54;
	v1 =	vld [tilespmem:s31+$0xFFFFFFD0];
	v12 =	vadd.f32 v12, v2;
	v43 =	vmul.f32 $2.000000030e-01, v40  }
0x223: {  	[tilespmem:s29+$0x40] =	vst v53;
	v45 =	vmax.f32 v10, v45;
	v55 =	vmul.f32 $2.000000030e-01, v8;
	v46 =	vmax.f32 v11, v62;
	v11 =	vld [tilespmem:s15+$0xFFFFFFD0]  }
0x224: {  	v0 =	vpop (erf);
	[tilespmem:v61+s4+$0x0] =	vst.idx.msk $0x1, v37;
	v5 =	vmul.f32 v45, v57;
	v58 =	vmul.f32 $2.000000030e-01, v12;
	v61 =	vmax.f32 v40, v43  }
0x225: {  	s3 =	sadd.s32 s1, s25;
	v52 =	vmul.f32 s13, v0;
	v0 =	vld [tilespmem:s31+$0xFFFFFF70];
	[tilespmem:s29+$0x50] =	vst v51;
	v37 =	vmul.f32 v61, v63;
	v61 =	vmax.f32 v8, v55;
	v8 =	vpop (erf)  }
0x226: {  	s24 =	simm.f32 $1.000000000e+00;
	p0 =	slt.u32 s3, $0x50910;
	v51 =	vld [tilespmem:s31+$0x50];
	[tilespmem:s29+$0x60] =	vst v47;
	v3 =	vadd.f32 v5, v3;
	v5 =	vmax.f32 v12, v58;
	v12 =	vpop (erf)  }
0x227: {  	s24 =	simm.s32 @!p0 $0x0;
	v6 =	vadd.f32 v9, v6;
	v53 =	vmul.f32 v52, v24;
	v60 =	vmov v42;
	v42 =	vld [tilespmem:$0x1FFD0];
	[tilespmem:s29+$0x70] =	vst v48;
	v22 =	vpop (erf)  }
0x228: {  	v54 =	vld [tilespmem:s15+$0x50];
	[tilespmem:v49+s4+$0x0] =	vst.idx.msk $0x1, v30;
	v62 =	vadd.f32 v56, v44;
	v48 =	vmul.f32 s24, v22;
	v11 =	vadd.f32 v11, v1  }
0x229: {  	v56 =	vld [tilespmem:s15+$0xFFFFFF70];
	v7 =	vmul.f32 v46, v63;
	v6 =	vadd.f32 v37, v6;
	v37 =	vmul.f32 v52, v25  }
0x22a: {  	v25 =	vld [tilespmem:$0x1FFE0];
	[tilespmem:s30+$0xFFFFFF10] =	vst v53;
	v58 =	vmul.f32 v48, v32;
	v30 =	vmul.f32 $2.000000030e-01, v11  }
0x22b: {  	v4 =	vadd.f32 v7, v4;
	v7 =	vmul.f32 v61, v63;
	[tilespmem:s30+$0xFFFFFF00] =	vst v37;
	v61 =	vmul.f32 v48, v34  }
0x22c: {  	[tilespmem:s31+$0x80] =	vst v58;
	v11 =	vmax.f32 v11, v30;
	v30 =	vmul.f32 v48, v36  }
0x22d: {  	v46 =	vld [tilespmem:s31+$0xFFFFFFE0];
	v53 =	vadd.f32 v54, v51;
	v54 =	vmul.f32 v48, v38;
	[tilespmem:s31+$0x90] =	vst v61  }
0x22e: {  	v41 =	vadd.f32 v56, v0;
	v56 =	vld [tilespmem:s15+$0xFFFFFFE0];
	[tilespmem:s31+$0xA0] =	vst v30  }
0x22f: {  	v47 =	vld [tilespmem:$0x1FFF0];
	[tilespmem:s31+$0xB0] =	vst v54  }
0x230: {  	v16 =	vld [tilespmem:$0x1FB40];
	_ =	sdelay $0x3  }
0x231: {  	v30 =	vmul.f32 v48, v39  }
0x232: {  	v9 =	vadd.f32 v56, v46;
	v56 =	vmul.f32 v48, v16  }
0x233: {  	[tilespmem:s31+$0xC0] =	vst v30  }
0x234: {  	v45 =	vmov s9;
	v5 =	vmul.f32 v5, v42;
	[tilespmem:s31+$0xD0] =	vst v56  }
0x235: {  	v49 =	vand.u32 $0xFFFFFFFC, v45;
	v16 =	vld [tilespmem:$0x1FB50]  }
0x236: {  	v4 =	vadd.f32 v5, v4;
	v5 =	vbroadcast v49, $0x0;
	v49 =	vld [tilespmem:$0x1FB60];
	_ =	sdelay $0x1  }
0x237: {  	s3 =	sadd.s32 $0x3, s1  }
0x238: {  	v39 =	vmov s3  }
0x239: {  	v61 =	vmul.f32 v48, v16  }
0x23a: {  	v45 =	vmul.f32 v11, v42;
	v11 =	vmul.f32 v48, v49  }
0x23b: {  	v16 =	vld [tilespmem:$0x1FE10];
	[tilespmem:s31+$0xE0] =	vst v61  }
0x23c: {  	[tilespmem:s31+$0xF0] =	vst v11  }
0x23d: {  	v59 =	vmul.f32 $2.000000030e-01, v62;
	[tilespmem:v39+s4+$0x0] =	vst.idx.msk $0x1, v48  }
0x23e: {  	v56 =	vld [tilespmem:$0x1FE30]  }
0x23f: {  	v62 =	vmax.f32 v62, v59;
	v22 =	vld [tilespmem:s31+$0x60];
	v59 =	vmul.f32 $2.000000030e-01, v41;
	v61 =	vmul.f32 v52, v19  }
0x240: {  	v3 =	vadd.f32 v7, v3;
	v55 =	vmul.f32 v62, v25;
	v62 =	vld [tilespmem:s15+$0x60];
	v17 =	vmul.f32 v52, v16  }
0x241: {  	v43 =	vmax.f32 v41, v59;
	v59 =	vmul.f32 $2.000000030e-01, v9;
	[tilespmem:s30+$0xFFFFFF50] =	vst v61;
	v16 =	vmul.f32 v52, v27  }
0x242: {  	v32 =	vld [tilespmem:s31+$0xFFFFFFF0];
	v4 =	vadd.f32 v55, v4;
	v7 =	vmul.f32 v43, v47;
	[tilespmem:s30+$0xFFFFFF20] =	vst v17;
	v17 =	vmul.f32 v52, v26  }
0x243: {  	v55 =	vld [tilespmem:s15+$0xFFFFFFF0];
	v54 =	vmax.f32 v9, v59;
	[tilespmem:s30+$0xFFFFFF60] =	vst v16;
	v9 =	vmul.f32 v52, v56  }
0x244: {  	v30 =	vld [tilespmem:s31+$0x70];
	v4 =	vadd.f32 v7, v4;
	[tilespmem:s30+$0xFFFFFF40] =	vst v17  }
0x245: {  	v34 =	vadd.f32 v62, v22;
	v62 =	vld [tilespmem:s15+$0x70];
	[tilespmem:s30+$0xFFFFFF30] =	vst v9  }
0x246: {  	(xrf2) =	vadd.scan.msk.f32 $0xffff, v4;
	v4 =	vadd.f32 v45, v6;
	v45 =	vld [tilespmem:$0x1FDF0];
	_ =	sdelay $0x1  }
0x247: {  	v58 =	vmul.f32 $2.000000030e-01, v53;
	v38 =	vadd.f32 v55, v32  }
0x248: {  	v8 =	vmul.f32 s13, v8;
	v37 =	vmul.f32 v52, v35  }
0x249: {  	v10 =	vmax.f32 v53, v58;
	v55 =	vmul.f32 $2.000000030e-01, v38  }
0x24a: {  	v58 =	vadd.f32 v62, v30;
	v62 =	vmul.f32 v10, v42;
	[tilespmem:s30+$0xFFFFFF70] =	vst v37;
	v10 =	vmul.f32 v8, v45  }
0x24b: {  	v6 =	vmul.f32 v54, v25;
	[tilespmem:v5+s4+$0x0] =	vst.idx.msk $0x1, v52  }
0x24c: {  	v53 =	vmul.f32 $2.000000030e-01, v34;
	v7 =	vmax.f32 v38, v55;
	v54 =	vld [tilespmem:$0x1FE20];
	[tilespmem:s30+$0xFFFFFF80] =	vst v10  }
0x24d: {  	v59 =	vmul.f32 v7, v47;
	v4 =	vadd.f32 v6, v4;
	v10 =	vld [tilespmem:$0x1FE40]  }
0x24e: {  	v36 =	vmax.f32 v34, v53;
	v49 =	vmul.f32 v8, v14;
	v56 =	vld [tilespmem:$0x1FE50]  }
0x24f: {  	v4 =	vadd.f32 v59, v4;
	v59 =	vmul.f32 v8, v23;
	v17 =	vmul.f32 $2.000000030e-01, v58  }
0x250: {  	v38 =	vmul.f32 v36, v25;
	v3 =	vadd.f32 v62, v3;
	v61 =	vmul.f32 v8, v29;
	[tilespmem:s30+$0xFFFFFF90] =	vst v49  }
0x251: {  	v43 =	vmax.f32 v58, v17;
	v9 =	vmul.f32 v8, v54;
	[tilespmem:s30+$0xFFFFFFD0] =	vst v59  }
0x252: {  	v3 =	vadd.f32 v38, v3;
	v48 =	vmul.f32 v43, v47;
	[tilespmem:s30+$0xFFFFFFE0] =	vst v61;
	v10 =	vmul.f32 v8, v10  }
0x253: {  	[tilespmem:s30+$0xFFFFFFA0] =	vst v9;
	v14 =	vmul.f32 v8, v56  }
0x254: {  	v3 =	vadd.f32 v48, v3;
	[tilespmem:s30+$0xFFFFFFB0] =	vst v10  }
0x255: {  	s15 =	sadd.s32 $0x1, s9;
	v62 =	vmul.f32 s13, v12;
	(xrf2) =	vadd.scan.msk.f32 $0xffff, v4;
	[tilespmem:s30+$0xFFFFFFC0] =	vst v14  }
0x256: {  	v55 =	vmov s15;
	v12 =	vmul.f32 v8, v33;
	v53, _, _ =	vpop (xrf2);
	(xrf2) =	vadd.scan.msk.f32 $0xffff, v3;
	v3 =	vld [tilespmem:$0x1FE00]  }
0x257: {  	v35 =	vmul.f32 v62, v15;
	v11 =	vand.u32 $0xFFFFFFFD, v55;
	v5 =	vmul.f32 $1.442695020e+00, v53  }
0x258: {  	v36 =	vmul.f32 v62, v20;
	v58 =	vbroadcast v11, $0x0;
	[tilespmem:s30+$0xFFFFFFF0] =	vst v12  }
0x259: {  	v39 =	vmul.f32 v62, v21;
	v5 =	vbroadcast v5, $0xF;
	[tilespmem:s30+$0x20] =	vst v35  }
0x25a: {  	v26 =	vmov v42;
	v42 =	vmul.f32 v62, v31;
	[tilespmem:s30+$0x40] =	vst v36  }
0x25b: {  	(erf) = vpow2.f32 v5;
	[tilespmem:s30+$0x50] =	vst v39;
	v3 =	vmul.f32 v62, v3  }
0x25c: {  	[tilespmem:s30+$0x70] =	vst v42  }
0x25d: {  	s13 =	sadd.s32 $0x2, s9;
	[tilespmem:s30+$0x0] =	vst v3;
	v3 =	vmul.f32 v62, v18  }
0x25e: {  	v34 =	vmov s13;
	v14 =	vmul.f32 v62, v13;
	[tilespmem:v58+s4+$0x0] =	vst.idx.msk $0x1, v8  }
0x25f: {  	v6 =	vand.u32 $0xFFFFFFFE, v34;
	v33, _, _ =	vpop (xrf2);
	[tilespmem:s30+$0x30] =	vst v3;
	v3 =	vmul.f32 v62, v28  }
0x260: {  	v7 =	vmul.f32 $1.442695020e+00, v33;
	v37 =	vbroadcast v6, $0x0;
	[tilespmem:s30+$0x10] =	vst v14  }
0x261: {  	[tilespmem:s30+$0x60] =	vst v3  }
0x262: {  	v38 =	vbroadcast v7, $0xF;
	v7 =	vld [tilespmem:$0x1FB70];
	_ =	sdelay $0x1  }
0x263: {  	v40 =	vpop (erf)  }
0x264: {  	v6 =	vmul.f32 s24, v40  }
0x265: {  	[tilespmem:v37+s4+$0x0] =	vst.idx.msk $0x1, v62  }
0x266: {  	v4 =	vld [tilespmem:$0x1FB80];
	v7 =	vmul.f32 v6, v7;
	_ =	sdelay $0x1  }
0x267: {  	[tilespmem:s31+$0xFFFFFF00] =	vst v7  }
0x268: {  	v7 =	vld [tilespmem:$0x1FB90];
	_ =	sdelay $0x1  }
0x269: {  	v4 =	vmul.f32 v6, v4;
	_ =	sdelay $0x1  }
0x26a: {  	[tilespmem:s31+$0xFFFFFF10] =	vst v4  }
0x26b: {  	v4 =	vld [tilespmem:$0x1FBA0];
	v7 =	vmul.f32 v6, v7;
	_ =	sdelay $0x1  }
0x26c: {  	[tilespmem:s31+$0xFFFFFF20] =	vst v7  }
0x26d: {  	v7 =	vld [tilespmem:$0x1FBB0]  }
0x26e: {  	(erf) = vpow2.f32 v38  }
0x26f: {  	v4 =	vmul.f32 v6, v4  }
0x270: {  	v2 =	vmul.f32 v6, v2;
	v3, _, _ =	vpop (xrf2)  }
0x271: {  	v45 =	vmul.f32 v6, v44;
	v3 =	vmul.f32 $1.442695020e+00, v3;
	[tilespmem:s31+$0xFFFFFF30] =	vst v4  }
0x272: {  	[tilespmem:s31+$0xFFFFFF50] =	vst v2;
	v7 =	vmul.f32 v6, v7  }
0x273: {  	v43 =	vmov s1;
	v3 =	vbroadcast v3, $0xF;
	[tilespmem:s31+$0xFFFFFF60] =	vst v45  }
0x274: {  	v5 =	vand.u32 $0xFFFFFFFC, v43;
	[tilespmem:s31+$0xFFFFFF40] =	vst v7  }
0x275: {  	v5 =	vbroadcast v5, $0x0;
	v2 =	vld [tilespmem:$0x1FBC0];
	_ =	sdelay $0x1  }
0x276: {  	v0 =	vmul.f32 v6, v0;
	(erf) = vpow2.f32 v3;
	v3 =	vpop (erf)  }
0x277: {  	v3 =	vmul.f32 s24, v3  }
0x278: {  	[tilespmem:s31+$0xFFFFFF70] =	vst v0  }
0x279: {  	v0 =	vld [tilespmem:$0x1FBD0];
	v2 =	vmul.f32 v3, v2  }
0x27a: {  	[tilespmem:v5+s4+$0x0] =	vst.idx.msk $0x1, v6  }
0x27b: {  	v4 =	vld [tilespmem:$0x1FBE0];
	[tilespmem:s31+$0xFFFFFF80] =	vst v2  }
0x27c: {  	v2 =	vld [tilespmem:$0x1FBF0];
	_ =	sdelay $0x1  }
0x27d: {  	v0 =	vmul.f32 v3, v0  }
0x27e: {  	v52 =	vmul.f32 v3, v1  }
0x27f: {  	v53 =	vmul.f32 v3, v46;
	[tilespmem:s31+$0xFFFFFF90] =	vst v0  }
0x280: {  	v4 =	vmul.f32 v3, v4;
	[tilespmem:s31+$0xFFFFFFD0] =	vst v52;
	v2 =	vmul.f32 v3, v2  }
0x281: {  	s15 =	sadd.s32 $0x1, s1;
	v0 =	vmul.f32 v3, v60;
	[tilespmem:s31+$0xFFFFFFE0] =	vst v53  }
0x282: {  	v48 =	vmov s15;
	[tilespmem:s31+$0xFFFFFFA0] =	vst v4  }
0x283: {  	v5 =	vand.u32 $0xFFFFFFFD, v48;
	[tilespmem:s31+$0xFFFFFFC0] =	vst v0  }
0x284: {  	v49 =	vbroadcast v5, $0x0;
	[tilespmem:s31+$0xFFFFFFB0] =	vst v2;
	v2 =	vpop (erf)  }
0x285: {  	v5 =	vld [tilespmem:$0x1FC00];
	v0 =	vmul.f32 s24, v2;
	v2 =	vmul.f32 v3, v32;
	_ =	sdelay $0x1  }
0x286: {  	[tilespmem:s31+$0xFFFFFFF0] =	vst v2  }
0x287: {  	v2 =	vld [tilespmem:$0x1FC10];
	_ =	sdelay $0x1  }
0x288: {  	v5 =	vmul.f32 v0, v5;
	[tilespmem:v49+s4+$0x0] =	vst.idx.msk $0x1, v3  }
0x289: {  	v4 =	vld [tilespmem:$0x1FC20]  }
0x28a: {  	s9 =	sadd.s32 $0x2, s1;
	v1 =	vmul.f32 v0, v50;
	[tilespmem:s31+$0x0] =	vst v5  }
0x28b: {  	v3 =	vmov s9;
	v5 =	vld [tilespmem:$0x1FC30];
	v2 =	vmul.f32 v0, v2  }
0x28c: {  	v54 =	vmul.f32 v0, v22;
	v3 =	vand.u32 $0xFFFFFFFE, v3;
	[tilespmem:s31+$0x40] =	vst v1  }
0x28d: {  	v1 =	vmul.f32 v0, v30;
	[tilespmem:s31+$0x10] =	vst v2;
	v2 =	vbroadcast v3, $0x0  }
0x28e: {  	[tilespmem:s31+$0x60] =	vst v54;
	v4 =	vmul.f32 v0, v4  }
0x28f: {  	[tilespmem:s31+$0x70] =	vst v1;
	v3 =	vmul.f32 v0, v51  }
0x290: {  	v5 =	vmul.f32 v0, v5;
	[tilespmem:s31+$0x20] =	vst v4  }
0x291: {  	[tilespmem:s31+$0x50] =	vst v3  }
0x292: {  	[tilespmem:s31+$0x30] =	vst v5  }
0x293: {  	[tilespmem:v2+s4+$0x0] =	vst.idx.msk $0x1, v0  }
0x294: {  	v0 =	vld [tilespmem:$0x100];
	_ =	sdelay $0x2  }
0x295: {  	v1 =	vld [tilespmem:$0xAA00];
	_ =	sdelay $0x4  }
0x296: {  	[tilespmem:v0+s16+$0x0] =	vst.idx.add.f32.msk $0xffff, v1  }
0x297: {  	v0 =	vld [tilespmem:$0x110];
	_ =	sdelay $0x2  }
0x298: {  	v1 =	vld [tilespmem:$0xAA10];
	_ =	sdelay $0x4  }
0x299: {  	[tilespmem:v0+s16+$0x0] =	vst.idx.add.f32.msk $0xffff, v1  }
0x29a: {  	v0 =	vld [tilespmem:$0x120];
	_ =	sdelay $0x2  }
0x29b: {  	v1 =	vld [tilespmem:$0xAA20];
	_ =	sdelay $0x4  }
0x29c: {  	[tilespmem:v0+s16+$0x0] =	vst.idx.add.f32.msk $0xffff, v1  }
0x29d: {  	v0 =	vld [tilespmem:$0x130];
	_ =	sdelay $0x2  }
0x29e: {  	v1 =	vld [tilespmem:$0xAA30];
	_ =	sdelay $0x4  }
0x29f: {  	[tilespmem:v0+s16+$0x0] =	vst.idx.add.f32.msk $0xffff, v1  }
0x2a0: {  	[spmem:s12] =	stream.indirect.scatter.add.f32 [tilespmem:s5], [sflag:$0x5], $0x80, s7, s8, $0xb8;
	[tilespmem:$0x1E680] =	vst v63  }
0x2a1: {  	_ =	swait.ge [sflag:s6], $0x2000  }
0x2a2: {  	s13 =	rddreg [dreg:$0x1f]  }
0x2a3: {  	s1 =	sadd.s32 s28, s13  }
0x2a4: {  	[sflag:s6] =	ssyncset.done $0x0;
	s1 =	sshrl.u32 s1, $0x3  }
0x2a5: {  	s9 =	simm.s32 $0x0;
	[sflag:s6] =	ssyncadd.s32 $0xFFFFE000;
	s15 =	sadd.s32 s18, s1  }
0x2a6: {  	[tilespmem:s9], [sflag:$0x5] =	stream.linear.gather [hbm4b:s15+s9], $0x40, $0x38;
	[tilespmem:$0x1E680] =	vst v63  }
0x2a7: {  	_ =	swait.ge [sflag:s6], $0x40  }
0x2a8: {  	[sflag:s6] =	ssyncset.done $0x0  }
0x2a9: {  	s1 =	sadd.s32 s19, s1;
	[sflag:s6] =	ssyncadd.s32 $0xFFFFFFC0  }
0x2aa: {  	[tilespmem:s7], [sflag:$0x5] =	stream.linear.gather [hbm4b:s1+s9], $0x40, $0x38;
	[tilespmem:$0x1E680] =	vst v63  }
0x2ab: {  	_ =	swait.ge [sflag:s6], $0x40  }
0x2ac: {  	[sflag:s6] =	ssyncset.done $0x0  }
0x2ad: {  	[sflag:s6] =	ssyncadd.s32 $0xFFFFFFC0  }
0x2ae: {  	s24 =	smov.u32 s12;
	s12 =	rddreg [dreg:$0x0]  }
0x2af: {  	[tilespmem:s5], [sflag:$0x1] =	stream.indirect.gather [hbm4b:s12+s8], $0x80, s9, s8, $0xb8;
	[tilespmem:$0x1E680] =	vst v63  }
0x2b0: {  	s13 =	simm.s32 $0x4200  }
0x2b1: {  	[tilespmem:s13], [sflag:$0x3] =	stream.indirect.gather [hbm4b:s17+s8], $0x80, s7, s8, $0xb8;
	[tilespmem:$0x1E680] =	vst v63  }
0x2b2: {  	_ =	swait.ge [sflag:s20], $0x2000  }
0x2b3: {  	[sflag:s20] =	ssyncset.done $0x0  }
0x2b4: {  	[sflag:s20] =	ssyncadd.s32 $0xFFFFE000  }
0x2b5: {  	_ =	swait.ge [sflag:s21], $0x2000  }
0x2b6: {  	[sflag:s21] =	ssyncset.done $0x0  }
0x2b7: {  	s28 =	simm.s32 $0x2300;
	[sflag:s21] =	ssyncadd.s32 $0xFFFFE000  }
0x2b8: {  	s15 =	simm.s32 $0x6300;
	v42 =	vld [tilespmem:s28+$0x80]  }
0x2b9: {  	v0 =	vld [tilespmem:s15+$0x80]  }
0x2ba: {  	v34 =	vld [tilespmem:s28+$0x90]  }
0x2bb: {  	v1 =	vld [tilespmem:s15+$0x90]  }
0x2bc: {  	v54 =	vld [tilespmem:s28+$0xA0]  }
0x2bd: {  	v20 =	vld [tilespmem:s28+$0xD0]  }
0x2be: {  	v2 =	vld [tilespmem:s15+$0xA0]  }
0x2bf: {  	v40 =	vld [tilespmem:s28+$0xB0]  }
0x2c0: {  	v3 =	vld [tilespmem:s15+$0xB0]  }
0x2c1: {  	v44 =	vld [tilespmem:s28+$0xC0]  }
0x2c2: {  	v55 =	vld [tilespmem:s15+$0xC0];
	[tilespmem:$0x1FCC0] =	vst v20  }
0x2c3: {  	v18 =	vld [tilespmem:s28+$0xE0];
	_ =	sdelay $0x4  }
0x2c4: {  	v56 =	vld [tilespmem:s15+$0xD0];
	[tilespmem:$0x1FCD0] =	vst v18  }
0x2c5: {  	v24 =	vld [tilespmem:s28+$0xF0];
	_ =	sdelay $0x4  }
0x2c6: {  	v58 =	vld [tilespmem:s15+$0xE0];
	[tilespmem:$0x1FCE0] =	vst v24  }
0x2c7: {  	v16 =	vld [tilespmem:s28+$0xFFFFFF80];
	_ =	sdelay $0x3  }
0x2c8: {  	v59 =	vld [tilespmem:s15+$0xF0]  }
0x2c9: {  	v60 =	vld [tilespmem:s15+$0xFFFFFF00];
	[tilespmem:$0x1FD30] =	vst v16  }
0x2ca: {  	v62 =	vld [tilespmem:s28+$0x0];
	_ =	sdelay $0x4  }
0x2cb: {  	v61 =	vld [tilespmem:s15+$0xFFFFFF80];
	[tilespmem:$0x1FD80] =	vst v62  }
0x2cc: {  	v22 =	vld [tilespmem:s28+$0xFFFFFF00];
	_ =	sdelay $0x4  }
0x2cd: {  	v32 =	vld [tilespmem:s15+$0x0];
	[tilespmem:$0x1FCF0] =	vst v22  }
0x2ce: {  	v21 =	vld [tilespmem:s28+$0xFFFFFF10];
	_ =	sdelay $0x4  }
0x2cf: {  	[tilespmem:$0x1FD00] =	vst v21  }
0x2d0: {  	v17 =	vld [tilespmem:s28+$0xFFFFFF90];
	_ =	sdelay $0x4  }
0x2d1: {  	v35 =	vld [tilespmem:s15+$0xFFFFFF10];
	[tilespmem:$0x1FD40] =	vst v17  }
0x2d2: {  	v15 =	vld [tilespmem:s28+$0x10];
	_ =	sdelay $0x1  }
0x2d3: {  	v28 =	vld [tilespmem:$0x1FF80];
	v0 =	vadd.f32 v0, v42  }
0x2d4: {  	v41 =	vmov v25;
	v25 =	vld [tilespmem:$0x1FF90]  }
0x2d5: {  	v27 =	vld [tilespmem:$0x1FFA0];
	v1 =	vadd.f32 v1, v34;
	v13 =	vmul.f32 $2.000000030e-01, v0  }
0x2d6: {  	v37 =	vld [tilespmem:s15+$0xFFFFFF90];
	[tilespmem:$0x1FD90] =	vst v15  }
0x2d7: {  	v2 =	vadd.f32 v2, v54;
	v33 =	vmul.f32 $2.000000030e-01, v1;
	v0 =	vmax.f32 v0, v13;
	v23 =	vld [tilespmem:s28+$0xFFFFFF20]  }
0x2d8: {  	v0 =	vmul.f32 v0, v28  }
0x2d9: {  	v36 =	vmul.f32 $2.000000030e-01, v2;
	v1 =	vmax.f32 v1, v33  }
0x2da: {  	v1 =	vmul.f32 v1, v25;
	v0 =	vadd.f32 $0.0e+00, v0  }
0x2db: {  	v2 =	vmax.f32 v2, v36  }
0x2dc: {  	v0 =	vadd.f32 v1, v0;
	v1 =	vmul.f32 v2, v27;
	v2 =	vld [tilespmem:s15+$0x10];
	[tilespmem:$0x1FD10] =	vst v23  }
0x2dd: {  	v3 =	vadd.f32 v3, v40;
	v5 =	vadd.f32 v56, v20;
	v20 =	vld [tilespmem:s28+$0xFFFFFFA0];
	_ =	sdelay $0x1  }
0x2de: {  	v38 =	vmul.f32 $2.000000030e-01, v3;
	_ =	sdelay $0x1  }
0x2df: {  	v3 =	vmax.f32 v3, v38  }
0x2e0: {  	v0 =	vadd.f32 v1, v0;
	v1 =	vmul.f32 v3, v57;
	v3 =	vld [tilespmem:s15+$0xFFFFFF20];
	[tilespmem:$0x1FD50] =	vst v20  }
0x2e1: {  	v6 =	vadd.f32 v58, v18;
	v18 =	vld [tilespmem:s28+$0x20];
	_ =	sdelay $0x4  }
0x2e2: {  	v45 =	vld [tilespmem:s15+$0xFFFFFFA0];
	[tilespmem:$0x1FDA0] =	vst v18  }
0x2e3: {  	v7 =	vadd.f32 v59, v24;
	v24 =	vld [tilespmem:s28+$0xFFFFFF30];
	_ =	sdelay $0x4  }
0x2e4: {  	v48 =	vld [tilespmem:s15+$0x20];
	[tilespmem:$0x1FD20] =	vst v24  }
0x2e5: {  	v8 =	vadd.f32 v60, v22;
	v22 =	vld [tilespmem:s28+$0xFFFFFFB0];
	_ =	sdelay $0x3  }
0x2e6: {  	v4 =	vadd.f32 v55, v44  }
0x2e7: {  	v50 =	vld [tilespmem:s15+$0xFFFFFF30];
	[tilespmem:$0x1FD60] =	vst v22  }
0x2e8: {  	v39 =	vmul.f32 $2.000000030e-01, v4;
	v12 =	vadd.f32 v35, v21;
	v21 =	vld [tilespmem:s28+$0x30];
	_ =	sdelay $0x1  }
0x2e9: {  	v4 =	vmax.f32 v4, v39;
	v43 =	vmul.f32 $2.000000030e-01, v5  }
0x2ea: {  	v0 =	vadd.f32 v1, v0;
	v1 =	vmul.f32 v4, v63  }
0x2eb: {  	v5 =	vmax.f32 v5, v43;
	v46 =	vmul.f32 $2.000000030e-01, v6  }
0x2ec: {  	v0 =	vadd.f32 v1, v0;
	v1 =	vmul.f32 v5, v26;
	v56 =	vld [tilespmem:s15+$0xFFFFFFB0];
	[tilespmem:$0x1FDB0] =	vst v21  }
0x2ed: {  	v6 =	vmax.f32 v6, v46;
	v49 =	vmul.f32 $2.000000030e-01, v7;
	v13 =	vadd.f32 v37, v17;
	v17 =	vld [tilespmem:s28+$0xFFFFFFC0]  }
0x2ee: {  	v0 =	vadd.f32 v1, v0;
	v1 =	vmul.f32 v6, v41;
	v9 =	vadd.f32 v61, v16  }
0x2ef: {  	v7 =	vmax.f32 v7, v49  }
0x2f0: {  	v0 =	vadd.f32 v1, v0;
	v1 =	vmul.f32 v7, v47;
	v55 =	vmul.f32 $2.000000030e-01, v9;
	v60 =	vld [tilespmem:s15+$0x30]  }
0x2f1: {  	v52 =	vld [tilespmem:s28+$0xFFFFFF40]  }
0x2f2: {  	v0 =	vadd.f32 v1, v0;
	v9 =	vmax.f32 v9, v55;
	v11 =	vadd.f32 v32, v62;
	v62 =	vld [tilespmem:s15+$0xFFFFFF40];
	[tilespmem:$0x1FD70] =	vst v17  }
0x2f3: {  	v1 =	vmul.f32 v9, v28;
	v58 =	vmul.f32 $2.000000030e-01, v8;
	v3 =	vadd.f32 v3, v23;
	v23 =	vld [tilespmem:s28+$0x40]  }
0x2f4: {  	v59 =	vmul.f32 $2.000000030e-01, v11  }
0x2f5: {  	v1 =	vadd.f32 $0.0e+00, v1;
	v8 =	vmax.f32 v8, v58;
	v61 =	vmul.f32 $2.000000030e-01, v12  }
0x2f6: {  	v10 =	vmax.f32 v11, v59;
	v8 =	vmul.f32 v8, v28;
	v32 =	vmul.f32 $2.000000030e-01, v13  }
0x2f7: {  	v10 =	vmul.f32 v10, v28;
	v12 =	vmax.f32 v12, v61;
	v2 =	vadd.f32 v2, v15  }
0x2f8: {  	v8 =	vadd.f32 $0.0e+00, v8;
	v12 =	vmul.f32 v12, v25;
	v13 =	vmax.f32 v13, v32;
	v15 =	vld [tilespmem:s15+$0xFFFFFFC0];
	[tilespmem:$0x1FDC0] =	vst v23  }
0x2f9: {  	v33 =	vmul.f32 $2.000000030e-01, v2;
	v4 =	vadd.f32 v45, v20;
	v5 =	vadd.f32 v48, v18;
	v18 =	vld [tilespmem:s28+$0x50]  }
0x2fa: {  	v10 =	vadd.f32 $0.0e+00, v10;
	v35 =	vmul.f32 v13, v25;
	v16 =	vmul.f32 $2.000000030e-01, v3;
	v36 =	vld [tilespmem:s15+$0x40]  }
0x2fb: {  	v8 =	vadd.f32 v12, v8;
	v2 =	vmax.f32 v2, v33;
	v38 =	vmul.f32 $2.000000030e-01, v4;
	v53 =	vld [tilespmem:s28+$0xFFFFFF50]  }
0x2fc: {  	v1 =	vadd.f32 v35, v1;
	v2 =	vmul.f32 v2, v25;
	v3 =	vmax.f32 v3, v16;
	v37 =	vld [tilespmem:s15+$0xFFFFFF50]  }
0x2fd: {  	v3 =	vmul.f32 v3, v27;
	v4 =	vmax.f32 v4, v38;
	v6 =	vadd.f32 v50, v24;
	v51 =	vld [tilespmem:s28+$0xFFFFFFD0]  }
0x2fe: {  	v4 =	vmul.f32 v4, v27;
	v39 =	vmul.f32 $2.000000030e-01, v5;
	v7 =	vadd.f32 v56, v22;
	v16 =	vld [tilespmem:s15+$0xFFFFFFD0];
	[tilespmem:$0x1FDD0] =	vst v18  }
0x2ff: {  	v2 =	vadd.f32 v2, v10;
	v3 =	vadd.f32 v3, v8;
	v43 =	vmul.f32 $2.000000030e-01, v6;
	v20 =	vld [tilespmem:s28+$0x60]  }
0x300: {  	v1 =	vadd.f32 v4, v1;
	v5 =	vmax.f32 v5, v39;
	v45 =	vmul.f32 $2.000000030e-01, v7;
	v8 =	vld [tilespmem:s15+$0x50]  }
0x301: {  	v6 =	vmax.f32 v6, v43;
	v9 =	vadd.f32 v60, v21;
	v48 =	vadd.f32 v62, v52;
	v49 =	vld [tilespmem:s28+$0xFFFFFF60]  }
0x302: {  	v46 =	vmul.f32 v5, v27;
	v6 =	vmul.f32 v6, v57;
	v7 =	vmax.f32 v7, v45;
	v50 =	vld [tilespmem:s15+$0xFFFFFF60]  }
0x303: {  	v60 =	vmul.f32 $2.000000030e-01, v9;
	v61 =	vmul.f32 $2.000000030e-01, v48;
	v15 =	vadd.f32 v15, v17;
	v55 =	vld [tilespmem:s28+$0xFFFFFFE0]  }
0x304: {  	v2 =	vadd.f32 v46, v2;
	v3 =	vadd.f32 v6, v3;
	v7 =	vmul.f32 v7, v57;
	v17 =	vld [tilespmem:s15+$0xFFFFFFE0];
	[tilespmem:$0x1FDE0] =	vst v20  }
0x305: {  	v62 =	vmax.f32 v9, v60;
	v5 =	vmax.f32 v48, v61;
	v32 =	vmul.f32 $2.000000030e-01, v15;
	v10 =	vld [tilespmem:s15+$0x60]  }
0x306: {  	v4 =	vmul.f32 v62, v57;
	v5 =	vmul.f32 v5, v63;
	v33 =	vadd.f32 v36, v23;
	v59 =	vld [tilespmem:s28+$0xFFFFFF70]  }
0x307: {  	v6 =	vmax.f32 v15, v32;
	v35 =	vadd.f32 v37, v53;
	v38 =	vadd.f32 v16, v51;
	v13 =	vld [tilespmem:s15+$0xFFFFFF70]  }
0x308: {  	v1 =	vadd.f32 v7, v1;
	v37 =	vmul.f32 v6, v63;
	v36 =	vmul.f32 $2.000000030e-01, v33;
	v58 =	vld [tilespmem:s28+$0xFFFFFFF0]  }
0x309: {  	v2 =	vadd.f32 v4, v2;
	v43 =	vmul.f32 $2.000000030e-01, v35;
	v48 =	vmul.f32 $2.000000030e-01, v38;
	v12 =	vld [tilespmem:s15+$0xFFFFFFF0]  }
0x30a: {  	v3 =	vadd.f32 v5, v3;
	v1 =	vadd.f32 v37, v1;
	v56 =	vld [tilespmem:s28+$0x70]  }
0x30b: {  	s29 =	simm.s32 $0x2500;
	v39 =	vmax.f32 v33, v36;
	v7 =	vmax.f32 v35, v43;
	v5 =	vmax.f32 v38, v48;
	v11 =	vld [tilespmem:s15+$0x70]  }
0x30c: {  	s13 =	simm.s32 $0x6500;
	v45 =	vmul.f32 v39, v63;
	v46 =	vadd.f32 v8, v18;
	v50 =	vadd.f32 v50, v49;
	v60 =	vld [tilespmem:s29+$0x80]  }
0x30d: {  	v7 =	vmul.f32 v7, v26;
	v5 =	vmul.f32 v5, v26;
	v37 =	vadd.f32 v17, v55;
	v15 =	vld [tilespmem:s13+$0x80]  }
0x30e: {  	v62 =	vld [tilespmem:s29+$0xA0];
	v36 =	vmul.f32 $2.000000030e-01, v46;
	v38 =	vmul.f32 $2.000000030e-01, v50  }
0x30f: {  	v2 =	vadd.f32 v45, v2;
	v3 =	vadd.f32 v7, v3;
	v7 =	vld [tilespmem:s13+$0xA0];
	v39 =	vmul.f32 $2.000000030e-01, v37  }
0x310: {  	v61 =	vld [tilespmem:s29+$0x90];
	v1 =	vadd.f32 v5, v1;
	v4 =	vmax.f32 v46, v36;
	v8 =	vmax.f32 v50, v38  }
0x311: {  	v48 =	vld [tilespmem:s29+$0xB0];
	v45 =	vmax.f32 v37, v39;
	v4 =	vmul.f32 v4, v26;
	v10 =	vadd.f32 v10, v20  }
0x312: {  	v14 =	vld [tilespmem:s13+$0xB0];
	v8 =	vmul.f32 v8, v41;
	v43 =	vadd.f32 v13, v59;
	v46 =	vadd.f32 v12, v58  }
0x313: {  	v5 =	vmul.f32 v45, v41;
	v13 =	vld [tilespmem:s13+$0x90];
	v11 =	vadd.f32 v11, v56;
	v45 =	vadd.f32 v15, v60  }
0x314: {  	v9 =	vld [tilespmem:s13+$0xC0];
	v7 =	vadd.f32 v7, v62;
	v16 =	vmul.f32 $2.000000030e-01, v10;
	v32 =	vmul.f32 $2.000000030e-01, v43  }
0x315: {  	v18 =	vld [tilespmem:s29+$0xFFFFFF00];
	v2 =	vadd.f32 v4, v2;
	v3 =	vadd.f32 v8, v3;
	v33 =	vmul.f32 $2.000000030e-01, v46  }
0x316: {  	v17 =	vld [tilespmem:s29+$0xFFFFFF10];
	v1 =	vadd.f32 v5, v1;
	v10 =	vmax.f32 v10, v16;
	v43 =	vmax.f32 v43, v32  }
0x317: {  	v39 =	vld [tilespmem:s29+$0xC0];
	v4 =	vmax.f32 v46, v33;
	v10 =	vmul.f32 v10, v41;
	v8 =	vmul.f32 v43, v47  }
0x318: {  	(xrf2) =	vadd.scan.msk.f32 $0xffff, v0;
	v38 =	vld [tilespmem:s29+$0xD0];
	v46 =	vmul.f32 $2.000000030e-01, v11;
	v50 =	vadd.f32 v13, v61;
	v4 =	vmul.f32 v4, v47  }
0x319: {  	v36 =	vld [tilespmem:s29+$0xE0];
	v0 =	vadd.f32 v10, v2;
	v2 =	vmul.f32 $2.000000030e-01, v45;
	v3 =	vadd.f32 v8, v3  }
0x31a: {  	v12 =	vld [tilespmem:s13+$0xD0];
	v37 =	vadd.f32 v14, v48;
	v33 =	vmul.f32 $2.000000030e-01, v7;
	v1 =	vadd.f32 v4, v1  }
0x31b: {  	v15 =	vld [tilespmem:s13+$0xFFFFFF90];
	v6 =	vmax.f32 v11, v46;
	v13 =	vmul.f32 $2.000000030e-01, v50;
	v2 =	vmax.f32 v45, v2;
	(xrf2) =	vadd.scan.msk.f32 $0xffff, v3  }
0x31c: {  	v46 =	vld [tilespmem:s29+$0xF0];
	v32 =	vmul.f32 v6, v47;
	v2 =	vmul.f32 v2, v28;
	(xrf2) =	vadd.scan.msk.f32 $0xffff, v1  }
0x31d: {  	v43 =	vmax.f32 v7, v33;
	v8 =	vld [tilespmem:s13+$0xE0];
	v3 =	vmax.f32 v50, v13;
	v45 =	vmul.f32 $2.000000030e-01, v37  }
0x31e: {  	v11 =	vld [tilespmem:s13+$0xF0];
	v0 =	vadd.f32 v32, v0;
	v1 =	vadd.f32 $0.0e+00, v2;
	v2 =	vmul.f32 v3, v25  }
0x31f: {  	v10 =	vld [tilespmem:s29+$0xFFFFFF80];
	v50 =	vadd.f32 v9, v39;
	v32 =	vmax.f32 v37, v45;
	v37 =	vadd.f32 v12, v38  }
0x320: {  	v4 =	vld [tilespmem:s13+$0x0];
	(xrf2) =	vadd.scan.msk.f32 $0xffff, v0;
	v0 =	vadd.f32 v2, v1;
	v1 =	vmul.f32 v43, v27  }
0x321: {  	v9 =	vld [tilespmem:s29+$0x0];
	v33 =	vmul.f32 $2.000000030e-01, v50;
	v45 =	vmul.f32 $2.000000030e-01, v37  }
0x322: {  	v13 =	vld [tilespmem:s13+$0xFFFFFF10];
	v8 =	vadd.f32 v8, v36;
	v43, _, _ =	vpop (xrf2);
	v0 =	vadd.f32 v1, v0;
	v1 =	vmul.f32 v32, v57  }
0x323: {  	v5 =	vmax.f32 v50, v33;
	v2 =	vld [tilespmem:s13+$0xFFFFFF80];
	v12 =	vmul.f32 $1.442695020e+00, v43;
	v50 =	vmax.f32 v37, v45  }
0x324: {  	v7 =	vadd.f32 v11, v46;
	v11 =	vld [tilespmem:s29+$0x10];
	v0 =	vadd.f32 v1, v0;
	v1 =	vmul.f32 v5, v63  }
0x325: {  	v3 =	vld [tilespmem:s13+$0xFFFFFF00];
	v32 =	vmul.f32 $2.000000030e-01, v8;
	v33 =	vbroadcast v12, $0xF;
	v37, _, _ =	vpop (xrf2)  }
0x326: {  	v12 =	vld [tilespmem:s29+$0xFFFFFF90];
	v0 =	vadd.f32 v1, v0;
	v1 =	vmul.f32 v50, v26;
	v43 =	vmul.f32 $1.442695020e+00, v37;
	v50, _, _ =	vpop (xrf2)  }
0x327: {  	v6 =	vmax.f32 v8, v32;
	(erf) = vpow2.f32 v33;
	v33 =	vld [tilespmem:s13+$0x10];
	[tilespmem:$0x1FC40] =	vst v10;
	v32 =	vmul.f32 $1.442695020e+00, v50  }
0x328: {  	v45 =	vmul.f32 $2.000000030e-01, v7;
	v2 =	vadd.f32 v2, v10;
	v19 =	vld [tilespmem:s29+$0xFFFFFF20];
	[tilespmem:$0x1FC50] =	vst v9;
	v5 =	vbroadcast v43, $0xF  }
0x329: {  	v16 =	vld [tilespmem:s13+$0xFFFFFF20];
	v0 =	vadd.f32 v1, v0;
	v1 =	vmul.f32 v6, v41;
	v6 =	vbroadcast v32, $0xF  }
0x32a: {  	v4 =	vadd.f32 v4, v9;
	v10 =	vld [tilespmem:s29+$0xFFFFFFA0];
	v43 =	vmul.f32 $2.000000030e-01, v2;
	(erf) = vpow2.f32 v5  }
0x32b: {  	v13 =	vadd.f32 v13, v17;
	v7 =	vmax.f32 v7, v45;
	(erf) = vpow2.f32 v6;
	v6 =	vld [tilespmem:s13+$0xFFFFFFA0];
	[tilespmem:$0x1FC60] =	vst v17  }
0x32c: {  	v37, _, _ =	vpop (xrf2);
	v0 =	vadd.f32 v1, v0;
	v1 =	vmul.f32 v7, v47;
	v2 =	vmax.f32 v2, v43;
	[tilespmem:$0x1FC70] =	vst v12  }
0x32d: {  	v7 =	vmul.f32 $1.442695020e+00, v37;
	v8 =	vadd.f32 v33, v11;
	v2 =	vmul.f32 v2, v28;
	v45 =	vld [tilespmem:s29+$0x20];
	[tilespmem:$0x1FC80] =	vst v11  }
0x32e: {  	v0 =	vadd.f32 v1, v0;
	v1 =	vadd.f32 v3, v18;
	v3 =	vmul.f32 $2.000000030e-01, v4;
	v14 =	vld [tilespmem:s13+$0x20]  }
0x32f: {  	v24 =	vadd.f32 v16, v19;
	v32 =	vmul.f32 $2.000000030e-01, v8;
	v7 =	vbroadcast v7, $0xF;
	v17 =	vld [tilespmem:s29+$0xFFFFFF30]  }
0x330: {  	v5 =	vld [tilespmem:s13+$0xFFFFFF30];
	(xrf2) =	vadd.scan.msk.f32 $0xffff, v0;
	v0 =	vadd.f32 v15, v12;
	v15 =	vmul.f32 $2.000000030e-01, v13;
	v3 =	vmax.f32 v4, v3  }
0x331: {  	v37 =	vld [tilespmem:s29+$0xFFFFFFB0];
	v50 =	vmul.f32 $2.000000030e-01, v1;
	v4 =	vmax.f32 v8, v32;
	v3 =	vmul.f32 v3, v28  }
0x332: {  	v43 =	vld [tilespmem:s13+$0xFFFFFFB0];
	v20 =	vmul.f32 $2.000000030e-01, v0;
	v33 =	vmax.f32 v13, v15;
	v15 =	vmul.f32 $2.000000030e-01, v24  }
0x333: {  	v4 =	vmul.f32 v4, v25;
	v1 =	vmax.f32 v1, v50;
	v6 =	vadd.f32 v6, v10;
	v16 =	vmovc v45;
	v45 =	vld [tilespmem:s29+$0x30]  }
0x334: {  	v1 =	vmul.f32 v1, v28;
	v0 =	vmax.f32 v0, v20;
	v20 =	vmax.f32 v24, v15;
	v24 =	vld [tilespmem:s13+$0x30];
	[tilespmem:$0x1FC90] =	vst v10  }
0x335: {  	v9 =	vmul.f32 v33, v25;
	v3 =	vadd.f32 $0.0e+00, v3;
	v0 =	vmul.f32 v0, v25;
	v25 =	vld [tilespmem:s29+$0xFFFFFF40]  }
0x336: {  	v35 =	vmovc v26;
	v2 =	vadd.f32 $0.0e+00, v2;
	(erf) = vpow2.f32 v7;
	v1 =	vadd.f32 $0.0e+00, v1;
	v26 =	vld [tilespmem:s13+$0xFFFFFF40]  }
0x337: {  	v21 =	vmovc v27;
	v33 =	vadd.f32 v14, v16;
	v30 =	vadd.f32 v4, v3;
	v3 =	vmul.f32 $2.000000030e-01, v6;
	v10 =	vld [tilespmem:s29+$0xFFFFFFC0]  }
0x338: {  	v5 =	vadd.f32 v5, v17;
	v50 =	vmul.f32 v20, v27;
	v28 =	vld [tilespmem:s13+$0xFFFFFFC0];
	[tilespmem:$0x1FCA0] =	vst v37;
	v1 =	vadd.f32 v9, v1  }
0x339: {  	v27 =	vadd.f32 v0, v2;
	v3 =	vmax.f32 v6, v3;
	v6 =	vadd.f32 v43, v37;
	v9 =	vld [tilespmem:s29+$0x40];
	[tilespmem:$0x1FCB0] =	vst v45  }
0x33a: {  	v31 =	vadd.f32 v50, v1;
	v37 =	vadd.f32 v24, v45;
	v1 =	vmul.f32 $2.000000030e-01, v33;
	v2 =	vld [tilespmem:s13+$0x40]  }
0x33b: {  	v3 =	vmul.f32 v3, v21;
	v24 =	vmul.f32 $2.000000030e-01, v5;
	v13, _, _ =	vpop (xrf2);
	v0 =	vadd.f32 v26, v25  }
0x33c: {  	v4 =	vmul.f32 $1.442695020e+00, v13;
	v7 =	vmax.f32 v33, v1;
	v1 =	vmul.f32 $2.000000030e-01, v37  }
0x33d: {  	v43 =	vmul.f32 $2.000000030e-01, v6;
	v29 =	vadd.f32 v3, v27;
	v50 =	vmul.f32 $2.000000030e-01, v0  }
0x33e: {  	v4 =	vbroadcast v4, $0xF;
	v1 =	vmax.f32 v37, v1;
	v37 =	vmul.f32 v7, v21  }
0x33f: {  	s3 =	sadd.s32 $0x0, s23;
	v45 =	vmax.f32 v5, v24;
	v0 =	vmax.f32 v0, v50;
	v2 =	vadd.f32 v2, v9  }
0x340: {  	p0 =	slt.u32 s3, $0x50910;
	s15 =	simm.f32 $1.000000000e+00;
	v1 =	vmul.f32 v1, v57;
	(erf) = vpow2.f32 v4;
	v5 =	vadd.f32 v37, v30  }
0x341: {  	s15 =	simm.s32 @!p0 $0x0;
	v12 =	vld [tilespmem:s29+$0xFFFFFFD0];
	v50 =	vadd.f32 v28, v10;
	v4 =	vmul.f32 v45, v57;
	v3 =	vmul.f32 v0, v63;
	v30 =	vpop (erf)  }
0x342: {  	v14 =	vld [tilespmem:s13+$0xFFFFFFD0];
	v0 =	vmul.f32 $2.000000030e-01, v2;
	v1 =	vadd.f32 v1, v5;
	v5 =	vmul.f32 s15, v30  }
0x343: {  	v26 =	vld [tilespmem:s29+$0xFFFFFF50];
	v6 =	vmax.f32 v6, v43;
	v4 =	vadd.f32 v4, v31  }
0x344: {  	v27 =	vld [tilespmem:s29+$0xFFFFFF60];
	v31 =	vmul.f32 $2.000000030e-01, v50;
	v0 =	vmax.f32 v2, v0;
	v2 =	vmul.f32 v5, v42  }
0x345: {  	v45 =	vmul.f32 v6, v57;
	v57 =	vld [tilespmem:s13+$0xFFFFFF60];
	v13 =	vmul.f32 v5, v34  }
0x346: {  	v33 =	vld [tilespmem:s13+$0xFFFFFF50];
	v7 =	vmax.f32 v50, v31;
	v31 =	vmul.f32 v5, v54;
	[tilespmem:s28+$0x80] =	vst v2  }
0x347: {  	v43 =	vld [tilespmem:s29+$0x50];
	v50 =	vmul.f32 v5, v40;
	[tilespmem:s28+$0x90] =	vst v13  }
0x348: {  	v28 =	vld [tilespmem:s13+$0x50];
	[tilespmem:s28+$0xA0] =	vst v31;
	v31 =	vmul.f32 v5, v44  }
0x349: {  	[tilespmem:s28+$0xB0] =	vst v50  }
0x34a: {  	v3 =	vadd.f32 v3, v4;
	v6 =	vadd.f32 v57, v27;
	v4 =	vld [tilespmem:$0x1FCC0];
	[tilespmem:s28+$0xC0] =	vst v31  }
0x34b: {  	v30 =	vadd.f32 v33, v26;
	v0 =	vmul.f32 v0, v63;
	v7 =	vmul.f32 v7, v63;
	v63 =	vld [tilespmem:$0x1FCD0]  }
0x34c: {  	v21 =	vmovc v12;
	v32 =	vadd.f32 v14, v12;
	v8 =	vadd.f32 v45, v29;
	v45 =	vmul.f32 $2.000000030e-01, v6;
	v12 =	vld [tilespmem:$0x1FCE0]  }
0x34d: {  	v14 =	vadd.f32 v28, v43;
	v28 =	vmul.f32 $2.000000030e-01, v30;
	v40 =	vpop (erf)  }
0x34e: {  	s3 =	simm.s32 $0x3;
	s12 =	sadd.s32 $0x4, s23;
	v33 =	vpop (erf)  }
0x34f: {  	s1 =	simm.f32 $1.000000000e+00;
	p0 =	slt.u32 s12, $0x50910;
	v37 =	vmov s3;
	v2 =	vmax.f32 v30, v28;
	v42 =	vpop (erf);
	v4 =	vmul.f32 v5, v4  }
0x350: {  	s1 =	simm.s32 @!p0 $0x0;
	v29 =	vld [tilespmem:s29+$0xFFFFFFE0];
	v2 =	vmul.f32 v2, v35;
	v6 =	vmax.f32 v6, v45;
	v45 =	vpop (erf);
	v31 =	vmul.f32 v5, v63  }
0x351: {  	v7 =	vadd.f32 v7, v8;
	v8 =	vld [tilespmem:s13+$0xFFFFFFE0];
	v13 =	vmul.f32 v5, v12;
	[tilespmem:s28+$0xD0] =	vst v4;
	v4 =	vmul.f32 s1, v45  }
0x352: {  	v24 =	vmov v43;
	v43 =	vmul.f32 $2.000000030e-01, v32;
	v54 =	vld [tilespmem:s13+$0x60];
	v30 =	vmul.f32 $2.000000030e-01, v14;
	[tilespmem:s28+$0xE0] =	vst v31  }
0x353: {  	v57 =	vmov s9;
	v28 =	vld [tilespmem:s29+$0x60];
	v2 =	vadd.f32 v2, v3;
	[tilespmem:s28+$0xF0] =	vst v13;
	v3 =	vmul.f32 v4, v60  }
0x354: {  	v30 =	vmax.f32 v14, v30;
	v14 =	vand.u32 $0xFFFFFFFC, v57;
	v57 =	vmul.f32 v4, v61;
	[tilespmem:v37+s4+$0x0] =	vst.idx.msk $0x1, v5  }
0x355: {  	v0 =	vadd.f32 v0, v1;
	v63 =	vmul.f32 v4, v62;
	[tilespmem:s29+$0x80] =	vst v3  }
0x356: {  	v1 =	vmax.f32 v32, v43;
	v32 =	vld [tilespmem:s29+$0xFFFFFFF0];
	v8 =	vadd.f32 v8, v29;
	v12 =	vmul.f32 v4, v48;
	[tilespmem:s29+$0x90] =	vst v57  }
0x357: {  	v45 =	vbroadcast v14, $0x0;
	v60 =	vld [tilespmem:s13+$0xFFFFFFF0];
	v14 =	vmul.f32 v4, v39;
	[tilespmem:s29+$0xA0] =	vst v63  }
0x358: {  	v50 =	vadd.f32 v54, v28;
	v31 =	vmul.f32 $2.000000030e-01, v8;
	v48 =	vmul.f32 v4, v38;
	[tilespmem:s29+$0xB0] =	vst v12  }
0x359: {  	v1 =	vmul.f32 v1, v35;
	v36 =	vmul.f32 v4, v36;
	[tilespmem:s29+$0xC0] =	vst v14  }
0x35a: {  	v61 =	vmul.f32 $2.000000030e-01, v50;
	v3 =	vmax.f32 v8, v31;
	v8 =	vld [tilespmem:$0x1FCF0];
	[tilespmem:s29+$0xD0] =	vst v48  }
0x35b: {  	s12 =	simm.s32 $0x7;
	v34 =	vld [tilespmem:s29+$0xFFFFFF70];
	v1 =	vadd.f32 v1, v7;
	[tilespmem:s29+$0xE0] =	vst v36  }
0x35c: {  	v5 =	vmax.f32 v50, v61;
	v50 =	vmov s12;
	v7 =	vadd.f32 v60, v32;
	v60 =	vld [tilespmem:$0x1FD00]  }
0x35d: {  	v54 =	vld [tilespmem:s13+$0xFFFFFF70]  }
0x35e: {  	v40 =	vmul.f32 s15, v40;
	v57 =	vmul.f32 v4, v46  }
0x35f: {  	v13 =	vld [tilespmem:s13+$0x70]  }
0x360: {  	v31 =	vld [tilespmem:s29+$0x70];
	[tilespmem:s29+$0xF0] =	vst v57;
	v8 =	vmul.f32 v40, v8  }
0x361: {  	v12 =	vld [tilespmem:$0x1FD10];
	[tilespmem:v50+s4+$0x0] =	vst.idx.msk $0x1, v4;
	v61 =	vmul.f32 v40, v60  }
0x362: {  	v54 =	vadd.f32 v54, v34;
	[tilespmem:s28+$0xFFFFFF00] =	vst v8  }
0x363: {  	[tilespmem:s28+$0xFFFFFF10] =	vst v61  }
0x364: {  	v6 =	vmul.f32 v6, v41;
	v63 =	vmul.f32 $2.000000030e-01, v54;
	v8 =	vld [tilespmem:$0x1FD20]  }
0x365: {  	v3 =	vmul.f32 v3, v41;
	v62 =	vadd.f32 v13, v31  }
0x366: {  	v2 =	vadd.f32 v6, v2;
	v43 =	vmax.f32 v54, v63;
	v14 =	vmul.f32 $2.000000030e-01, v7  }
0x367: {  	v1 =	vadd.f32 v3, v1;
	v44 =	vmul.f32 $2.000000030e-01, v62;
	v13 =	vmul.f32 v40, v12  }
0x368: {  	v3 =	vmul.f32 v40, v52;
	v4 =	vmul.f32 v43, v47;
	v6 =	vmax.f32 v7, v14  }
0x369: {  	v6 =	vmul.f32 v6, v47;
	v46 =	vmax.f32 v62, v44;
	[tilespmem:s28+$0xFFFFFF20] =	vst v13;
	v8 =	vmul.f32 v40, v8  }
0x36a: {  	v7 =	vmul.f32 v46, v47;
	v47 =	vmul.f32 v40, v53;
	[tilespmem:s28+$0xFFFFFF40] =	vst v3  }
0x36b: {  	[tilespmem:s28+$0xFFFFFF30] =	vst v8  }
0x36c: {  	v48 =	vmul.f32 v40, v49;
	v49 =	vld [tilespmem:$0x1FD30];
	[tilespmem:s28+$0xFFFFFF50] =	vst v47  }
0x36d: {  	v62 =	vld [tilespmem:$0x1FD40]  }
0x36e: {  	v63 =	vld [tilespmem:$0x1FD50]  }
0x36f: {  	v3 =	vmul.f32 v40, v59;
	v12 =	vld [tilespmem:$0x1FD60]  }
0x370: {  	v2 =	vadd.f32 v4, v2;
	v13 =	vld [tilespmem:$0x1FD70];
	[tilespmem:s28+$0xFFFFFF60] =	vst v48  }
0x371: {  	s30 =	simm.s32 $0x2700;
	v30 =	vmul.f32 v30, v35;
	v1 =	vadd.f32 v6, v1;
	[tilespmem:s28+$0xFFFFFF70] =	vst v3  }
0x372: {  	v37 =	vmul.f32 s15, v33;
	v33 =	vld [tilespmem:s30+$0x80];
	(xrf2) =	vadd.scan.msk.f32 $0xffff, v2;
	[tilespmem:v45+s4+$0x0] =	vst.idx.msk $0x1, v40  }
0x373: {  	s9 =	simm.s32 $0x6700;
	v0 =	vadd.f32 v30, v0;
	v5 =	vmul.f32 v5, v41;
	(xrf2) =	vadd.scan.msk.f32 $0xffff, v1;
	v1 =	vld [tilespmem:$0x1FDB0]  }
0x374: {  	v50 =	vld [tilespmem:s9+$0x80]  }
0x375: {  	v0 =	vadd.f32 v5, v0;
	v8 =	vld [tilespmem:$0x1FD80]  }
0x376: {  	v30 =	vmul.f32 s15, v42;
	v60 =	vld [tilespmem:$0x1FD90];
	v4 =	vmul.f32 v37, v49  }
0x377: {  	v0 =	vadd.f32 v7, v0;
	v61 =	vld [tilespmem:$0x1FDA0]  }
0x378: {  	v57 =	vmul.f32 v30, v1;
	v1 =	vld [tilespmem:$0x1FDC0];
	[tilespmem:s28+$0xFFFFFF80] =	vst v4  }
0x379: {  	(xrf2) =	vadd.scan.msk.f32 $0xffff, v0;
	v0 =	vld [tilespmem:$0x1FDD0]  }
0x37a: {  	s13 =	simm.s32 $0x1  }
0x37b: {  	v14 =	vmov s13;
	v46 =	vmul.f32 v37, v51;
	v51 =	vadd.f32 v50, v33  }
0x37c: {  	v35 =	vld [tilespmem:s30+$0x90];
	v2 =	vand.u32 $0xFFFFFFFD, v14  }
0x37d: {  	v38 =	vld [tilespmem:s30+$0xB0];
	v40 =	vmul.f32 $2.000000030e-01, v51;
	v45 =	vbroadcast v2, $0x0  }
0x37e: {  	v49 =	vmul.f32 v30, v56;
	v53 =	vmul.f32 v30, v0;
	v0 =	vld [tilespmem:$0x1FDE0]  }
0x37f: {  	v3 =	vld [tilespmem:s9+$0x90];
	v6 =	vmul.f32 v37, v62;
	v42 =	vmul.f32 v37, v63  }
0x380: {  	v39 =	vld [tilespmem:s30+$0xC0];
	v52 =	vmul.f32 v37, v12;
	v44 =	vmul.f32 v37, v13  }
0x381: {  	v23 =	vmov v18;
	s15 =	simm.s32 $0x2;
	v36 =	vld [tilespmem:s30+$0xA0];
	v62 =	vmul.f32 v37, v55;
	v63 =	vmul.f32 v37, v58  }
0x382: {  	v18 =	vmovc v19;
	v20 =	vmovc v17;
	v43 =	vld [tilespmem:s9+$0xA0];
	v47 =	vmov s15;
	v59 =	vmul.f32 v30, v8;
	v60 =	vmul.f32 v30, v60  }
0x383: {  	v22 =	vmovc v10;
	v55 =	vld [tilespmem:s9+$0xB0];
	v58 =	vmul.f32 v30, v61;
	[tilespmem:s28+$0xFFFFFF90] =	vst v6;
	v48 =	vmul.f32 v30, v0;
	v0 =	vand.u32 $0xFFFFFFFE, v47  }
0x384: {  	s31 =	simm.s32 $0x8;
	v19 =	vmovc v9;
	s13 =	simm.s32 $0x4;
	s15 =	simm.s32 $0xC;
	v54 =	vmul.f32 v30, v1;
	v1 =	vadd.f32 v3, v35;
	[tilespmem:s28+$0xFFFFFFA0] =	vst v42;
	v47 =	vld [tilespmem:s9+$0xC0];
	v50 =	vbroadcast v0, $0x0  }
.LBB2_9:
0x385: {  	v9 =	vld [tilespmem:$0x1FF80]  }
0x386: {  	v5 =	vld [tilespmem:s9+$0xD0]  }
0x387: {  	[tilespmem:s28+$0xFFFFFFC0] =	vst v44;
	v10 =	vld [tilespmem:$0x1FF90]  }
0x388: {  	[tilespmem:s28+$0xFFFFFFD0] =	vst v46;
	v7 =	vld [tilespmem:s9+$0xE0]  }
0x389: {  	v11 =	vld [tilespmem:$0x1FFA0];
	[tilespmem:s28+$0x0] =	vst v59  }
0x38a: {  	v42 =	vmov v29;
	v29 =	vld [tilespmem:s9+$0xFFFFFF00];
	[tilespmem:s28+$0xFFFFFFB0] =	vst v52  }
0x38b: {  	v12 =	vld [tilespmem:$0x1FFB0];
	[tilespmem:s28+$0xFFFFFFE0] =	vst v62  }
0x38c: {  	v13 =	vld [tilespmem:$0x1FFC0];
	[tilespmem:s28+$0xFFFFFFF0] =	vst v63  }
0x38d: {  	v44 =	vmov v34;
	v34 =	vld [tilespmem:s30+$0xFFFFFF00];
	[tilespmem:s28+$0x10] =	vst v60  }
0x38e: {  	v4, _, _ =	vpop (xrf2);
	v14 =	vld [tilespmem:$0x1FFD0];
	[tilespmem:s28+$0x20] =	vst v58  }
0x38f: {  	v15 =	vld [tilespmem:$0x1FFE0];
	v2 =	vmul.f32 $2.000000030e-01, v1;
	v4 =	vmul.f32 $1.442695020e+00, v4;
	[tilespmem:v45+s4+$0x0] =	vst.idx.msk $0x1, v37  }
0x390: {  	v0 =	vmax.f32 v51, v40;
	v45 =	vld [tilespmem:s30+$0x0];
	[tilespmem:s28+$0x30] =	vst v57;
	v57 =	vmov s13;
	v3 =	vadd.f32 v43, v36  }
0x391: {  	v51 =	vld [tilespmem:s30+$0xD0];
	v8, _, _ =	vpop (xrf2);
	v1 =	vmax.f32 v1, v2;
	v4 =	vbroadcast v4, $0xF;
	v0 =	vmul.f32 v0, v9  }
0x392: {  	v52 =	vld [tilespmem:s30+$0xE0];
	v8 =	vmul.f32 $1.442695020e+00, v8;
	v6 =	vadd.f32 v55, v38;
	v2 =	vmul.f32 $2.000000030e-01, v3  }
0x393: {  	v17 =	vmovc v16;
	v16 =	vld [tilespmem:$0x1FFF0];
	v40 =	vmovc v28;
	v28 =	vadd.f32 v47, v39;
	v1 =	vmul.f32 v1, v10;
	v0 =	vadd.f32 $0.0e+00, v0  }
0x394: {  	v55 =	vld [tilespmem:s30+$0xF0];
	v62 =	vbroadcast v8, $0xF;
	v2 =	vmax.f32 v3, v2;
	v3 =	vmul.f32 $2.000000030e-01, v6  }
0x395: {  	(erf) = vpow2.f32 v4;
	v0 =	vadd.f32 v1, v0;
	v1 =	vmul.f32 v2, v11;
	v2 =	vld [tilespmem:s9+$0xF0]  }
0x396: {  	v46 =	vld [tilespmem:s30+$0xFFFFFF80];
	v61 =	vmul.f32 $2.000000030e-01, v28;
	v5 =	vadd.f32 v5, v51;
	v3 =	vmax.f32 v6, v3  }
0x397: {  	v41 =	vmovc v31;
	v63 =	vld [tilespmem:s9+$0x0];
	v7 =	vadd.f32 v7, v52;
	v0 =	vadd.f32 v1, v0;
	v1 =	vmul.f32 v3, v12  }
0x398: {  	v31, _, _ =	vpop (xrf2);
	[tilespmem:s28+$0x40] =	vst v54;
	v54 =	vld [tilespmem:s9+$0xFFFFFF10];
	(erf) = vpow2.f32 v62;
	v6 =	vmax.f32 v28, v61;
	v28 =	vmul.f32 $2.000000030e-01, v5  }
0x399: {  	v3 =	vmul.f32 $1.442695020e+00, v31;
	v31 =	vld [tilespmem:s9+$0xFFFFFF80];
	v0 =	vadd.f32 v1, v0;
	v1 =	vmul.f32 v6, v13  }
0x39a: {  	[tilespmem:s28+$0x50] =	vst v53;
	v37 =	vmul.f32 $2.000000030e-01, v7;
	v5 =	vmax.f32 v5, v28;
	v28 =	vld [tilespmem:s30+$0xFFFFFF10];
	v2 =	vadd.f32 v2, v55  }
0x39b: {  	[tilespmem:s28+$0x60] =	vst v48;
	v48 =	vld [tilespmem:s30+$0xFFFFFF90];
	v3 =	vbroadcast v3, $0xF;
	v0 =	vadd.f32 v1, v0;
	v1 =	vmul.f32 v5, v14  }
0x39c: {  	[tilespmem:s28+$0x70] =	vst v49;
	v58 =	vld [tilespmem:s9+$0xFFFFFF90];
	v59 =	vadd.f32 v63, v45;
	v47 =	vmax.f32 v7, v37;
	v53 =	vmul.f32 $2.000000030e-01, v2  }
0x39d: {  	[tilespmem:v50+s4+$0x0] =	vst.idx.msk $0x1, v30;
	v30 =	vld [tilespmem:s9+$0xFFFFFF20];
	(erf) = vpow2.f32 v3;
	v0 =	vadd.f32 v1, v0;
	v1 =	vmul.f32 v47, v15  }
0x39e: {  	v3 =	vmul.f32 $2.000000030e-01, v59;
	v56 =	vadd.f32 v31, v46;
	v31 =	vld [tilespmem:s30+$0xFFFFFF20];
	v2 =	vmax.f32 v2, v53  }
0x39f: {  	v47 =	vld [tilespmem:s30+$0x10];
	v4 =	vadd.f32 v54, v28;
	v0 =	vadd.f32 v1, v0;
	v1 =	vmul.f32 v2, v16  }
0x3a0: {  	v62 =	vpop (erf);
	v3 =	vmax.f32 v59, v3;
	v60 =	vmul.f32 $2.000000030e-01, v56;
	v2 =	vadd.f32 v29, v34;
	v29 =	vld [tilespmem:s9+$0x10]  }
0x3a1: {  	v54 =	vmul.f32 s1, v62;
	v3 =	vmul.f32 v3, v9;
	v0 =	vadd.f32 v1, v0  }
0x3a2: {  	v50 =	vld [tilespmem:s30+$0x20];
	v8 =	vmax.f32 v56, v60;
	v1 =	vand.u32 $0xFFFFFFFC, v57;
	v61 =	vmul.f32 $2.000000030e-01, v2  }
0x3a3: {  	v6 =	vld [tilespmem:s9+$0xFFFFFFA0];
	v3 =	vadd.f32 $0.0e+00, v3;
	v30 =	vadd.f32 v30, v31;
	v49 =	vbroadcast v1, $0x0;
	(xrf2) =	vadd.scan.msk.f32 $0xffff, v0  }
0x3a4: {  	v53 =	vld [tilespmem:s30+$0xFFFFFFA0];
	v1 =	vmul.f32 $2.000000030e-01, v4;
	v0 =	vmax.f32 v2, v61;
	v2 =	vadd.f32 v58, v48  }
0x3a5: {  	v8 =	vmul.f32 v8, v9;
	v57 =	vld [tilespmem:s30+$0xFFFFFFB0];
	v56 =	vmul.f32 $2.000000030e-01, v30;
	v37 =	vadd.f32 v29, v47  }
0x3a6: {  	v58 =	vld [tilespmem:s30+$0xFFFFFF30];
	v0 =	vmul.f32 v0, v9;
	v1 =	vmax.f32 v4, v1;
	v63 =	vmul.f32 $2.000000030e-01, v2  }
0x3a7: {  	v60 =	vpop (erf);
	v5 =	vadd.f32 $0.0e+00, v8;
	v29 =	vld [tilespmem:s9+$0x20];
	v1 =	vmul.f32 v1, v10;
	v61 =	vmul.f32 $2.000000030e-01, v37  }
0x3a8: {  	v62 =	vpop (erf);
	v0 =	vadd.f32 $0.0e+00, v0;
	v2 =	vmax.f32 v2, v63;
	v63 =	vmax.f32 v30, v56;
	v56 =	vld [tilespmem:s30+$0x30]  }
0x3a9: {  	v30 =	vmul.f32 s1, v62;
	v62 =	vld [tilespmem:s30+$0xFFFFFF40];
	v2 =	vmul.f32 v2, v10;
	v4 =	vmax.f32 v37, v61  }
0x3aa: {  	v6 =	vadd.f32 v6, v53;
	v0 =	vadd.f32 v1, v0;
	v1 =	vld [tilespmem:s9+$0xFFFFFF30];
	v4 =	vmul.f32 v4, v10  }
0x3ab: {  	v8 =	vmul.f32 v63, v11;
	v2 =	vadd.f32 v2, v5;
	v5 =	vld [tilespmem:s9+$0xFFFFFFB0]  }
0x3ac: {  	v43 =	vmovc v32;
	v32 =	vmul.f32 $2.000000030e-01, v6;
	v29 =	vadd.f32 v29, v50;
	v3 =	vadd.f32 v4, v3;
	v4 =	vld [tilespmem:s9+$0x30]  }
0x3ad: {  	v37 =	vmul.f32 s1, v60;
	v0 =	vadd.f32 v8, v0;
	v8 =	vld [tilespmem:s9+$0xFFFFFF40];
	v10, _, _ =	vpop (xrf2)  }
0x3ae: {  	v59 =	vld [tilespmem:s30+$0xFFFFFFC0];
	v6 =	vmax.f32 v6, v32;
	v7 =	vmul.f32 $2.000000030e-01, v29;
	v60 =	vmul.f32 $1.442695020e+00, v10  }
0x3af: {  	v9 =	vmul.f32 v54, v23;
	v6 =	vmul.f32 v6, v11;
	v61 =	vld [tilespmem:s30+$0x40];
	v1 =	vadd.f32 v1, v58  }
0x3b0: {  	v7 =	vmax.f32 v29, v7;
	v5 =	vadd.f32 v5, v57;
	v29 =	vbroadcast v60, $0xF;
	v60 =	vld [tilespmem:s9+$0xFFFFFFC0]  }
0x3b1: {  	s28 =	smov.u32 s29;
	v63 =	vld [tilespmem:s30+$0xFFFFFF50];
	v2 =	vadd.f32 v6, v2;
	v6 =	vmul.f32 v7, v11;
	v4 =	vadd.f32 v4, v56  }
0x3b2: {  	[tilespmem:s28+$0xFFFFFF00] =	vst v9;
	v9 =	vld [tilespmem:s30+$0xFFFFFF60];
	v10 =	vmul.f32 $2.000000030e-01, v1;
	v8 =	vadd.f32 v8, v62;
	v32 =	vmul.f32 $2.000000030e-01, v5  }
0x3b3: {  	v7 =	vld [tilespmem:s9+$0x40];
	(erf) = vpow2.f32 v29;
	v29 =	vmul.f32 $2.000000030e-01, v4  }
0x3b4: {  	v1 =	vmax.f32 v1, v10;
	v11 =	vmul.f32 $2.000000030e-01, v8;
	v5 =	vmax.f32 v5, v32;
	v32 =	vld [tilespmem:s9+$0xFFFFFF50]  }
0x3b5: {  	v23 =	vmovc v34;
	v5 =	vmul.f32 v5, v12;
	v4 =	vmax.f32 v4, v29;
	v34 =	vadd.f32 v60, v59;
	v60 =	vld [tilespmem:s30+$0xFFFFFFD0]  }
0x3b6: {  	v1 =	vmul.f32 v1, v12;
	v4 =	vmul.f32 v4, v12;
	v12 =	vld [tilespmem:$0x1FC60]  }
0x3b7: {  	v3 =	vadd.f32 v6, v3;
	v6 =	vmax.f32 v8, v11;
	v2 =	vadd.f32 v5, v2;
	v5 =	vld [tilespmem:s9+$0xFFFFFFD0]  }
0x3b8: {  	v1 =	vadd.f32 v1, v0;
	v0 =	vld [tilespmem:s30+$0x50];
	v6 =	vmul.f32 v6, v13  }
0x3b9: {  	v7 =	vadd.f32 v7, v61;
	v8 =	vmul.f32 $2.000000030e-01, v34;
	v3 =	vadd.f32 v4, v3;
	v4 =	vld [tilespmem:s9+$0x50]  }
0x3ba: {  	s3 =	sadd.s32 s31, s23;
	v1 =	vadd.f32 v6, v1;
	v6 =	vld [tilespmem:s9+$0xFFFFFF60];
	v32 =	vadd.f32 v32, v63  }
0x3bb: {  	p1 =	slt.u32 s3, $0x50910;
	s1 =	simm.f32 $1.000000000e+00;
	v8 =	vmax.f32 v34, v8;
	v29 =	vmul.f32 v54, v12;
	v12 =	vmovc v28;
	v28 =	vmul.f32 $2.000000030e-01, v7  }
0x3bc: {  	s1 =	simm.s32 @!p1 $0x0;
	v8 =	vmul.f32 v8, v13;
	[tilespmem:$0x1FC60] =	vst v12;
	v34 =	vpop (erf);
	v12 =	vmul.f32 v54, v18;
	v5 =	vadd.f32 v5, v60  }
0x3bd: {  	v18 =	vmovc v31;
	v31 =	vmul.f32 $2.000000030e-01, v32;
	[tilespmem:s28+$0xFFFFFF10] =	vst v29;
	v29 =	vld [tilespmem:s30+$0xFFFFFFE0];
	v7 =	vmax.f32 v7, v28;
	v11 =	vmul.f32 s1, v34  }
0x3be: {  	v2 =	vadd.f32 v8, v2;
	v8 =	vld [tilespmem:s9+$0xFFFFFFE0];
	v4 =	vadd.f32 v4, v0;
	v7 =	vmul.f32 v7, v13  }
0x3bf: {  	v6 =	vadd.f32 v6, v9;
	v28 =	vld [tilespmem:s30+$0x60];
	v10 =	vmul.f32 $2.000000030e-01, v5;
	v33 =	vmul.f32 v11, v33  }
0x3c0: {  	v34 =	vld [tilespmem:s30+$0xFFFFFF70];
	[tilespmem:s28+$0xFFFFFF20] =	vst v12;
	v31 =	vmax.f32 v32, v31;
	v32 =	vmul.f32 v11, v35;
	v35 =	vmul.f32 $2.000000030e-01, v4  }
0x3c1: {  	v12 =	vld [tilespmem:s9+$0xFFFFFF70];
	v13 =	vmul.f32 v11, v38;
	v5 =	vmax.f32 v5, v10;
	v10 =	vmul.f32 v11, v55  }
0x3c2: {  	v38 =	vld [tilespmem:s9+$0xFFFFFFF0];
	v3 =	vadd.f32 v7, v3;
	[tilespmem:s30+$0x80] =	vst v33;
	v33 =	vmul.f32 v11, v36;
	v36 =	vmul.f32 v31, v14  }
0x3c3: {  	v7 =	vld [tilespmem:s9+$0x60];
	v4 =	vmax.f32 v4, v35;
	v35 =	vmul.f32 $2.000000030e-01, v6;
	[tilespmem:s30+$0xB0] =	vst v13;
	v13 =	vmul.f32 v11, v51  }
0x3c4: {  	s3 =	sadd.s32 $0x3, s31;
	[tilespmem:s30+$0x90] =	vst v32;
	v32 =	vld [tilespmem:s30+$0xFFFFFFF0];
	v5 =	vmul.f32 v5, v14;
	v8 =	vadd.f32 v8, v29;
	v4 =	vmul.f32 v4, v14  }
0x3c5: {  	[tilespmem:s30+$0xA0] =	vst v33;
	v33 =	vmul.f32 v11, v39;
	v39 =	vmov s3;
	v6 =	vmax.f32 v6, v35  }
0x3c6: {  	v1 =	vadd.f32 v36, v1;
	v2 =	vadd.f32 v5, v2;
	v51 =	vmul.f32 $2.000000030e-01, v8  }
0x3c7: {  	v31 =	vld [tilespmem:s30+$0x70];
	v12 =	vadd.f32 v12, v34;
	v6 =	vmul.f32 v6, v15;
	v3 =	vadd.f32 v4, v3  }
0x3c8: {  	v35 =	vld [tilespmem:s9+$0x70];
	v7 =	vadd.f32 v7, v28;
	[tilespmem:s30+$0xC0] =	vst v33;
	v33 =	vmul.f32 v11, v52;
	v55 =	vmax.f32 v8, v51  }
0x3c9: {  	[tilespmem:s30+$0xD0] =	vst v13;
	v13 =	vmul.f32 $2.000000030e-01, v12;
	v14 =	vadd.f32 v38, v32;
	v51 =	vmul.f32 v54, v20  }
0x3ca: {  	[tilespmem:s30+$0xF0] =	vst v10;
	v20 =	vmovc v58;
	v58 =	vmul.f32 v54, v26;
	v26 =	vmov v63;
	v63 =	vmul.f32 v37, v43  }
0x3cb: {  	v52 =	vmul.f32 $2.000000030e-01, v7;
	[tilespmem:s30+$0xE0] =	vst v33;
	v5 =	vmul.f32 v55, v15;
	v38 =	vmax.f32 v12, v13  }
0x3cc: {  	s29 =	smov.u32 s30;
	v1 =	vadd.f32 v6, v1;
	s30 =	sadd.s32 $0x200, s30;
	[tilespmem:v39+s4+$0x0] =	vst.idx.msk $0x1, v11;
	v33 =	vmul.f32 $2.000000030e-01, v14;
	v6 =	vmul.f32 v38, v16;
	v38 =	vld [tilespmem:$0x1FC70]  }
0x3cd: {  	s9 =	sadd.s32 $0x200, s9;
	v36 =	vadd.f32 v35, v31;
	[tilespmem:s28+$0xFFFFFF30] =	vst v51;
	v7 =	vmax.f32 v7, v52;
	v52 =	vmul.f32 v54, v25;
	v35 =	vld [tilespmem:s30+$0x90]  }
0x3ce: {  	[tilespmem:s28+$0xFFFFFF50] =	vst v58;
	v2 =	vadd.f32 v5, v2;
	v25 =	vmov v62;
	v62 =	vmul.f32 v54, v27;
	v43 =	vld [tilespmem:s9+$0xA0]  }
0x3cf: {  	v4 =	vmax.f32 v14, v33;
	v39 =	vmul.f32 $2.000000030e-01, v36;
	v33 =	vld [tilespmem:s30+$0x80];
	v51 =	vmovc v48;
	v1 =	vadd.f32 v6, v1;
	[tilespmem:s28+$0xFFFFFF40] =	vst v52  }
0x3d0: {  	v7 =	vmul.f32 v7, v15;
	v13 =	vmov v57;
	v4 =	vmul.f32 v4, v16;
	[tilespmem:$0x1FC70] =	vst v51;
	v52 =	vld [tilespmem:$0x1FCA0]  }
0x3d1: {  	[tilespmem:$0x1FCA0] =	vst v13;
	v5 =	vmax.f32 v36, v39;
	v36 =	vld [tilespmem:$0x1FC40];
	(xrf2) =	vadd.scan.msk.f32 $0xffff, v1;
	v1 =	vmul.f32 v54, v44  }
0x3d2: {  	[tilespmem:s28+$0xFFFFFF60] =	vst v62;
	v3 =	vadd.f32 v7, v3;
	v39 =	vld [tilespmem:$0x1FC90];
	v2 =	vadd.f32 v4, v2;
	v55 =	vmul.f32 v5, v16  }
0x3d3: {  	v12 =	vmov v53;
	v58 =	vmul.f32 v30, v17;
	v53 =	vmul.f32 v30, v24;
	[tilespmem:s28+$0xFFFFFF70] =	vst v1;
	v1 =	vld [tilespmem:$0x1FC50]  }
0x3d4: {  	v48 =	vmul.f32 v30, v40;
	v7 =	vld [tilespmem:s9+$0x80];
	[tilespmem:$0x1FC90] =	vst v12;
	v44 =	vmov v46;
	v3 =	vadd.f32 v55, v3  }
0x3d5: {  	s12 =	sadd.s32 $0x1, s13;
	v62 =	vmul.f32 v37, v42;
	v46 =	vmul.f32 v37, v21;
	v21 =	vmovc v60;
	v60 =	vld [tilespmem:$0x1FC80];
	[tilespmem:$0x1FC40] =	vst v44;
	(xrf2) =	vadd.scan.msk.f32 $0xffff, v2  }
0x3d6: {  	v8 =	vmul.f32 v37, v38;
	v55 =	vmov s12;
	[tilespmem:v49+s4+$0x0] =	vst.idx.msk $0x1, v54;
	v2 =	vmovc v45;
	(xrf2) =	vadd.scan.msk.f32 $0xffff, v3;
	v3 =	vld [tilespmem:$0x1FCB0]  }
0x3d7: {  	p0 =	slt.u32 s15, $0x3C;
	v14 =	vld [tilespmem:s9+$0x90];
	v44 =	vmul.f32 v37, v22;
	s12 =	sadd.s32 $0x2, s13;
	v4 =	vmul.f32 v37, v36;
	[tilespmem:$0x1FC50] =	vst v2;
	v2 =	vand.u32 $0xFFFFFFFD, v55  }
.Ltmp3:
0x3d8: {  	v27 =	vmovc v9;
	v22 =	vmovc v59;
	v38 =	vld [tilespmem:s30+$0xB0];
	[tilespmem:s28+$0xFFFFFF90] =	vst v8;
	v9 =	vmul.f32 v37, v39;
	v59 =	vmul.f32 v30, v1;
	v1 =	vmov s12;
	(pc) =	sbr.rel @p0 .LBB2_9-.Ltmp3, $4  }
0x3d9: {  	v24 =	vmov v0;
	v52 =	vmul.f32 v37, v52;
	v54 =	vmul.f32 v30, v19;
	v36 =	vld [tilespmem:s30+$0xA0];
	[tilespmem:s28+$0xFFFFFF80] =	vst v4  }
0x3da: {  	v49 =	vmul.f32 v30, v41;
	v51 =	vadd.f32 v7, v33;
	v39 =	vld [tilespmem:s30+$0xC0];
	[tilespmem:s28+$0xFFFFFFA0] =	vst v9;
	v45 =	vbroadcast v2, $0x0;
	v2 =	vmovc v56  }
0x3db: {  	v60 =	vmul.f32 v30, v60;
	v55 =	vld [tilespmem:s9+$0xB0];
	v57 =	vmul.f32 v30, v3;
	v3 =	vand.u32 $0xFFFFFFFE, v1;
	[tilespmem:$0x1FCB0] =	vst v2;
	v1 =	vmovc v47  }
0x3dc: {  	v16 =	vmovc v50;
	s13 =	smov.u32 s31;
	s31 =	smov.u32 s15;
	s15 =	sadd.s32 $0x4, s15;
	v19 =	vmovc v61;
	v40 =	vmul.f32 $2.000000030e-01, v51;
	v47 =	vld [tilespmem:s9+$0xC0];
	v50 =	vbroadcast v3, $0x0;
	[tilespmem:$0x1FC80] =	vst v1;
	v1 =	vadd.f32 v14, v35  }
0x3dd: {  	v8 =	vld [tilespmem:s30+$0xD0];
	_ =	sdelay $0x4  }
0x3de: {  	[tilespmem:$0x1FAA0] =	vst v8  }
0x3df: {  	v9 =	vld [tilespmem:s30+$0xE0];
	_ =	sdelay $0x4  }
0x3e0: {  	v4 =	vld [tilespmem:s9+$0xD0];
	[tilespmem:$0x1FAB0] =	vst v9  }
0x3e1: {  	v10 =	vld [tilespmem:s30+$0xF0];
	_ =	sdelay $0x3  }
0x3e2: {  	v41 =	vld [tilespmem:$0x1FFA0]  }
0x3e3: {  	v6 =	vld [tilespmem:s9+$0xE0];
	[tilespmem:$0x1FAC0] =	vst v10  }
0x3e4: {  	v0 =	vmax.f32 v51, v40;
	v3 =	vadd.f32 v43, v36;
	v51 =	vld [tilespmem:s9+$0xF0];
	_ =	sdelay $0x1  }
0x3e5: {  	v2 =	vmul.f32 $2.000000030e-01, v1;
	v14 =	vmul.f32 $2.000000030e-01, v3;
	_ =	sdelay $0x1  }
0x3e6: {  	v43 =	vld [tilespmem:$0x1FFB0];
	v1 =	vmax.f32 v1, v2;
	v5 =	vadd.f32 v55, v38;
	v2 =	vmax.f32 v3, v14  }
0x3e7: {  	v7 =	vadd.f32 v47, v39;
	v47 =	vmul.f32 v2, v41;
	v2 =	vadd.f32 v51, v10;
	v10 =	vld [tilespmem:s30+$0xFFFFFF80];
	_ =	sdelay $0x1  }
0x3e8: {  	v15 =	vld [tilespmem:$0x1FF80];
	v17 =	vmul.f32 $2.000000030e-01, v5;
	v56 =	vmul.f32 $2.000000030e-01, v7  }
0x3e9: {  	v40 =	vld [tilespmem:$0x1FF90]  }
0x3ea: {  	v3 =	vmax.f32 v5, v17;
	v11 =	vmax.f32 v7, v56;
	v56 =	vld [tilespmem:$0x1FFD0]  }
0x3eb: {  	v61 =	vmul.f32 v3, v43;
	v3 =	vld [tilespmem:s9+$0xFFFFFF00];
	[tilespmem:$0x1FB00] =	vst v10  }
0x3ec: {  	v4 =	vadd.f32 v4, v8;
	v6 =	vadd.f32 v6, v9;
	v9 =	vld [tilespmem:s30+$0x0];
	_ =	sdelay $0x1  }
0x3ed: {  	v0 =	vmul.f32 v0, v15;
	v12 =	vmul.f32 $2.000000030e-01, v4  }
0x3ee: {  	v55 =	vld [tilespmem:$0x1FFC0]  }
0x3ef: {  	v1 =	vmul.f32 v1, v40;
	v0 =	vadd.f32 $0.0e+00, v0;
	v4 =	vmax.f32 v4, v12;
	v51 =	vld [tilespmem:$0x1FFE0]  }
0x3f0: {  	v17 =	vmul.f32 v4, v56;
	v4 =	vld [tilespmem:s9+$0xFFFFFF80];
	[tilespmem:$0x1FB20] =	vst v9  }
0x3f1: {  	v0 =	vadd.f32 v1, v0;
	v12 =	vld [tilespmem:s30+$0xFFFFFF00];
	_ =	sdelay $0x1  }
0x3f2: {  	v0 =	vadd.f32 v47, v0;
	v14 =	vmul.f32 $2.000000030e-01, v6;
	_ =	sdelay $0x1  }
0x3f3: {  	v13 =	vmul.f32 v11, v55;
	v0 =	vadd.f32 v61, v0;
	v5 =	vmax.f32 v6, v14  }
0x3f4: {  	v47 =	vmul.f32 v5, v51;
	v5 =	vld [tilespmem:s9+$0x0];
	[tilespmem:$0x1FAD0] =	vst v12  }
0x3f5: {  	v0 =	vadd.f32 v13, v0;
	v13 =	vld [tilespmem:s30+$0xFFFFFF10];
	_ =	sdelay $0x3  }
0x3f6: {  	v42 =	vmul.f32 $2.000000030e-01, v2  }
0x3f7: {  	v11, _, _ =	vpop (xrf2);
	[tilespmem:$0x1FAE0] =	vst v13  }
0x3f8: {  	v0 =	vadd.f32 v17, v0;
	v2 =	vmax.f32 v2, v42;
	v42 =	vmul.f32 $1.442695020e+00, v11;
	v11 =	vld [tilespmem:s30+$0xFFFFFF90];
	_ =	sdelay $0x1  }
0x3f9: {  	v0 =	vadd.f32 v47, v0;
	v47 =	vld [tilespmem:$0x1FFF0];
	_ =	sdelay $0x2  }
0x3fa: {  	v17, _, _ =	vpop (xrf2);
	v7 =	vld [tilespmem:s9+$0xFFFFFF10];
	[tilespmem:$0x1FB10] =	vst v11  }
0x3fb: {  	v6 =	vmul.f32 $1.442695020e+00, v17;
	v17 =	vld [tilespmem:s30+$0x10]  }
0x3fc: {  	v61 =	vmul.f32 v2, v47;
	_ =	sdelay $0x3  }
0x3fd: {  	v0 =	vadd.f32 v61, v0;
	v61, _, _ =	vpop (xrf2);
	v8 =	vld [tilespmem:s9+$0xFFFFFF90];
	[tilespmem:$0x1FB30] =	vst v17  }
0x3fe: {  	v14 =	vbroadcast v42, $0xF;
	v2 =	vmul.f32 $1.442695020e+00, v61;
	v61 =	vld [tilespmem:s30+$0xFFFFFF20]  }
0x3ff: {  	(xrf2) =	vadd.scan.msk.f32 $0xffff, v0  }
0x400: {  	v42 =	vbroadcast v6, $0xF;
	(erf) = vpow2.f32 v14;
	v1 =	vadd.f32 v3, v12  }
0x401: {  	v0 =	vadd.f32 v4, v10;
	v4 =	vadd.f32 v5, v9;
	v2 =	vbroadcast v2, $0xF  }
0x402: {  	(erf) = vpow2.f32 v42;
	v10 =	vmul.f32 $2.000000030e-01, v1  }
0x403: {  	v9 =	vmul.f32 $2.000000030e-01, v4;
	(erf) = vpow2.f32 v2;
	v6 =	vld [tilespmem:s9+$0x10];
	[tilespmem:$0x1FAF0] =	vst v61  }
0x404: {  	v1 =	vmax.f32 v1, v10;
	v3 =	vadd.f32 v7, v13;
	v7 =	vadd.f32 v8, v11;
	v5 =	vld [tilespmem:s9+$0xFFFFFF20]  }
0x405: {  	v1 =	vmul.f32 v1, v15;
	v8 =	vmul.f32 $2.000000030e-01, v0;
	v14 =	vld [tilespmem:s30+$0xFFFFFFA0]  }
0x406: {  	v11 =	vmul.f32 $2.000000030e-01, v3;
	v2 =	vmul.f32 $2.000000030e-01, v7;
	v42 =	vld [tilespmem:s9+$0xFFFFFFA0]  }
0x407: {  	v4 =	vmax.f32 v4, v9;
	v1 =	vadd.f32 $0.0e+00, v1;
	v0 =	vmax.f32 v0, v8;
	v13 =	vld [tilespmem:s30+$0xFFFFFF30]  }
0x408: {  	v3 =	vmax.f32 v3, v11;
	v0 =	vmul.f32 v0, v15;
	v2 =	vmax.f32 v7, v2;
	v7 =	vld [tilespmem:s9+$0xFFFFFF30]  }
0x409: {  	v3 =	vmul.f32 v3, v40;
	v6 =	vadd.f32 v6, v17;
	v17 =	vld [tilespmem:s30+$0xFFFFFFB0];
	v5 =	vadd.f32 v5, v61;
	v61, _, _ =	vpop (xrf2)  }
0x40a: {  	v2 =	vmul.f32 v2, v40;
	v0 =	vadd.f32 $0.0e+00, v0;
	v9 =	vmul.f32 $1.442695020e+00, v61;
	v61 =	vld [tilespmem:s9+$0xFFFFFFB0]  }
0x40b: {  	v11 =	vmul.f32 $2.000000030e-01, v5  }
0x40c: {  	v3 =	vadd.f32 v3, v1;
	v12 =	vld [tilespmem:s30+$0x20];
	[tilespmem:s28+$0xFFFFFFB0] =	vst v52;
	v0 =	vadd.f32 v2, v0  }
0x40d: {  	v8 =	vld [tilespmem:s9+$0x20];
	[tilespmem:s28+$0xFFFFFFC0] =	vst v44;
	v10 =	vmul.f32 $2.000000030e-01, v6;
	v2 =	vmax.f32 v5, v11;
	v5 =	vadd.f32 v42, v14  }
0x40e: {  	v1 =	vmul.f32 v4, v15;
	[tilespmem:s28+$0xFFFFFFD0] =	vst v46;
	v7 =	vadd.f32 v7, v13;
	v15 =	vbroadcast v9, $0xF  }
0x40f: {  	[tilespmem:s28+$0xFFFFFFE0] =	vst v62;
	v6 =	vmax.f32 v6, v10;
	v10 =	vadd.f32 v61, v17;
	v61 =	vmovc v17;
	v17 =	vmul.f32 $2.000000030e-01, v5  }
0x410: {  	v52 =	vld [tilespmem:s30+$0x30];
	[tilespmem:s28+$0xFFFFFFF0] =	vst v63;
	v62 =	vmul.f32 $2.000000030e-01, v7;
	(erf) = vpow2.f32 v15  }
0x411: {  	[tilespmem:v45+s4+$0x0] =	vst.idx.msk $0x1, v37;
	v37 =	vld [tilespmem:s30+$0xFFFFFFC0];
	v63 =	vmax.f32 v5, v17;
	v17 =	vmul.f32 $2.000000030e-01, v10  }
0x412: {  	v8 =	vadd.f32 v8, v12;
	v9 =	vld [tilespmem:s9+$0x30];
	v7 =	vmax.f32 v7, v62  }
0x413: {  	v62 =	vld [tilespmem:s9+$0xFFFFFFC0];
	v2 =	vmul.f32 v2, v41;
	v7 =	vmul.f32 v7, v43;
	v5 =	vmax.f32 v10, v17  }
0x414: {  	v44 =	vadd.f32 $0.0e+00, v1;
	v1 =	vld [tilespmem:s30+$0xFFFFFF40];
	[tilespmem:s28+$0x0] =	vst v59;
	v6 =	vmul.f32 v6, v40;
	v40 =	vmul.f32 $2.000000030e-01, v8  }
0x415: {  	v59 =	vld [tilespmem:s9+$0xFFFFFF50];
	[tilespmem:s28+$0x10] =	vst v60;
	v2 =	vadd.f32 v2, v3;
	v3 =	vmul.f32 v63, v41  }
0x416: {  	[tilespmem:s28+$0x20] =	vst v58;
	v60 =	vld [tilespmem:s9+$0xFFFFFF60];
	v4 =	vadd.f32 v6, v44;
	v6 =	vmax.f32 v8, v40;
	v63 =	vmul.f32 v5, v43;
	v5 =	vpop (erf)  }
0x417: {  	s3 =	sadd.s32 s31, s23;
	[tilespmem:s28+$0x30] =	vst v57;
	v44 =	vld [tilespmem:s30+$0xFFFFFF50];
	v6 =	vmul.f32 v6, v41;
	v2 =	vadd.f32 v7, v2;
	v0 =	vadd.f32 v3, v0;
	v7 =	vpop (erf)  }
0x418: {  	s15 =	simm.f32 $1.000000000e+00;
	p0 =	slt.u32 s3, $0x50910;
	[tilespmem:s28+$0x40] =	vst v54;
	v15 =	vmov v12;
	v12 =	vld [tilespmem:s9+$0xFFFFFF40];
	v40 =	vadd.f32 v9, v52;
	v9 =	vadd.f32 v62, v37;
	v45 =	vpop (erf)  }
0x419: {  	s15 =	simm.s32 @!p0 $0x0;
	[tilespmem:s28+$0x50] =	vst v53;
	v3 =	vadd.f32 v6, v4;
	v4 =	vadd.f32 v63, v0;
	v0 =	vld [tilespmem:s30+$0xFFFFFF60];
	v62 =	vpop (erf)  }
0x41a: {  	[tilespmem:s28+$0x60] =	vst v48;
	v54 =	vmul.f32 s15, v62  }
0x41b: {  	[tilespmem:s28+$0x70] =	vst v49  }
0x41c: {  	[tilespmem:v50+s4+$0x0] =	vst.idx.msk $0x1, v30;
	v33 =	vmul.f32 v54, v33  }
0x41d: {  	v42 =	vadd.f32 v12, v1;
	v12 =	vadd.f32 v59, v44;
	v59 =	vmul.f32 v54, v35  }
0x41e: {  	v46 =	vmul.f32 $2.000000030e-01, v40;
	v11 =	vadd.f32 v60, v0;
	v60 =	vmul.f32 v54, v36;
	[tilespmem:s30+$0x80] =	vst v33  }
0x41f: {  	v62 =	vmul.f32 v54, v38;
	[tilespmem:s30+$0x90] =	vst v59  }
0x420: {  	v17 =	vmax.f32 v40, v46;
	v40 =	vmul.f32 $2.000000030e-01, v42;
	[tilespmem:s30+$0xA0] =	vst v60  }
0x421: {  	[tilespmem:s30+$0xB0] =	vst v62  }
0x422: {  	v8 =	vmax.f32 v42, v40;
	v40 =	vld [tilespmem:$0x1FAA0];
	_ =	sdelay $0x1  }
0x423: {  	v63 =	vmul.f32 $2.000000030e-01, v9;
	_ =	sdelay $0x1  }
0x424: {  	v41 =	vmov s13;
	v9 =	vmax.f32 v9, v63;
	v63 =	vmul.f32 v54, v39  }
0x425: {  	v57 =	vld [tilespmem:s9+$0xFFFFFFD0];
	v42 =	vand.u32 $0xFFFFFFFC, v41;
	v41 =	vmul.f32 v54, v40  }
0x426: {  	v46 =	vld [tilespmem:s30+$0xFFFFFFD0];
	[tilespmem:s30+$0xC0] =	vst v63  }
0x427: {  	v6 =	vmul.f32 v17, v43;
	v43 =	vld [tilespmem:$0x1FAB0];
	[tilespmem:s30+$0xD0] =	vst v41  }
0x428: {  	v58 =	vmul.f32 $2.000000030e-01, v12;
	v59 =	vld [tilespmem:$0x1FAC0]  }
0x429: {  	v53 =	vld [tilespmem:s30+$0xFFFFFF70];
	v5 =	vmul.f32 s1, v5  }
0x42a: {  	s28 =	sadd.s32 $0x3, s31;
	v17 =	vld [tilespmem:s9+$0xFFFFFF70];
	v12 =	vmax.f32 v12, v58  }
0x42b: {  	v49 =	vmul.f32 v5, v23;
	v8 =	vmul.f32 v8, v55;
	v36 =	vmov s28  }
0x42c: {  	v39 =	vadd.f32 v57, v46;
	v23 =	vmul.f32 $2.000000030e-01, v11;
	v57 =	vmul.f32 v54, v43  }
0x42d: {  	v12 =	vmul.f32 v12, v56;
	v2 =	vadd.f32 v8, v2;
	v60 =	vmul.f32 v54, v59  }
0x42e: {  	v30 =	vld [tilespmem:s30+$0x40];
	v62 =	vmul.f32 $2.000000030e-01, v39;
	v11 =	vmax.f32 v11, v23;
	[tilespmem:s30+$0xE0] =	vst v57  }
0x42f: {  	v10 =	vadd.f32 v17, v53;
	v2 =	vadd.f32 v12, v2;
	v33 =	vld [tilespmem:s30+$0x50];
	v11 =	vmul.f32 v11, v51;
	[tilespmem:s30+$0xF0] =	vst v60  }
0x430: {  	v38 =	vmax.f32 v39, v62;
	v63 =	vld [tilespmem:$0x1FC60]  }
0x431: {  	v58 =	vmul.f32 $2.000000030e-01, v10;
	v62 =	vmul.f32 v5, v20;
	v2 =	vadd.f32 v11, v2;
	v11 =	vld [tilespmem:s9+$0x50];
	[tilespmem:v36+s4+$0x0] =	vst.idx.msk $0x1, v54  }
0x432: {  	v50 =	vld [tilespmem:s9+$0xFFFFFFE0];
	v3 =	vadd.f32 v6, v3;
	v25 =	vmul.f32 v5, v25;
	v6 =	vbroadcast v42, $0x0;
	[tilespmem:s29+$0xFFFFFF00] =	vst v49  }
0x433: {  	v42 =	vld [tilespmem:s30+$0xFFFFFFE0];
	v10 =	vmax.f32 v10, v58;
	v58 =	vmul.f32 v38, v56;
	v38 =	vmul.f32 v5, v27;
	[tilespmem:s29+$0xFFFFFF30] =	vst v62  }
0x434: {  	v17 =	vld [tilespmem:s30+$0x60];
	v41 =	vmul.f32 v5, v34;
	[tilespmem:s29+$0xFFFFFF40] =	vst v25  }
0x435: {  	v8 =	vld [tilespmem:s9+$0x40];
	[tilespmem:s29+$0xFFFFFF60] =	vst v38;
	v23 =	vmul.f32 v5, v63  }
0x436: {  	v11 =	vadd.f32 v11, v33;
	v49 =	vmul.f32 v5, v18;
	v54 =	vld [tilespmem:s9+$0x60];
	[tilespmem:s29+$0xFFFFFF70] =	vst v41  }
0x437: {  	v35 =	vld [tilespmem:s30+$0xFFFFFFF0];
	[tilespmem:s29+$0xFFFFFF10] =	vst v23;
	v23 =	vmul.f32 v5, v26  }
0x438: {  	v12 =	vld [tilespmem:s9+$0xFFFFFFF0];
	v57 =	vadd.f32 v50, v42;
	v39 =	vmul.f32 $2.000000030e-01, v11;
	[tilespmem:s29+$0xFFFFFF20] =	vst v49  }
0x439: {  	v10 =	vmul.f32 v10, v47;
	[tilespmem:s29+$0xFFFFFF50] =	vst v23  }
0x43a: {  	v8 =	vadd.f32 v8, v30;
	v11 =	vmax.f32 v11, v39;
	v59 =	vmul.f32 $2.000000030e-01, v57;
	[tilespmem:v6+s4+$0x0] =	vst.idx.msk $0x1, v5  }
0x43b: {  	v2 =	vadd.f32 v10, v2;
	v10 =	vadd.f32 v54, v17;
	v54 =	vmul.f32 v11, v56;
	v56 =	vld [tilespmem:$0x1FC40]  }
0x43c: {  	v9 =	vmul.f32 v9, v55;
	v48 =	vmul.f32 $2.000000030e-01, v8;
	v36 =	vmax.f32 v57, v59;
	v57 =	vld [tilespmem:$0x1FC70]  }
0x43d: {  	v12 =	vadd.f32 v12, v35;
	v40 =	vld [tilespmem:s30+$0x70]  }
0x43e: {  	v4 =	vadd.f32 v9, v4;
	v8 =	vmax.f32 v8, v48;
	v48 =	vmul.f32 s1, v7;
	v60 =	vld [tilespmem:s9+$0x70]  }
0x43f: {  	v63 =	vmul.f32 $2.000000030e-01, v12;
	v59 =	vld [tilespmem:$0x1FC90]  }
0x440: {  	v4 =	vadd.f32 v58, v4;
	v36 =	vmul.f32 v36, v51;
	v6 =	vmul.f32 v48, v56  }
0x441: {  	v9 =	vmax.f32 v12, v63;
	v7 =	vmul.f32 v48, v57  }
0x442: {  	v4 =	vadd.f32 v36, v4;
	v9 =	vmul.f32 v9, v47;
	[tilespmem:s29+$0xFFFFFF80] =	vst v6  }
0x443: {  	s12 =	sadd.s32 $0x1, s13;
	(xrf2) =	vadd.scan.msk.f32 $0xffff, v2;
	v8 =	vmul.f32 v8, v55;
	v2 =	vadd.f32 v60, v40;
	[tilespmem:s29+$0xFFFFFF90] =	vst v7  }
0x444: {  	v60 =	vmov s12;
	v4 =	vadd.f32 v9, v4;
	v9 =	vmul.f32 v48, v59;
	v7 =	vld [tilespmem:$0x1FCA0]  }
0x445: {  	v62 =	vmul.f32 v48, v22;
	v11 =	vmul.f32 v48, v21;
	v6 =	vand.u32 $0xFFFFFFFD, v60  }
0x446: {  	v43 =	vmul.f32 $2.000000030e-01, v10;
	[tilespmem:s29+$0xFFFFFFA0] =	vst v9;
	v63 =	vbroadcast v6, $0x0  }
0x447: {  	v3 =	vadd.f32 v8, v3;
	v12 =	vmul.f32 v48, v29;
	[tilespmem:s29+$0xFFFFFFC0] =	vst v62  }
0x448: {  	v20 =	vmul.f32 v48, v32;
	v49 =	vmul.f32 $2.000000030e-01, v2;
	v50 =	vmax.f32 v10, v43;
	[tilespmem:s29+$0xFFFFFFD0] =	vst v11  }
0x449: {  	v3 =	vadd.f32 v54, v3;
	v55 =	vmul.f32 v50, v51;
	[tilespmem:s29+$0xFFFFFFE0] =	vst v12;
	v7 =	vmul.f32 v48, v7  }
0x44a: {  	v2 =	vmax.f32 v2, v49;
	[tilespmem:s29+$0xFFFFFFF0] =	vst v20  }
0x44b: {  	v2 =	vmul.f32 v2, v47;
	v3 =	vadd.f32 v55, v3;
	[tilespmem:s29+$0xFFFFFFB0] =	vst v7  }
0x44c: {  	v21 =	vld [tilespmem:$0x1FC50];
	[tilespmem:v63+s4+$0x0] =	vst.idx.msk $0x1, v48  }
0x44d: {  	v2 =	vadd.f32 v2, v3;
	v3 =	vld [tilespmem:$0x1FC80];
	_ =	sdelay $0x1  }
0x44e: {  	v18 =	vmul.f32 s1, v45  }
0x44f: {  	(xrf2) =	vadd.scan.msk.f32 $0xffff, v4  }
0x450: {  	v58, _, _ =	vpop (xrf2);
	(xrf2) =	vadd.scan.msk.f32 $0xffff, v2;
	v2 =	vmul.f32 v18, v21  }
0x451: {  	v8 =	vmul.f32 $1.442695020e+00, v58;
	v3 =	vmul.f32 v18, v3  }
0x452: {  	[tilespmem:s29+$0x0] =	vst v2  }
0x453: {  	v9 =	vbroadcast v8, $0xF;
	[tilespmem:s29+$0x10] =	vst v3  }
0x454: {  	s28 =	sadd.s32 $0x2, s13;
	v25 =	vmul.f32 v18, v16;
	v3 =	vld [tilespmem:$0x1FCB0]  }
0x455: {  	v26 =	vmul.f32 v18, v19;
	v23 =	vmov s28;
	(erf) = vpow2.f32 v9  }
0x456: {  	v27 =	vmul.f32 v18, v24;
	v2 =	vand.u32 $0xFFFFFFFE, v23;
	[tilespmem:s29+$0x20] =	vst v25  }
0x457: {  	v28 =	vmul.f32 v18, v28;
	v2 =	vbroadcast v2, $0x0;
	[tilespmem:s29+$0x40] =	vst v26  }
0x458: {  	v31 =	vmul.f32 v18, v31;
	[tilespmem:s29+$0x50] =	vst v27  }
0x459: {  	[tilespmem:s29+$0x60] =	vst v28;
	v3 =	vmul.f32 v18, v3  }
0x45a: {  	v22, _, _ =	vpop (xrf2);
	[tilespmem:s29+$0x70] =	vst v31  }
0x45b: {  	v4 =	vmul.f32 $1.442695020e+00, v22;
	[tilespmem:s29+$0x30] =	vst v3  }
0x45c: {  	v5 =	vld [tilespmem:$0x1FAD0]  }
0x45d: {  	v4 =	vbroadcast v4, $0xF;
	[tilespmem:v2+s4+$0x0] =	vst.idx.msk $0x1, v18  }
0x45e: {  	v29 =	vpop (erf);
	v36 =	vld [tilespmem:$0x1FAE0]  }
0x45f: {  	(erf) = vpow2.f32 v4;
	v4 =	vmul.f32 s15, v29;
	_ =	sdelay $0x1  }
0x460: {  	v5 =	vmul.f32 v4, v5;
	_ =	sdelay $0x1  }
0x461: {  	v3 =	vmul.f32 v4, v36;
	[tilespmem:s30+$0xFFFFFF00] =	vst v5  }
0x462: {  	v41 =	vmul.f32 v4, v13;
	v6 =	vld [tilespmem:$0x1FAF0]  }
0x463: {  	v1 =	vmul.f32 v4, v1;
	[tilespmem:s30+$0xFFFFFF10] =	vst v3  }
0x464: {  	v43 =	vmul.f32 v4, v44;
	[tilespmem:s30+$0xFFFFFF30] =	vst v41  }
0x465: {  	v0 =	vmul.f32 v4, v0;
	[tilespmem:s30+$0xFFFFFF40] =	vst v1  }
0x466: {  	v32, _, _ =	vpop (xrf2);
	v45 =	vmul.f32 v4, v53;
	[tilespmem:s30+$0xFFFFFF50] =	vst v43  }
0x467: {  	v38 =	vmov s31;
	v34 =	vmul.f32 $1.442695020e+00, v32;
	[tilespmem:s30+$0xFFFFFF60] =	vst v0;
	v6 =	vmul.f32 v4, v6  }
0x468: {  	v39 =	vand.u32 $0xFFFFFFFC, v38;
	[tilespmem:s30+$0xFFFFFF70] =	vst v45  }
0x469: {  	v2 =	vbroadcast v34, $0xF;
	v3 =	vbroadcast v39, $0x0;
	[tilespmem:s30+$0xFFFFFF20] =	vst v6  }
0x46a: {  	v0 =	vld [tilespmem:$0x1FB00]  }
0x46b: {  	v44 =	vpop (erf);
	(erf) = vpow2.f32 v2  }
0x46c: {  	v1 =	vmul.f32 s15, v44;
	_ =	sdelay $0x1  }
0x46d: {  	v47 =	vmul.f32 v1, v14  }
0x46e: {  	s29 =	sadd.s32 $0x1, s31;
	[tilespmem:v3+s4+$0x0] =	vst.idx.msk $0x1, v4;
	v0 =	vmul.f32 v1, v0  }
0x46f: {  	v48 =	vmov s29;
	v49 =	vmul.f32 v1, v61;
	v2 =	vld [tilespmem:$0x1FB10];
	[tilespmem:s30+$0xFFFFFFA0] =	vst v47  }
0x470: {  	v50 =	vmul.f32 v1, v37;
	[tilespmem:s30+$0xFFFFFF80] =	vst v0;
	v0 =	vand.u32 $0xFFFFFFFD, v48  }
0x471: {  	v51 =	vmul.f32 v1, v46;
	[tilespmem:s30+$0xFFFFFFB0] =	vst v49;
	v0 =	vbroadcast v0, $0x0  }
0x472: {  	v54 =	vmul.f32 v1, v42;
	[tilespmem:s30+$0xFFFFFFC0] =	vst v50  }
0x473: {  	v56 =	vmul.f32 v1, v35;
	v53 =	vpop (erf);
	[tilespmem:s30+$0xFFFFFFD0] =	vst v51  }
0x474: {  	v55 =	vmul.f32 s15, v53;
	[tilespmem:s30+$0xFFFFFFE0] =	vst v54;
	v2 =	vmul.f32 v1, v2  }
0x475: {  	[tilespmem:s30+$0xFFFFFFF0] =	vst v56  }
0x476: {  	v58 =	vmul.f32 v55, v15;
	[tilespmem:s30+$0xFFFFFF90] =	vst v2  }
0x477: {  	s31 =	sadd.s32 $0x2, s31;
	v59 =	vmul.f32 v55, v52;
	v3 =	vld [tilespmem:$0x1FB20];
	[tilespmem:v0+s4+$0x0] =	vst.idx.msk $0x1, v1  }
0x478: {  	v57 =	vmov s31;
	v60 =	vmul.f32 v55, v30;
	v0 =	vld [tilespmem:$0x1FB30];
	[tilespmem:s30+$0x20] =	vst v58  }
0x479: {  	v61 =	vmul.f32 v55, v33;
	v1 =	vand.u32 $0xFFFFFFFE, v57;
	[tilespmem:s30+$0x30] =	vst v59  }
0x47a: {  	v62 =	vmul.f32 v55, v17;
	v1 =	vbroadcast v1, $0x0;
	[tilespmem:s30+$0x40] =	vst v60  }
0x47b: {  	v63 =	vmul.f32 v55, v40;
	[tilespmem:s30+$0x50] =	vst v61  }
0x47c: {  	v3 =	vmul.f32 v55, v3;
	[tilespmem:s30+$0x60] =	vst v62  }
0x47d: {  	[tilespmem:s30+$0x70] =	vst v63;
	v0 =	vmul.f32 v55, v0  }
0x47e: {  	[tilespmem:s30+$0x0] =	vst v3  }
0x47f: {  	[tilespmem:s30+$0x10] =	vst v0  }
0x480: {  	[tilespmem:v1+s4+$0x0] =	vst.idx.msk $0x1, v55  }
0x481: {  	v0 =	vld [tilespmem:$0x180];
	_ =	sdelay $0x2  }
0x482: {  	v1 =	vld [tilespmem:$0xAA00];
	_ =	sdelay $0x4  }
0x483: {  	[tilespmem:v0+s16+$0x0] =	vst.idx.add.f32.msk $0xffff, v1  }
0x484: {  	v0 =	vld [tilespmem:$0x190];
	_ =	sdelay $0x2  }
0x485: {  	v1 =	vld [tilespmem:$0xAA10];
	_ =	sdelay $0x4  }
0x486: {  	[tilespmem:v0+s16+$0x0] =	vst.idx.add.f32.msk $0xffff, v1  }
0x487: {  	v0 =	vld [tilespmem:$0x1A0];
	_ =	sdelay $0x2  }
0x488: {  	v1 =	vld [tilespmem:$0xAA20];
	_ =	sdelay $0x4  }
0x489: {  	[tilespmem:v0+s16+$0x0] =	vst.idx.add.f32.msk $0xffff, v1  }
0x48a: {  	v0 =	vld [tilespmem:$0x1B0];
	_ =	sdelay $0x2  }
0x48b: {  	v1 =	vld [tilespmem:$0xAA30];
	_ =	sdelay $0x2  }
0x48c: {  	s26 =	sadd.s32 $0x1, s26  }
0x48d: {  	p0 =	sne.s32 s26, $0x51  }
.Ltmp4:
0x48e: {  	s3 =	simm.s32 $0x2200;
	[tilespmem:v0+s16+$0x0] =	vst.idx.add.f32.msk $0xffff, v1;
	(pc) =	sbr.rel @p0 .LBB2_6-.Ltmp4, $4  }
0x48f: {  	[spmem:s24] =	stream.indirect.scatter.add.f32 [tilespmem:s3], [sflag:$0x5], $0x80, s14, s8, $0xb8;
	[tilespmem:$0x1E680] =	vst v63  }
0x490: {  	_ =	swait.ge [sflag:s6], $0x2000  }
0x491: {  	[sflag:s6] =	ssyncset.done $0x0  }
0x492: {  	s25 =	sadd.s32 $0x80, s25;
	s23 =	sadd.s32 $0x80, s23;
	[sflag:s6] =	ssyncadd.s32 $0xFFFFE000  }
0x493: {  	_ =	swait.ge [sflag:s0], $0x2000  }
0x494: {  	[sflag:s0] =	ssyncset.done $0x0  }
0x495: {  	[sflag:s0] =	ssyncadd.s32 $0xFFFFE000  }
0x496: {  	_ =	swait.ge [sflag:s2], $0x2000  }
0x497: {  	[sflag:s2] =	ssyncset.done $0x0  }
0x498: {  	s3 =	simm.s32 $0x400;
	s1 =	rddreg [dreg:$0x1d];
	[sflag:s2] =	ssyncadd.s32 $0xFFFFE000  }
0x499: {  	[hbm4b:s1+s10] =	stream.strided.scatter [tilespmem:s16], [sflag:$0x5], $0x2780, s3, s10, $0x38;
	[tilespmem:$0x1E680] =	vst v63  }
0x49a: {  	_ =	swait.ge [sflag:s6], $0x2780  }
0x49b: {  	[sflag:s6] =	ssyncset.done $0x0  }
0x49c: {  	[sflag:s6] =	ssyncadd.s32 $0xFFFFD880  }
0x49d: {  	s25 =	stileid.u32;
	[bflag:$0x0] =	sbarrier.arrive $0xFFFF  }
0x49e: {  	s1 =	sshll.u32 s25, $0x6;
	s23 =	rddreg [dreg:$0x11]  }
0x49f: {  	s1 =	sor.u32 $0x1C05, s1;
	s9 =	rddreg [dreg:$0x6];
	s26 =	sshrl.u32 s23, $0x3  }
0x4a0: {  	[hbm:s9], [sflag:s1] =	dma.local [spmem:s26], $0x400  }
0x4a1: {  	_ =	swait.ge [sflag:s6], $0x400  }
0x4a2: {  	[sflag:s6] =	ssyncset.done $0x0;
	s25 =	rddreg [dreg:$0x12]  }
0x4a3: {  	s13 =	rddreg [dreg:$0x7];
	[sflag:s6] =	ssyncadd.s32 $0xFFFFFC00;
	s12 =	sshrl.u32 s25, $0x3  }
0x4a4: {  	[hbm:s13], [sflag:s1] =	dma.local [spmem:s12], $0x400  }
0x4a5: {  	_ =	swait.ge [sflag:s6], $0x400  }
0x4a6: {  	[sflag:s6] =	ssyncset.done $0x0;
	s26 =	rddreg [dreg:$0x13]  }
0x4a7: {  	s22 =	rddreg [dreg:$0x8];
	[sflag:s6] =	ssyncadd.s32 $0xFFFFFC00;
	s15 =	sshrl.u32 s26, $0x3  }
0x4a8: {  	[hbm:s22], [sflag:s1] =	dma.local [spmem:s15], $0x400  }
0x4a9: {  	_ =	swait.ge [sflag:s6], $0x400  }
0x4aa: {  	[sflag:s6] =	ssyncset.done $0x0;
	s28 =	rddreg [dreg:$0x14]  }
0x4ab: {  	s13 =	rddreg [dreg:$0x9];
	[sflag:s6] =	ssyncadd.s32 $0xFFFFFC00;
	s12 =	sshrl.u32 s28, $0x3  }
0x4ac: {  	[hbm:s13], [sflag:s1] =	dma.local [spmem:s12], $0x400  }
0x4ad: {  	_ =	swait.ge [sflag:s6], $0x400  }
0x4ae: {  	[sflag:s6] =	ssyncset.done $0x0;
	s29 =	rddreg [dreg:$0x15]  }
0x4af: {  	s22 =	rddreg [dreg:$0xa];
	[sflag:s6] =	ssyncadd.s32 $0xFFFFFC00;
	s15 =	sshrl.u32 s29, $0x3  }
0x4b0: {  	[hbm:s22], [sflag:s1] =	dma.local [spmem:s15], $0x400  }
0x4b1: {  	_ =	swait.ge [sflag:s6], $0x400  }
0x4b2: {  	[sflag:s6] =	ssyncset.done $0x0;
	s12 =	rddreg [dreg:$0x16]  }
0x4b3: {  	s13 =	rddreg [dreg:$0xb];
	[sflag:s6] =	ssyncadd.s32 $0xFFFFFC00;
	s9 =	sshrl.u32 s12, $0x3  }
0x4b4: {  	[hbm:s13], [sflag:s1] =	dma.local [spmem:s9], $0x400  }
0x4b5: {  	_ =	swait.ge [sflag:s6], $0x400  }
0x4b6: {  	[sflag:s6] =	ssyncset.done $0x0;
	s13 =	rddreg [dreg:$0x17]  }
0x4b7: {  	s22 =	rddreg [dreg:$0xc];
	[sflag:s6] =	ssyncadd.s32 $0xFFFFFC00;
	s15 =	sshrl.u32 s13, $0x3  }
0x4b8: {  	[hbm:s22], [sflag:s1] =	dma.local [spmem:s15], $0x400  }
0x4b9: {  	_ =	swait.ge [sflag:s6], $0x400  }
0x4ba: {  	[sflag:s6] =	ssyncset.done $0x0;
	s30 =	rddreg [dreg:$0x18]  }
0x4bb: {  	s22 =	rddreg [dreg:$0xd];
	[sflag:s6] =	ssyncadd.s32 $0xFFFFFC00;
	s15 =	sshrl.u32 s30, $0x3  }
0x4bc: {  	[hbm:s22], [sflag:s1] =	dma.local [spmem:s15], $0x400  }
0x4bd: {  	_ =	swait.ge [sflag:s6], $0x400  }
0x4be: {  	[sflag:s6] =	ssyncset.done $0x0;
	s15 =	rddreg [dreg:$0x19]  }
0x4bf: {  	s22 =	rddreg [dreg:$0xe];
	[sflag:s6] =	ssyncadd.s32 $0xFFFFFC00;
	s9 =	sshrl.u32 s15, $0x3  }
0x4c0: {  	[hbm:s22], [sflag:s1] =	dma.local [spmem:s9], $0x400  }
0x4c1: {  	_ =	swait.ge [sflag:s6], $0x400  }
0x4c2: {  	[sflag:s6] =	ssyncset.done $0x0;
	s31 =	rddreg [dreg:$0x1a]  }
0x4c3: {  	s22 =	rddreg [dreg:$0xf];
	[sflag:s6] =	ssyncadd.s32 $0xFFFFFC00;
	s9 =	sshrl.u32 s31, $0x3  }
0x4c4: {  	[hbm:s22], [sflag:s1] =	dma.local [spmem:s9], $0x380  }
0x4c5: {  	_ =	swait.ge [sflag:s6], $0x380  }
0x4c6: {  	s22 =	rddreg [dreg:$0x5]  }
0x4c7: {  	s9 =	rddreg [dreg:$0x1e];
	s22 =	sadd.s32 $0x1, s22  }
0x4c8: {  	p0 =	sne.s32 s22, s9  }
.Ltmp5:
0x4c9: {  	_ = 	snop;
	(pc) =	sbr.rel @p0 .LBB2_1-.Ltmp5, $3  }
0x4ca: {  	_ =	sdelay $0x1  }
0x4cb: {  	[sflag:s6] =	ssyncset.done $0x0  }
0x4cc: {  	v0 =	vimm.f32 $0.0e+00;
	[sflag:s6] =	ssyncadd.s32 $0xFFFFFC80  }
0x4cd: {  	_ =	sfence.sel $0x180000  }
0x4ce: {  	[bflag:$0x0] =	sbarrier.arrive $0xFFFF  }
0x4cf: {  	_ =	strace $0x90000047  }
0x4d0: {  	s0 =	stileid.u32;
	[bflag:$0x2] =	sbarrier.arrive $0xFFFF  }
0x4d1: {  	p0 =	sne.s32 s0, $0x0;
	s0 =	rddreg [dreg:$0x4]  }
0x4d2: {  	s0 =	sadd.s32 @!p0 $0x100000, s0  }
0x4d3: {  	[sflag:s0] =	ssyncadd.tile.s32 @!p0 $0x1;
	_ =	shalt  }
.Lfunc_end2:
_tile_overlayer_lowered:
.L_overlay_start_2:
0x4d4: {  	(tag) =	ssettag $0x2  }
0x4d5: {  	s0 =	rddreg [dreg:$0x0];
	s2 =	stileid.u32  }
0x4d6: {  	s1 =	rddreg [dreg:$0x1];
	p0 =	sne.s32 s2, $0x0  }
0x4d7: {  	s3 =	rddreg [dreg:$0x2];
	[bflag:$0x3] =	sbarrier.arrive $0xFFFF;
	s2 =	simm.s32 @!p0 $0x1C05  }
0x4d8: {  	[timem:s3], [sflag:s2] =	dma.local @!p0 [hbm:s0], s1  }
0x4d9: {  	s0 =	simm.s32 @!p0 $0x5  }
0x4da: {  	_ =	swait.ge @!p0 [sflag:s0], s1  }
0x4db: {  	s1 =	ssub.s32 @!p0 $0x0, s1;
	[sflag:s0] =	ssyncset.done @!p0 $0x0  }
0x4dc: {  	[sflag:s0] =	ssyncadd.s32 @!p0 s1  }
0x4dd: {  	[bflag:$0x3] =	sbarrier.arrive $0xFFFF  }
0x4de: {  	_ =	shalt  }

</sc_bundles>
